<compile_context>
chip_gen: v7x
topology: tpu7x:2x2x1
jax: 0.10.2.dev20260603
libtpu: 0.0.44.dev20260713+nightly
codegen_flags: <defaults>
</compile_context>

<pallas_src>
import functools

import jax
import jax.numpy as jnp
from jax import lax
from jax.experimental import pallas as pl
from jax.experimental.pallas import tpu as pltpu
from jax.experimental.pallas import tpu_sc as plsc

N_NODES = 10000
N_EDGES = 320000
POS = 3
FE = 128
EA = 16
EH = 32
MD = 16
NH = 256

W = 80
EPT = N_EDGES // 32
EP = N_EDGES // 4
_SUB = 16
_STRIPE = N_NODES // _SUB

def _silu(v):
    return v * jax.nn.sigmoid(v)



def _pre_body(f_ref, wa_ref, wb_ref, a_ref, b_ref):
    f = f_ref[...]
    a_ref[...] = jnp.dot(f, wa_ref[...])
    b_ref[...] = jnp.dot(f, wb_ref[...])


def _pre(feats, wa, wb):
    R = 2000
    return pl.pallas_call(
        _pre_body,
        grid=(N_NODES // R,),
        in_specs=[
            pl.BlockSpec((R, FE), lambda i: (i, 0)),
            pl.BlockSpec((FE, EH), lambda i: (0, 0)),
            pl.BlockSpec((FE, EH), lambda i: (0, 0)),
        ],
        out_specs=[
            pl.BlockSpec((R, EH), lambda i: (i, 0)),
            pl.BlockSpec((R, EH), lambda i: (i, 0)),
        ],
        out_shape=[jax.ShapeDtypeStruct((N_NODES, EH), jnp.float32)] * 2,
    )(feats, wa, wb)



_G = 5
_WPT = EPT // W
_NG = _WPT // _G
_GW = _G * W
_OR = _GW // 4


def _gather(a, b, dst1, src1):
    mesh = plsc.VectorSubcoreMesh(core_axis_name="core", subcore_axis_name="subcore")

    @functools.partial(
        pl.kernel,
        out_type=jax.ShapeDtypeStruct((EP, 4 * EH), jnp.float32),
        mesh=mesh,
        compiler_params=pltpu.CompilerParams(use_tc_tiling_on_sc=False),
        scratch_types=[
            pltpu.VMEM((EPT,), jnp.int32),
            pltpu.VMEM((EPT,), jnp.int32),
            pltpu.VMEM((2, _GW, EH), jnp.float32),
            pltpu.VMEM((2, _GW, EH), jnp.float32),
            pltpu.VMEM((2, _OR, 4 * EH), jnp.float32),
            pltpu.SemaphoreType.DMA,
            pltpu.SemaphoreType.DMA,
            pltpu.SemaphoreType.DMA,
            pltpu.SemaphoreType.DMA,
        ],
    )
    def kern(a_hbm, b_hbm, d_hbm, s_hbm, o_hbm, dbuf, sbuf, abuf, bbuf, obuf,
             sg0, sg1, so0, so1):
        cid = lax.axis_index("core")
        sid = lax.axis_index("subcore")
        tid = cid * _SUB + sid
        ebase = tid * EPT
        obase = tid * (EPT // 4)
        sg = (sg0, sg1)
        so = (so0, so1)

        pltpu.sync_copy(d_hbm.at[pl.ds(ebase, EPT)], dbuf)
        pltpu.sync_copy(s_hbm.at[pl.ds(ebase, EPT)], sbuf)

        def fire(gg, p):
            for wi in range(_G):
                off = gg * _GW + wi * W
                idx_d = dbuf.at[pl.ds(off, W)]
                idx_s = sbuf.at[pl.ds(off, W)]
                pltpu.async_copy(a_hbm.at[idx_d],
                                 abuf.at[p, pl.ds(wi * W, W)], sg[p])
                pltpu.async_copy(b_hbm.at[idx_s],
                                 bbuf.at[p, pl.ds(wi * W, W)], sg[p])

        def reclaim(p):
            pltpu.make_async_copy(
                obuf.at[p], o_hbm.at[pl.ds(0, _OR)], so[p]).wait()

        def process(gg, p, prefetch):
            pltpu.make_async_copy(
                a_hbm.at[pl.ds(0, _GW)], abuf.at[p], sg[p]).wait()
            pltpu.make_async_copy(
                b_hbm.at[pl.ds(0, _GW)], bbuf.at[p], sg[p]).wait()

            @pl.loop(0, _OR)
            def _row(q):
                for l in range(0, 4 * EH, 16):
                    src = (p, pl.ds(q * 4 + l // EH, 1), pl.ds(l % EH, 16))
                    obuf.at[p, pl.ds(q, 1), pl.ds(l, 16)][...] = (
                        abuf.at[src][...] + bbuf.at[src][...])

            if prefetch:
                @pl.when(gg + 2 < _NG)
                def _():
                    fire(gg + 2, p)

            pltpu.async_copy(
                obuf.at[p], o_hbm.at[pl.ds(obase + gg * _OR, _OR)], so[p])

        fire(0, 0)
        fire(1, 1)

        @pl.loop(0, (_NG - 1) // 2)
        def _grp(g):
            for p in range(2):
                @pl.when(g >= 1)
                def _():
                    reclaim(p)
                process(g * 2 + p, p, True)

        reclaim(0)
        process(_NG - 1, 0, False)
        reclaim(1)
        reclaim(0)

    return kern(a, b, dst1, src1)



def _edge_body(eg_ref, ea_ref, wc_ref, b1_ref, w2_ref, b2_ref, o_ref):
    z = eg_ref[...] + jnp.dot(ea_ref[...], wc_ref[...]) + b1_ref[...]
    m1 = _silu(z)
    y = jnp.dot(m1, w2_ref[...]) + b2_ref[...]
    o_ref[...] = _silu(y)


def _edge(eg, ea, wc, b1, w2, b2):
    Be = 8000
    return pl.pallas_call(
        _edge_body,
        grid=(EP // Be,),
        in_specs=[
            pl.BlockSpec((Be, 4 * EH), lambda i: (i, 0)),
            pl.BlockSpec((Be, 4 * EA), lambda i: (i, 0)),
            pl.BlockSpec((4 * EA, 4 * EH), lambda i: (0, 0)),
            pl.BlockSpec((1, 4 * EH), lambda i: (0, 0)),
            pl.BlockSpec((4 * EH, 4 * MD), lambda i: (0, 0)),
            pl.BlockSpec((1, 4 * MD), lambda i: (0, 0)),
        ],
        out_specs=pl.BlockSpec((Be, 4 * MD), lambda i: (i, 0)),
        out_shape=jax.ShapeDtypeStruct((EP, 4 * MD), jnp.float32),
    )(eg, ea, wc, b1, w2, b2)



def _scatter(m2, dst1):
    mesh = plsc.VectorSubcoreMesh(core_axis_name="core", subcore_axis_name="subcore")

    @functools.partial(
        pl.kernel,
        out_type=jax.ShapeDtypeStruct((2, N_NODES, MD), jnp.float32),
        mesh=mesh,
        compiler_params=pltpu.CompilerParams(use_tc_tiling_on_sc=False),
        scratch_types=[
            pltpu.VMEM((_STRIPE, MD), jnp.float32),
            pltpu.VMEM_SHARED((N_NODES, MD), jnp.float32),
            pltpu.VMEM((2, W), jnp.int32),
            pltpu.VMEM((2, W, MD), jnp.float32),
            pltpu.SemaphoreType.DMA,
            pltpu.SemaphoreType.DMA,
        ],
    )
    def kern(m_hbm, d_hbm, o_hbm, zbuf, acc, ibuf, mbuf, sm0, sm1):
        cid = lax.axis_index("core")
        sid = lax.axis_index("subcore")
        tid = cid * _SUB + sid
        ebase = tid * EPT
        sm = (sm0, sm1)

        @pl.loop(0, _STRIPE)
        def _z(r):
            zbuf.at[pl.ds(r, 1), pl.ds(0, MD)][...] = jnp.zeros((1, MD), jnp.float32)

        pltpu.sync_copy(zbuf, acc.at[pl.ds(sid * _STRIPE, _STRIPE)])
        plsc.subcore_barrier()

        def fire(j, p):
            pltpu.async_copy(d_hbm.at[pl.ds(ebase + j * W, W)],
                             ibuf.at[p], sm[p])
            pltpu.async_copy(m_hbm.at[pl.ds(ebase + j * W, W)],
                             mbuf.at[p], sm[p])

        def process(j, p, prefetch):
            pltpu.make_async_copy(
                d_hbm.at[pl.ds(0, W)], ibuf.at[p], sm[p]).wait()
            pltpu.make_async_copy(
                m_hbm.at[pl.ds(0, W)], mbuf.at[p], sm[p]).wait()
            if prefetch:
                @pl.when(j + 2 < _WPT)
                def _():
                    fire(j + 2, p)
            pltpu.sync_copy(mbuf.at[p], acc.at[ibuf.at[p]], add=True)

        fire(0, 0)
        fire(1, 1)

        @pl.loop(0, (_WPT - 1) // 2)
        def _win(g):
            for p in range(2):
                process(g * 2 + p, p, True)

        process(_WPT - 1, 0, False)

        plsc.subcore_barrier()
        pltpu.sync_copy(acc.at[pl.ds(sid * _STRIPE, _STRIPE)],
                        o_hbm.at[cid, pl.ds(sid * _STRIPE, _STRIPE)])

    return kern(m2, dst1)



def _node_body(f_ref, p0_ref, p1_ref, wf_ref, wa_ref, b1_ref, w2_ref, b2_ref, o_ref):
    f = f_ref[...]
    agg = p0_ref[...] + p1_ref[...]
    h = (jnp.dot(f, wf_ref[...])
         + jnp.dot(agg, wa_ref[...])
         + b1_ref[...])
    h = _silu(h)
    o_ref[...] = f + jnp.dot(h, w2_ref[...]) + b2_ref[...]


def _node(feats, p0, p1, wf, wa, b1, w2, b2):
    R = 2000
    return pl.pallas_call(
        _node_body,
        grid=(N_NODES // R,),
        in_specs=[
            pl.BlockSpec((R, FE), lambda i: (i, 0)),
            pl.BlockSpec((R, MD), lambda i: (i, 0)),
            pl.BlockSpec((R, MD), lambda i: (i, 0)),
            pl.BlockSpec((FE, NH), lambda i: (0, 0)),
            pl.BlockSpec((MD, NH), lambda i: (0, 0)),
            pl.BlockSpec((1, NH), lambda i: (0, 0)),
            pl.BlockSpec((NH, FE), lambda i: (0, 0)),
            pl.BlockSpec((1, FE), lambda i: (0, 0)),
        ],
        out_specs=pl.BlockSpec((R, FE), lambda i: (i, 0)),
        out_shape=jax.ShapeDtypeStruct((N_NODES, FE), jnp.float32),
    )(feats, p0, p1, wf, wa, b1, w2, b2)



def kernel(x, edge_index, edge_attr, We1, be1, We2, be2, Wn1, bn1, Wn2, bn2):
    feats = x[:, POS:]
    dst1 = edge_index[1]
    src1 = edge_index[0]

    a, b = _pre(feats, We1[:FE], We1[FE:2 * FE])
    eg = _gather(a, b, dst1, src1)
    eye4 = jnp.eye(4, dtype=jnp.float32)
    m2p = _edge(eg, edge_attr.reshape(EP, 4 * EA),
                jnp.kron(eye4, We1[2 * FE:]),
                jnp.tile(be1, 4).reshape(1, 4 * EH),
                jnp.kron(eye4, We2),
                jnp.tile(be2, 4).reshape(1, 4 * MD))
    parts = _scatter(m2p.reshape(N_EDGES, MD), dst1)
    feats_out = _node(feats, parts[0], parts[1], Wn1[:FE], Wn1[FE:],
                      bn1.reshape(1, NH), Wn2, bn2.reshape(1, FE))
    return jnp.concatenate([x[:, :POS], feats_out], axis=1)

# --- scband reference (transcript-rebuilt; emitter-appended) ---
"""Pipeline reference for scband-egnn-sparse-network-77799037599837 (READ-ONLY COPY).

The authoritative reference and input builder live on the scoring server;
editing this copy changes nothing except your own understanding.
"""

import jax, jax.numpy as jnp
import numpy as np

POS_DIM = 3
FEATS_DIM = 128
EDGE_ATTR_DIM = 16
N_NODES = 10000
N_EDGES = 320000
EDGE_DIM = EDGE_ATTR_DIM + 2 * FEATS_DIM  # 272 (edge_mlp input, mlp_num=2 branch)
EDGE_HID = EDGE_ATTR_DIM * 2             # 32  (edge_input_dim * 2)
M_DIM = EDGE_ATTR_DIM                     # 16  (edge_mlp output = edge_input_dim = m_dim here)
NODE_IN = FEATS_DIM + M_DIM               # 144
NODE_HID = FEATS_DIM * 2                  # 256


def _xavier(key, shape):
    fan_in, fan_out = shape[0], shape[1]
    std = (2.0 / (fan_in + fan_out)) ** 0.5
    return jax.random.normal(key, shape, dtype=jnp.float32) * std


def setup_inputs(seed: int = 0) -> dict:
    key = jax.random.key(seed)
    ks = jax.random.split(key, 8)
    x = jax.random.normal(ks[0], (N_NODES, POS_DIM + FEATS_DIM), dtype=jnp.float32)
    edge_index = jax.random.randint(ks[1], (2, N_EDGES), 0, N_NODES, dtype=jnp.int32)
    edge_attr = jax.random.normal(ks[2], (N_EDGES, EDGE_ATTR_DIM), dtype=jnp.float32)
    We1 = _xavier(ks[3], (EDGE_DIM, EDGE_HID))
    be1 = jnp.zeros((EDGE_HID,), dtype=jnp.float32)
    We2 = _xavier(ks[4], (EDGE_HID, M_DIM))
    be2 = jnp.zeros((M_DIM,), dtype=jnp.float32)
    Wn1 = _xavier(ks[5], (NODE_IN, NODE_HID))
    bn1 = jnp.zeros((NODE_HID,), dtype=jnp.float32)
    Wn2 = _xavier(ks[6], (NODE_HID, FEATS_DIM))
    bn2 = jnp.zeros((FEATS_DIM,), dtype=jnp.float32)
    return {"x": x, "edge_index": edge_index, "edge_attr": edge_attr,
            "We1": We1, "be1": be1, "We2": We2, "be2": be2,
            "Wn1": Wn1, "bn1": bn1, "Wn2": Wn2, "bn2": bn2}


def _silu(v):
    return v * jax.nn.sigmoid(v)


def reference(x, edge_index, edge_attr, We1, be1, We2, be2, Wn1, bn1, Wn2, bn2):
    # EGNN_Sparse forward (update_feats=True, update_coors=False, aggr='add', mlp_num=2,
    # dropout=0 / eval mode):
    coors = x[:, :POS_DIM]
    feats = x[:, POS_DIM:]
    src = edge_index[0]
    dst = edge_index[1]
    # gather endpoint features (SparseCore gather)
    f_i = jnp.take(feats, dst, axis=0)
    f_j = jnp.take(feats, src, axis=0)
    # edge message: edge_mlp(cat(x_i, x_j, edge_attr)) -> [E, m_dim]
    edge_in = jnp.concatenate([f_i, f_j, edge_attr], axis=-1)
    m = _silu(edge_in @ We1 + be1)
    m = _silu(m @ We2 + be2)
    # aggregate messages at destination nodes ('add' aggregation, scatter-add)
    agg = jax.ops.segment_sum(m, dst, num_segments=N_NODES)
    # node update: node_mlp(cat(feats, agg)) with residual connection
    node_in = jnp.concatenate([feats, agg], axis=-1)
    h = _silu(node_in @ Wn1 + bn1)
    h = h @ Wn2 + bn2
    feats_out = feats + h
    return jnp.concatenate([coors, feats_out], axis=-1)

if __name__ == "__main__":
    import jax
    _d = setup_inputs()
    print(jax.jit(kernel)(*tuple(_d.values())))

</pallas_src>

<mosaic_0001>
#map = affine_map<(d0, d1) -> (0, 0)>
#map1 = affine_map<(d0, d1) -> (0)>
#map2 = affine_map<(d0, d1) -> (0, 0, 0)>
module attributes {stable_mosaic.version = 14 : i64} {
  func.func @kern(%arg0: i32, %arg1: i32, %arg2: memref<320000x16xf32, #tpu.memory_space<hbm>>, %arg3: memref<320000xi32, #tpu.memory_space<hbm>>, %arg4: memref<2x10000x16xf32, #tpu.memory_space<hbm>>, %arg5: memref<625x16xf32, #tpu.memory_space<vmem>>, %arg6: memref<10000x16xf32, #tpu.memory_space<vmem_shared>>, %arg7: memref<2x80xi32, #tpu.memory_space<vmem>>, %arg8: memref<2x80x16xf32, #tpu.memory_space<vmem>>, %arg9: memref<!tpu.dma_semaphore, #tpu.memory_space<semaphore_mem>>, %arg10: memref<!tpu.dma_semaphore, #tpu.memory_space<semaphore_mem>>) attributes {dimension_semantics = [#tpu.dimension_semantics<core_parallel>, #tpu.dimension_semantics<subcore_parallel>], iteration_bounds = array<i64: 2, 16>, scalar_prefetch = 0 : i64, scratch_operands = 6 : i64, tpu.core_type = #tpu.core_type<sc_vector_subcore>, window_params = [{transform_indices = #map}, {transform_indices = #map1}, {transform_indices = #map2}]} {
    %mul3A = arith.constant 16 : i32
    %mul3A_0 = arith.muli %arg0, %mul3A : i32
    %add3A = arith.addi %mul3A_0, %arg1 : i32
    %mul3A_1 = arith.constant 10000 : i32
    %mul3A_2 = arith.muli %add3A, %mul3A_1 : i32
    %scan3A = arith.constant 0 : i32
    %scan3A_3 = arith.constant 625 : i32
    %scan3A_4 = arith.addi %scan3A, %scan3A_3 : i32
    %scan3A_5 = arith.constant 1 : i32
    scf.for %scan3A_96 = %scan3A to %scan3A_4 step %scan3A_5  : i32 {
      %mul3A_97 = arith.constant 1 : i32
      %mul3A_98 = arith.muli %scan3A_96, %mul3A_97 : i32
      %add3A_99 = arith.constant 0 : i32
      %add3A_100 = arith.addi %add3A_99, %mul3A_98 : i32
      %broadcast_in_dim3A = arith.constant 0.000000e+00 : f32
      %broadcast_in_dim3A_101 = vector.broadcast %broadcast_in_dim3A : f32 to vector<1x16xf32>
      %swap3A = arith.index_cast %add3A_100 : i32 to index
      %swap3A_102 = arith.constant 0 : index
      %swap3A_103 = tpu.vector_load %arg5[%swap3A, %swap3A_102] {strides = array<i32>} : memref<625x16xf32, #tpu.memory_space<vmem>>, vector<1x16xf32>,
      %swap3A_104 = vector.shape_cast %swap3A_103 : vector<1x16xf32> to vector<1x16xf32>
      %swap3A_105 = vector.shape_cast %broadcast_in_dim3A_101 : vector<1x16xf32> to vector<1x16xf32>
      tpu.vector_store %arg5[%swap3A, %swap3A_102], %swap3A_105 {strides = array<i32>} : memref<625x16xf32, #tpu.memory_space<vmem>>, vector<1x16xf32>,
    }
    %scan3A_6 = arith.constant 625 : i32
    %mul3A_7 = arith.constant 625 : i32
    %mul3A_8 = arith.muli %arg1, %mul3A_7 : i32
    "tpu.region"() ({
      %run_scoped3A_96 = tpu.sem_alloc : memref<!tpu.dma_semaphore, #tpu.memory_space<semaphore_mem>>
      %dma_start3A_97 = arith.constant 0 : i32
      %dma_start3A_98 = tpu.memref_slice %arg6[%mul3A_8, %dma_start3A_97] : memref<10000x16xf32, #tpu.memory_space<vmem_shared>> -> memref<625x16xf32, #tpu.memory_space<vmem_shared>>
      %dma_start3A_99 = arith.constant 0 : i32
      %dma_start3A_100 = tpu.memref_slice %arg6[%mul3A_8, %dma_start3A_99] : memref<10000x16xf32, #tpu.memory_space<vmem_shared>> -> memref<625x16xf32, #tpu.memory_space<vmem_shared>>
      tpu.enqueue_dma source(%arg5 : memref<625x16xf32, #tpu.memory_space<vmem>>) target(%dma_start3A_100 : memref<625x16xf32, #tpu.memory_space<vmem_shared>>) target_semaphore(%run_scoped3A_96 : memref<!tpu.dma_semaphore, #tpu.memory_space<semaphore_mem>>)
      %dma_wait3A_101 = arith.constant 0 : i32
      %dma_wait3A_102 = tpu.memref_slice %arg6[%mul3A_8, %dma_wait3A_101] : memref<10000x16xf32, #tpu.memory_space<vmem_shared>> -> memref<625x16xf32, #tpu.memory_space<vmem_shared>>
      %dma_wait3A_103 = arith.constant 0 : i32
      %dma_wait3A_104 = tpu.memref_slice %arg6[%mul3A_8, %dma_wait3A_103] : memref<10000x16xf32, #tpu.memory_space<vmem_shared>> -> memref<625x16xf32, #tpu.memory_space<vmem_shared>>
      tpu.wait_dma2 semaphore(%run_scoped3A_96 : memref<!tpu.dma_semaphore, #tpu.memory_space<semaphore_mem>>) src(%arg5 : memref<625x16xf32, #tpu.memory_space<vmem>>) dst(%dma_wait3A_104 : memref<625x16xf32, #tpu.memory_space<vmem_shared>>)
      tpu.yield
    }) : () -> ()
    %barrier3A = arith.constant 0 : index
    tpu.barrier barrier_id(%barrier3A)
    %add3A_9 = arith.constant 0 : i32
    %add3A_10 = arith.addi %mul3A_2, %add3A_9 : i32
    %dma_start3A = arith.constant 0 : i32
    %dma_start3A_11 = arith.constant 0 : i32
    %dma_start3A_12 = tpu.memref_slice %arg7[%dma_start3A, %dma_start3A_11] : memref<2x80xi32, #tpu.memory_space<vmem>> -> memref<1x80xi32, #tpu.memory_space<vmem>>
    %dma_start3A_13 = tpu.memref_squeeze %dma_start3A_12 : memref<1x80xi32, #tpu.memory_space<vmem>> -> memref<80xi32, #tpu.memory_space<vmem>>
    %dma_start3A_14 = tpu.memref_slice %arg3[%add3A_10] : memref<320000xi32, #tpu.memory_space<hbm>> -> memref<80xi32, #tpu.memory_space<hbm>>
    %dma_start3A_15 = arith.constant 0 : i32
    %dma_start3A_16 = tpu.memref_slice %arg7[%dma_start3A, %dma_start3A_15] : memref<2x80xi32, #tpu.memory_space<vmem>> -> memref<1x80xi32, #tpu.memory_space<vmem>>
    %dma_start3A_17 = tpu.memref_squeeze %dma_start3A_16 : memref<1x80xi32, #tpu.memory_space<vmem>> -> memref<80xi32, #tpu.memory_space<vmem>>
    %dma_start3A_18 = tpu.memref_slice %arg3[%add3A_10] : memref<320000xi32, #tpu.memory_space<hbm>> -> memref<80xi32, #tpu.memory_space<hbm>>
    tpu.enqueue_dma source(%dma_start3A_18 : memref<80xi32, #tpu.memory_space<hbm>>) target(%dma_start3A_17 : memref<80xi32, #tpu.memory_space<vmem>>) target_semaphore(%arg9 : memref<!tpu.dma_semaphore, #tpu.memory_space<semaphore_mem>>)
    %add3A_19 = arith.constant 0 : i32
    %add3A_20 = arith.addi %mul3A_2, %add3A_19 : i32
    %dma_start3A_21 = arith.constant 0 : i32
    %dma_start3A_22 = arith.constant 0 : i32
    %dma_start3A_23 = arith.constant 0 : i32
    %dma_start3A_24 = tpu.memref_slice %arg8[%dma_start3A_21, %dma_start3A_22, %dma_start3A_23] : memref<2x80x16xf32, #tpu.memory_space<vmem>> -> memref<1x80x16xf32, #tpu.memory_space<vmem>>
    %dma_start3A_25 = tpu.memref_squeeze %dma_start3A_24 : memref<1x80x16xf32, #tpu.memory_space<vmem>> -> memref<80x16xf32, #tpu.memory_space<vmem>>
    %dma_start3A_26 = arith.constant 0 : i32
    %dma_start3A_27 = tpu.memref_slice %arg2[%add3A_20, %dma_start3A_26] : memref<320000x16xf32, #tpu.memory_space<hbm>> -> memref<80x16xf32, #tpu.memory_space<hbm>>
    %dma_start3A_28 = arith.constant 0 : i32
    %dma_start3A_29 = arith.constant 0 : i32
    %dma_start3A_30 = tpu.memref_slice %arg8[%dma_start3A_21, %dma_start3A_28, %dma_start3A_29] : memref<2x80x16xf32, #tpu.memory_space<vmem>> -> memref<1x80x16xf32, #tpu.memory_space<vmem>>
    %dma_start3A_31 = tpu.memref_squeeze %dma_start3A_30 : memref<1x80x16xf32, #tpu.memory_space<vmem>> -> memref<80x16xf32, #tpu.memory_space<vmem>>
    %dma_start3A_32 = arith.constant 0 : i32
    %dma_start3A_33 = tpu.memref_slice %arg2[%add3A_20, %dma_start3A_32] : memref<320000x16xf32, #tpu.memory_space<hbm>> -> memref<80x16xf32, #tpu.memory_space<hbm>>
    tpu.enqueue_dma source(%dma_start3A_33 : memref<80x16xf32, #tpu.memory_space<hbm>>) target(%dma_start3A_31 : memref<80x16xf32, #tpu.memory_space<vmem>>) target_semaphore(%arg9 : memref<!tpu.dma_semaphore, #tpu.memory_space<semaphore_mem>>)
    %add3A_34 = arith.constant 80 : i32
    %add3A_35 = arith.addi %mul3A_2, %add3A_34 : i32
    %dma_start3A_36 = arith.constant 1 : i32
    %dma_start3A_37 = arith.constant 0 : i32
    %dma_start3A_38 = tpu.memref_slice %arg7[%dma_start3A_36, %dma_start3A_37] : memref<2x80xi32, #tpu.memory_space<vmem>> -> memref<1x80xi32, #tpu.memory_space<vmem>>
    %dma_start3A_39 = tpu.memref_squeeze %dma_start3A_38 : memref<1x80xi32, #tpu.memory_space<vmem>> -> memref<80xi32, #tpu.memory_space<vmem>>
    %dma_start3A_40 = tpu.memref_slice %arg3[%add3A_35] : memref<320000xi32, #tpu.memory_space<hbm>> -> memref<80xi32, #tpu.memory_space<hbm>>
    %dma_start3A_41 = arith.constant 0 : i32
    %dma_start3A_42 = tpu.memref_slice %arg7[%dma_start3A_36, %dma_start3A_41] : memref<2x80xi32, #tpu.memory_space<vmem>> -> memref<1x80xi32, #tpu.memory_space<vmem>>
    %dma_start3A_43 = tpu.memref_squeeze %dma_start3A_42 : memref<1x80xi32, #tpu.memory_space<vmem>> -> memref<80xi32, #tpu.memory_space<vmem>>
    %dma_start3A_44 = tpu.memref_slice %arg3[%add3A_35] : memref<320000xi32, #tpu.memory_space<hbm>> -> memref<80xi32, #tpu.memory_space<hbm>>
    tpu.enqueue_dma source(%dma_start3A_44 : memref<80xi32, #tpu.memory_space<hbm>>) target(%dma_start3A_43 : memref<80xi32, #tpu.memory_space<vmem>>) target_semaphore(%arg10 : memref<!tpu.dma_semaphore, #tpu.memory_space<semaphore_mem>>)
    %add3A_45 = arith.constant 80 : i32
    %add3A_46 = arith.addi %mul3A_2, %add3A_45 : i32
    %dma_start3A_47 = arith.constant 1 : i32
    %dma_start3A_48 = arith.constant 0 : i32
    %dma_start3A_49 = arith.constant 0 : i32
    %dma_start3A_50 = tpu.memref_slice %arg8[%dma_start3A_47, %dma_start3A_48, %dma_start3A_49] : memref<2x80x16xf32, #tpu.memory_space<vmem>> -> memref<1x80x16xf32, #tpu.memory_space<vmem>>
    %dma_start3A_51 = tpu.memref_squeeze %dma_start3A_50 : memref<1x80x16xf32, #tpu.memory_space<vmem>> -> memref<80x16xf32, #tpu.memory_space<vmem>>
    %dma_start3A_52 = arith.constant 0 : i32
    %dma_start3A_53 = tpu.memref_slice %arg2[%add3A_46, %dma_start3A_52] : memref<320000x16xf32, #tpu.memory_space<hbm>> -> memref<80x16xf32, #tpu.memory_space<hbm>>
    %dma_start3A_54 = arith.constant 0 : i32
    %dma_start3A_55 = arith.constant 0 : i32
    %dma_start3A_56 = tpu.memref_slice %arg8[%dma_start3A_47, %dma_start3A_54, %dma_start3A_55] : memref<2x80x16xf32, #tpu.memory_space<vmem>> -> memref<1x80x16xf32, #tpu.memory_space<vmem>>
    %dma_start3A_57 = tpu.memref_squeeze %dma_start3A_56 : memref<1x80x16xf32, #tpu.memory_space<vmem>> -> memref<80x16xf32, #tpu.memory_space<vmem>>
    %dma_start3A_58 = arith.constant 0 : i32
    %dma_start3A_59 = tpu.memref_slice %arg2[%add3A_46, %dma_start3A_58] : memref<320000x16xf32, #tpu.memory_space<hbm>> -> memref<80x16xf32, #tpu.memory_space<hbm>>
    tpu.enqueue_dma source(%dma_start3A_59 : memref<80x16xf32, #tpu.memory_space<hbm>>) target(%dma_start3A_57 : memref<80x16xf32, #tpu.memory_space<vmem>>) target_semaphore(%arg10 : memref<!tpu.dma_semaphore, #tpu.memory_space<semaphore_mem>>)
    %scan3A_60 = arith.constant 0 : i32
    %scan3A_61 = arith.constant 62 : i32
    %scan3A_62 = arith.addi %scan3A_60, %scan3A_61 : i32
    %scan3A_63 = arith.constant 1 : i32
    scf.for %scan3A_96 = %scan3A_60 to %scan3A_62 step %scan3A_63  : i32 {
      %mul3A_97 = arith.constant 1 : i32
      %mul3A_98 = arith.muli %scan3A_96, %mul3A_97 : i32
      %add3A_99 = arith.constant 0 : i32
      %add3A_100 = arith.addi %add3A_99, %mul3A_98 : i32
      %mul3A_101 = arith.constant 2 : i32
      %mul3A_102 = arith.muli %add3A_100, %mul3A_101 : i32
      %add3A_103 = arith.constant 0 : i32
      %add3A_104 = arith.addi %mul3A_102, %add3A_103 : i32
      %dma_wait3A_105 = arith.constant 0 : i32
      %dma_wait3A_106 = arith.constant 0 : i32
      %dma_wait3A_107 = tpu.memref_slice %arg7[%dma_wait3A_105, %dma_wait3A_106] : memref<2x80xi32, #tpu.memory_space<vmem>> -> memref<1x80xi32, #tpu.memory_space<vmem>>
      %dma_wait3A_108 = tpu.memref_squeeze %dma_wait3A_107 : memref<1x80xi32, #tpu.memory_space<vmem>> -> memref<80xi32, #tpu.memory_space<vmem>>
      %dma_wait3A_109 = arith.constant 0 : i32
      %dma_wait3A_110 = tpu.memref_slice %arg3[%dma_wait3A_109] : memref<320000xi32, #tpu.memory_space<hbm>> -> memref<80xi32, #tpu.memory_space<hbm>>
      %dma_wait3A_111 = arith.constant 0 : i32
      %dma_wait3A_112 = tpu.memref_slice %arg7[%dma_wait3A_105, %dma_wait3A_111] : memref<2x80xi32, #tpu.memory_space<vmem>> -> memref<1x80xi32, #tpu.memory_space<vmem>>
      %dma_wait3A_113 = tpu.memref_squeeze %dma_wait3A_112 : memref<1x80xi32, #tpu.memory_space<vmem>> -> memref<80xi32, #tpu.memory_space<vmem>>
      %dma_wait3A_114 = arith.constant 0 : i32
      %dma_wait3A_115 = tpu.memref_slice %arg3[%dma_wait3A_114] : memref<320000xi32, #tpu.memory_space<hbm>> -> memref<80xi32, #tpu.memory_space<hbm>>
      tpu.wait_dma2 semaphore(%arg9 : memref<!tpu.dma_semaphore, #tpu.memory_space<semaphore_mem>>) src(%dma_wait3A_115 : memref<80xi32, #tpu.memory_space<hbm>>) dst(%dma_wait3A_113 : memref<80xi32, #tpu.memory_space<vmem>>)
      %dma_wait3A_116 = arith.constant 0 : i32
      %dma_wait3A_117 = arith.constant 0 : i32
      %dma_wait3A_118 = arith.constant 0 : i32
      %dma_wait3A_119 = tpu.memref_slice %arg8[%dma_wait3A_116, %dma_wait3A_117, %dma_wait3A_118] : memref<2x80x16xf32, #tpu.memory_space<vmem>> -> memref<1x80x16xf32, #tpu.memory_space<vmem>>
      %dma_wait3A_120 = tpu.memref_squeeze %dma_wait3A_119 : memref<1x80x16xf32, #tpu.memory_space<vmem>> -> memref<80x16xf32, #tpu.memory_space<vmem>>
      %dma_wait3A_121 = arith.constant 0 : i32
      %dma_wait3A_122 = arith.constant 0 : i32
      %dma_wait3A_123 = tpu.memref_slice %arg2[%dma_wait3A_121, %dma_wait3A_122] : memref<320000x16xf32, #tpu.memory_space<hbm>> -> memref<80x16xf32, #tpu.memory_space<hbm>>
      %dma_wait3A_124 = arith.constant 0 : i32
      %dma_wait3A_125 = arith.constant 0 : i32
      %dma_wait3A_126 = tpu.memref_slice %arg8[%dma_wait3A_116, %dma_wait3A_124, %dma_wait3A_125] : memref<2x80x16xf32, #tpu.memory_space<vmem>> -> memref<1x80x16xf32, #tpu.memory_space<vmem>>
      %dma_wait3A_127 = tpu.memref_squeeze %dma_wait3A_126 : memref<1x80x16xf32, #tpu.memory_space<vmem>> -> memref<80x16xf32, #tpu.memory_space<vmem>>
      %dma_wait3A_128 = arith.constant 0 : i32
      %dma_wait3A_129 = arith.constant 0 : i32
      %dma_wait3A_130 = tpu.memref_slice %arg2[%dma_wait3A_128, %dma_wait3A_129] : memref<320000x16xf32, #tpu.memory_space<hbm>> -> memref<80x16xf32, #tpu.memory_space<hbm>>
      tpu.wait_dma2 semaphore(%arg9 : memref<!tpu.dma_semaphore, #tpu.memory_space<semaphore_mem>>) src(%dma_wait3A_130 : memref<80x16xf32, #tpu.memory_space<hbm>>) dst(%dma_wait3A_127 : memref<80x16xf32, #tpu.memory_space<vmem>>)
      %add3A_131 = arith.constant 2 : i32
      %add3A_132 = arith.addi %add3A_104, %add3A_131 : i32
      %lt3A = arith.constant 125 : i32
      %lt3A_133 = arith.cmpi slt, %add3A_132, %lt3A : i32
      %convert_element_type3A = arith.extui %lt3A_133 : i1 to i32
      %cond3A = arith.constant 0 : i32
      %cond3A_134 = arith.cmpi ne, %convert_element_type3A, %cond3A : i32
      scf.if %cond3A_134 {
        %add3A_176 = arith.constant 2 : i32
        %add3A_177 = arith.addi %add3A_104, %add3A_176 : i32
        %mul3A_178 = arith.constant 80 : i32
        %mul3A_179 = arith.muli %add3A_177, %mul3A_178 : i32
        %add3A_180 = arith.addi %mul3A_2, %mul3A_179 : i32
        %dma_start3A_181 = arith.constant 0 : i32
        %dma_start3A_182 = arith.constant 0 : i32
        %dma_start3A_183 = tpu.memref_slice %arg7[%dma_start3A_181, %dma_start3A_182] : memref<2x80xi32, #tpu.memory_space<vmem>> -> memref<1x80xi32, #tpu.memory_space<vmem>>
        %dma_start3A_184 = tpu.memref_squeeze %dma_start3A_183 : memref<1x80xi32, #tpu.memory_space<vmem>> -> memref<80xi32, #tpu.memory_space<vmem>>
        %dma_start3A_185 = tpu.memref_slice %arg3[%add3A_180] : memref<320000xi32, #tpu.memory_space<hbm>> -> memref<80xi32, #tpu.memory_space<hbm>>
        %dma_start3A_186 = arith.constant 0 : i32
        %dma_start3A_187 = tpu.memref_slice %arg7[%dma_start3A_181, %dma_start3A_186] : memref<2x80xi32, #tpu.memory_space<vmem>> -> memref<1x80xi32, #tpu.memory_space<vmem>>
        %dma_start3A_188 = tpu.memref_squeeze %dma_start3A_187 : memref<1x80xi32, #tpu.memory_space<vmem>> -> memref<80xi32, #tpu.memory_space<vmem>>
        %dma_start3A_189 = tpu.memref_slice %arg3[%add3A_180] : memref<320000xi32, #tpu.memory_space<hbm>> -> memref<80xi32, #tpu.memory_space<hbm>>
        tpu.enqueue_dma source(%dma_start3A_189 : memref<80xi32, #tpu.memory_space<hbm>>) target(%dma_start3A_188 : memref<80xi32, #tpu.memory_space<vmem>>) target_semaphore(%arg9 : memref<!tpu.dma_semaphore, #tpu.memory_space<semaphore_mem>>)
        %mul3A_190 = arith.constant 80 : i32
        %mul3A_191 = arith.muli %add3A_177, %mul3A_190 : i32
        %add3A_192 = arith.addi %mul3A_2, %mul3A_191 : i32
        %dma_start3A_193 = arith.constant 0 : i32
        %dma_start3A_194 = arith.constant 0 : i32
        %dma_start3A_195 = arith.constant 0 : i32
        %dma_start3A_196 = tpu.memref_slice %arg8[%dma_start3A_193, %dma_start3A_194, %dma_start3A_195] : memref<2x80x16xf32, #tpu.memory_space<vmem>> -> memref<1x80x16xf32, #tpu.memory_space<vmem>>
        %dma_start3A_197 = tpu.memref_squeeze %dma_start3A_196 : memref<1x80x16xf32, #tpu.memory_space<vmem>> -> memref<80x16xf32, #tpu.memory_space<vmem>>
        %dma_start3A_198 = arith.constant 0 : i32
        %dma_start3A_199 = tpu.memref_slice %arg2[%add3A_192, %dma_start3A_198] : memref<320000x16xf32, #tpu.memory_space<hbm>> -> memref<80x16xf32, #tpu.memory_space<hbm>>
        %dma_start3A_200 = arith.constant 0 : i32
        %dma_start3A_201 = arith.constant 0 : i32
        %dma_start3A_202 = tpu.memref_slice %arg8[%dma_start3A_193, %dma_start3A_200, %dma_start3A_201] : memref<2x80x16xf32, #tpu.memory_space<vmem>> -> memref<1x80x16xf32, #tpu.memory_space<vmem>>
        %dma_start3A_203 = tpu.memref_squeeze %dma_start3A_202 : memref<1x80x16xf32, #tpu.memory_space<vmem>> -> memref<80x16xf32, #tpu.memory_space<vmem>>
        %dma_start3A_204 = arith.constant 0 : i32
        %dma_start3A_205 = tpu.memref_slice %arg2[%add3A_192, %dma_start3A_204] : memref<320000x16xf32, #tpu.memory_space<hbm>> -> memref<80x16xf32, #tpu.memory_space<hbm>>
        tpu.enqueue_dma source(%dma_start3A_205 : memref<80x16xf32, #tpu.memory_space<hbm>>) target(%dma_start3A_203 : memref<80x16xf32, #tpu.memory_space<vmem>>) target_semaphore(%arg9 : memref<!tpu.dma_semaphore, #tpu.memory_space<semaphore_mem>>)
      } else {
      }
      %run_scoped3A_135 = arith.constant 0 : i32
      %run_scoped3A_136 = arith.constant 0 : i32
      "tpu.region"() ({
        %run_scoped3A_176 = tpu.sem_alloc : memref<!tpu.dma_semaphore, #tpu.memory_space<semaphore_mem>>
        %dma_start3A_177 = arith.constant 0 : i32
        %dma_start3A_178 = arith.constant 0 : i32
        %dma_start3A_179 = tpu.memref_slice %arg8[%run_scoped3A_135, %dma_start3A_177, %dma_start3A_178] : memref<2x80x16xf32, #tpu.memory_space<vmem>> -> memref<1x80x16xf32, #tpu.memory_space<vmem>>
        %dma_start3A_180 = tpu.memref_squeeze %dma_start3A_179 : memref<1x80x16xf32, #tpu.memory_space<vmem>> -> memref<80x16xf32, #tpu.memory_space<vmem>>
        %dma_start3A_181 = arith.constant 0 : i32
        %dma_start3A_182 = tpu.memref_slice %arg7[%run_scoped3A_136, %dma_start3A_181] : memref<2x80xi32, #tpu.memory_space<vmem>> -> memref<1x80xi32, #tpu.memory_space<vmem>>
        %dma_start3A_183 = tpu.memref_squeeze %dma_start3A_182 : memref<1x80xi32, #tpu.memory_space<vmem>> -> memref<80xi32, #tpu.memory_space<vmem>>
        %dma_start3A_184 = arith.constant 0 : i32
        %dma_start3A_185 = arith.constant 0 : i32
        %dma_start3A_186 = tpu.memref_slice %arg6[%dma_start3A_184, %dma_start3A_185] : memref<10000x16xf32, #tpu.memory_space<vmem_shared>> -> memref<10000x16xf32, #tpu.memory_space<vmem_shared>>
        tpu.enqueue_indirect_dma source(%dma_start3A_180 : memref<80x16xf32, #tpu.memory_space<vmem>>) target(%dma_start3A_186 : memref<10000x16xf32, #tpu.memory_space<vmem_shared>>) offsets(%dma_start3A_183 : memref<80xi32, #tpu.memory_space<vmem>>) semaphore(%run_scoped3A_176 : memref<!tpu.dma_semaphore, #tpu.memory_space<semaphore_mem>>) {add = true}
        %dma_wait3A_187 = arith.constant 0 : i32
        %dma_wait3A_188 = arith.constant 0 : i32
        %dma_wait3A_189 = tpu.memref_slice %arg8[%run_scoped3A_135, %dma_wait3A_187, %dma_wait3A_188] : memref<2x80x16xf32, #tpu.memory_space<vmem>> -> memref<1x80x16xf32, #tpu.memory_space<vmem>>
        %dma_wait3A_190 = tpu.memref_squeeze %dma_wait3A_189 : memref<1x80x16xf32, #tpu.memory_space<vmem>> -> memref<80x16xf32, #tpu.memory_space<vmem>>
        %dma_wait3A_191 = arith.constant 0 : i32
        %dma_wait3A_192 = tpu.memref_slice %arg7[%run_scoped3A_136, %dma_wait3A_191] : memref<2x80xi32, #tpu.memory_space<vmem>> -> memref<1x80xi32, #tpu.memory_space<vmem>>
        %dma_wait3A_193 = tpu.memref_squeeze %dma_wait3A_192 : memref<1x80xi32, #tpu.memory_space<vmem>> -> memref<80xi32, #tpu.memory_space<vmem>>
        %dma_wait3A_194 = arith.constant 0 : i32
        %dma_wait3A_195 = arith.constant 0 : i32
        %dma_wait3A_196 = tpu.memref_slice %arg6[%dma_wait3A_194, %dma_wait3A_195] : memref<10000x16xf32, #tpu.memory_space<vmem_shared>> -> memref<10000x16xf32, #tpu.memory_space<vmem_shared>>
        tpu.wait_indirect_dma semaphore(%run_scoped3A_176 : memref<!tpu.dma_semaphore, #tpu.memory_space<semaphore_mem>>) src(%dma_wait3A_190 : memref<80x16xf32, #tpu.memory_space<vmem>>) dst(%dma_wait3A_196 : memref<10000x16xf32, #tpu.memory_space<vmem_shared>>)
        tpu.yield
      }) : () -> ()
      %mul3A_137 = arith.constant 2 : i32
      %mul3A_138 = arith.muli %add3A_100, %mul3A_137 : i32
      %add3A_139 = arith.constant 1 : i32
      %add3A_140 = arith.addi %mul3A_138, %add3A_139 : i32
      %dma_wait3A_141 = arith.constant 1 : i32
      %dma_wait3A_142 = arith.constant 0 : i32
      %dma_wait3A_143 = tpu.memref_slice %arg7[%dma_wait3A_141, %dma_wait3A_142] : memref<2x80xi32, #tpu.memory_space<vmem>> -> memref<1x80xi32, #tpu.memory_space<vmem>>
      %dma_wait3A_144 = tpu.memref_squeeze %dma_wait3A_143 : memref<1x80xi32, #tpu.memory_space<vmem>> -> memref<80xi32, #tpu.memory_space<vmem>>
      %dma_wait3A_145 = arith.constant 0 : i32
      %dma_wait3A_146 = tpu.memref_slice %arg3[%dma_wait3A_145] : memref<320000xi32, #tpu.memory_space<hbm>> -> memref<80xi32, #tpu.memory_space<hbm>>
      %dma_wait3A_147 = arith.constant 0 : i32
      %dma_wait3A_148 = tpu.memref_slice %arg7[%dma_wait3A_141, %dma_wait3A_147] : memref<2x80xi32, #tpu.memory_space<vmem>> -> memref<1x80xi32, #tpu.memory_space<vmem>>
      %dma_wait3A_149 = tpu.memref_squeeze %dma_wait3A_148 : memref<1x80xi32, #tpu.memory_space<vmem>> -> memref<80xi32, #tpu.memory_space<vmem>>
      %dma_wait3A_150 = arith.constant 0 : i32
      %dma_wait3A_151 = tpu.memref_slice %arg3[%dma_wait3A_150] : memref<320000xi32, #tpu.memory_space<hbm>> -> memref<80xi32, #tpu.memory_space<hbm>>
      tpu.wait_dma2 semaphore(%arg10 : memref<!tpu.dma_semaphore, #tpu.memory_space<semaphore_mem>>) src(%dma_wait3A_151 : memref<80xi32, #tpu.memory_space<hbm>>) dst(%dma_wait3A_149 : memref<80xi32, #tpu.memory_space<vmem>>)
      %dma_wait3A_152 = arith.constant 1 : i32
      %dma_wait3A_153 = arith.constant 0 : i32
      %dma_wait3A_154 = arith.constant 0 : i32
      %dma_wait3A_155 = tpu.memref_slice %arg8[%dma_wait3A_152, %dma_wait3A_153, %dma_wait3A_154] : memref<2x80x16xf32, #tpu.memory_space<vmem>> -> memref<1x80x16xf32, #tpu.memory_space<vmem>>
      %dma_wait3A_156 = tpu.memref_squeeze %dma_wait3A_155 : memref<1x80x16xf32, #tpu.memory_space<vmem>> -> memref<80x16xf32, #tpu.memory_space<vmem>>
      %dma_wait3A_157 = arith.constant 0 : i32
      %dma_wait3A_158 = arith.constant 0 : i32
      %dma_wait3A_159 = tpu.memref_slice %arg2[%dma_wait3A_157, %dma_wait3A_158] : memref<320000x16xf32, #tpu.memory_space<hbm>> -> memref<80x16xf32, #tpu.memory_space<hbm>>
      %dma_wait3A_160 = arith.constant 0 : i32
      %dma_wait3A_161 = arith.constant 0 : i32
      %dma_wait3A_162 = tpu.memref_slice %arg8[%dma_wait3A_152, %dma_wait3A_160, %dma_wait3A_161] : memref<2x80x16xf32, #tpu.memory_space<vmem>> -> memref<1x80x16xf32, #tpu.memory_space<vmem>>
      %dma_wait3A_163 = tpu.memref_squeeze %dma_wait3A_162 : memref<1x80x16xf32, #tpu.memory_space<vmem>> -> memref<80x16xf32, #tpu.memory_space<vmem>>
      %dma_wait3A_164 = arith.constant 0 : i32
      %dma_wait3A_165 = arith.constant 0 : i32
      %dma_wait3A_166 = tpu.memref_slice %arg2[%dma_wait3A_164, %dma_wait3A_165] : memref<320000x16xf32, #tpu.memory_space<hbm>> -> memref<80x16xf32, #tpu.memory_space<hbm>>
      tpu.wait_dma2 semaphore(%arg10 : memref<!tpu.dma_semaphore, #tpu.memory_space<semaphore_mem>>) src(%dma_wait3A_166 : memref<80x16xf32, #tpu.memory_space<hbm>>) dst(%dma_wait3A_163 : memref<80x16xf32, #tpu.memory_space<vmem>>)
      %add3A_167 = arith.constant 2 : i32
      %add3A_168 = arith.addi %add3A_140, %add3A_167 : i32
      %lt3A_169 = arith.constant 125 : i32
      %lt3A_170 = arith.cmpi slt, %add3A_168, %lt3A_169 : i32
      %convert_element_type3A_171 = arith.extui %lt3A_170 : i1 to i32
      %cond3A_172 = arith.constant 0 : i32
      %cond3A_173 = arith.cmpi ne, %convert_element_type3A_171, %cond3A_172 : i32
      scf.if %cond3A_173 {
        %add3A_176 = arith.constant 2 : i32
        %add3A_177 = arith.addi %add3A_140, %add3A_176 : i32
        %mul3A_178 = arith.constant 80 : i32
        %mul3A_179 = arith.muli %add3A_177, %mul3A_178 : i32
        %add3A_180 = arith.addi %mul3A_2, %mul3A_179 : i32
        %dma_start3A_181 = arith.constant 1 : i32
        %dma_start3A_182 = arith.constant 0 : i32
        %dma_start3A_183 = tpu.memref_slice %arg7[%dma_start3A_181, %dma_start3A_182] : memref<2x80xi32, #tpu.memory_space<vmem>> -> memref<1x80xi32, #tpu.memory_space<vmem>>
        %dma_start3A_184 = tpu.memref_squeeze %dma_start3A_183 : memref<1x80xi32, #tpu.memory_space<vmem>> -> memref<80xi32, #tpu.memory_space<vmem>>
        %dma_start3A_185 = tpu.memref_slice %arg3[%add3A_180] : memref<320000xi32, #tpu.memory_space<hbm>> -> memref<80xi32, #tpu.memory_space<hbm>>
        %dma_start3A_186 = arith.constant 0 : i32
        %dma_start3A_187 = tpu.memref_slice %arg7[%dma_start3A_181, %dma_start3A_186] : memref<2x80xi32, #tpu.memory_space<vmem>> -> memref<1x80xi32, #tpu.memory_space<vmem>>
        %dma_start3A_188 = tpu.memref_squeeze %dma_start3A_187 : memref<1x80xi32, #tpu.memory_space<vmem>> -> memref<80xi32, #tpu.memory_space<vmem>>
        %dma_start3A_189 = tpu.memref_slice %arg3[%add3A_180] : memref<320000xi32, #tpu.memory_space<hbm>> -> memref<80xi32, #tpu.memory_space<hbm>>
        tpu.enqueue_dma source(%dma_start3A_189 : memref<80xi32, #tpu.memory_space<hbm>>) target(%dma_start3A_188 : memref<80xi32, #tpu.memory_space<vmem>>) target_semaphore(%arg10 : memref<!tpu.dma_semaphore, #tpu.memory_space<semaphore_mem>>)
        %mul3A_190 = arith.constant 80 : i32
        %mul3A_191 = arith.muli %add3A_177, %mul3A_190 : i32
        %add3A_192 = arith.addi %mul3A_2, %mul3A_191 : i32
        %dma_start3A_193 = arith.constant 1 : i32
        %dma_start3A_194 = arith.constant 0 : i32
        %dma_start3A_195 = arith.constant 0 : i32
        %dma_start3A_196 = tpu.memref_slice %arg8[%dma_start3A_193, %dma_start3A_194, %dma_start3A_195] : memref<2x80x16xf32, #tpu.memory_space<vmem>> -> memref<1x80x16xf32, #tpu.memory_space<vmem>>
        %dma_start3A_197 = tpu.memref_squeeze %dma_start3A_196 : memref<1x80x16xf32, #tpu.memory_space<vmem>> -> memref<80x16xf32, #tpu.memory_space<vmem>>
        %dma_start3A_198 = arith.constant 0 : i32
        %dma_start3A_199 = tpu.memref_slice %arg2[%add3A_192, %dma_start3A_198] : memref<320000x16xf32, #tpu.memory_space<hbm>> -> memref<80x16xf32, #tpu.memory_space<hbm>>
        %dma_start3A_200 = arith.constant 0 : i32
        %dma_start3A_201 = arith.constant 0 : i32
        %dma_start3A_202 = tpu.memref_slice %arg8[%dma_start3A_193, %dma_start3A_200, %dma_start3A_201] : memref<2x80x16xf32, #tpu.memory_space<vmem>> -> memref<1x80x16xf32, #tpu.memory_space<vmem>>
        %dma_start3A_203 = tpu.memref_squeeze %dma_start3A_202 : memref<1x80x16xf32, #tpu.memory_space<vmem>> -> memref<80x16xf32, #tpu.memory_space<vmem>>
        %dma_start3A_204 = arith.constant 0 : i32
        %dma_start3A_205 = tpu.memref_slice %arg2[%add3A_192, %dma_start3A_204] : memref<320000x16xf32, #tpu.memory_space<hbm>> -> memref<80x16xf32, #tpu.memory_space<hbm>>
        tpu.enqueue_dma source(%dma_start3A_205 : memref<80x16xf32, #tpu.memory_space<hbm>>) target(%dma_start3A_203 : memref<80x16xf32, #tpu.memory_space<vmem>>) target_semaphore(%arg10 : memref<!tpu.dma_semaphore, #tpu.memory_space<semaphore_mem>>)
      } else {
      }
      %run_scoped3A_174 = arith.constant 1 : i32
      %run_scoped3A_175 = arith.constant 1 : i32
      "tpu.region"() ({
        %run_scoped3A_176 = tpu.sem_alloc : memref<!tpu.dma_semaphore, #tpu.memory_space<semaphore_mem>>
        %dma_start3A_177 = arith.constant 0 : i32
        %dma_start3A_178 = arith.constant 0 : i32
        %dma_start3A_179 = tpu.memref_slice %arg8[%run_scoped3A_174, %dma_start3A_177, %dma_start3A_178] : memref<2x80x16xf32, #tpu.memory_space<vmem>> -> memref<1x80x16xf32, #tpu.memory_space<vmem>>
        %dma_start3A_180 = tpu.memref_squeeze %dma_start3A_179 : memref<1x80x16xf32, #tpu.memory_space<vmem>> -> memref<80x16xf32, #tpu.memory_space<vmem>>
        %dma_start3A_181 = arith.constant 0 : i32
        %dma_start3A_182 = tpu.memref_slice %arg7[%run_scoped3A_175, %dma_start3A_181] : memref<2x80xi32, #tpu.memory_space<vmem>> -> memref<1x80xi32, #tpu.memory_space<vmem>>
        %dma_start3A_183 = tpu.memref_squeeze %dma_start3A_182 : memref<1x80xi32, #tpu.memory_space<vmem>> -> memref<80xi32, #tpu.memory_space<vmem>>
        %dma_start3A_184 = arith.constant 0 : i32
        %dma_start3A_185 = arith.constant 0 : i32
        %dma_start3A_186 = tpu.memref_slice %arg6[%dma_start3A_184, %dma_start3A_185] : memref<10000x16xf32, #tpu.memory_space<vmem_shared>> -> memref<10000x16xf32, #tpu.memory_space<vmem_shared>>
        tpu.enqueue_indirect_dma source(%dma_start3A_180 : memref<80x16xf32, #tpu.memory_space<vmem>>) target(%dma_start3A_186 : memref<10000x16xf32, #tpu.memory_space<vmem_shared>>) offsets(%dma_start3A_183 : memref<80xi32, #tpu.memory_space<vmem>>) semaphore(%run_scoped3A_176 : memref<!tpu.dma_semaphore, #tpu.memory_space<semaphore_mem>>) {add = true}
        %dma_wait3A_187 = arith.constant 0 : i32
        %dma_wait3A_188 = arith.constant 0 : i32
        %dma_wait3A_189 = tpu.memref_slice %arg8[%run_scoped3A_174, %dma_wait3A_187, %dma_wait3A_188] : memref<2x80x16xf32, #tpu.memory_space<vmem>> -> memref<1x80x16xf32, #tpu.memory_space<vmem>>
        %dma_wait3A_190 = tpu.memref_squeeze %dma_wait3A_189 : memref<1x80x16xf32, #tpu.memory_space<vmem>> -> memref<80x16xf32, #tpu.memory_space<vmem>>
        %dma_wait3A_191 = arith.constant 0 : i32
        %dma_wait3A_192 = tpu.memref_slice %arg7[%run_scoped3A_175, %dma_wait3A_191] : memref<2x80xi32, #tpu.memory_space<vmem>> -> memref<1x80xi32, #tpu.memory_space<vmem>>
        %dma_wait3A_193 = tpu.memref_squeeze %dma_wait3A_192 : memref<1x80xi32, #tpu.memory_space<vmem>> -> memref<80xi32, #tpu.memory_space<vmem>>
        %dma_wait3A_194 = arith.constant 0 : i32
        %dma_wait3A_195 = arith.constant 0 : i32
        %dma_wait3A_196 = tpu.memref_slice %arg6[%dma_wait3A_194, %dma_wait3A_195] : memref<10000x16xf32, #tpu.memory_space<vmem_shared>> -> memref<10000x16xf32, #tpu.memory_space<vmem_shared>>
        tpu.wait_indirect_dma semaphore(%run_scoped3A_176 : memref<!tpu.dma_semaphore, #tpu.memory_space<semaphore_mem>>) src(%dma_wait3A_190 : memref<80x16xf32, #tpu.memory_space<vmem>>) dst(%dma_wait3A_196 : memref<10000x16xf32, #tpu.memory_space<vmem_shared>>)
        tpu.yield
      }) : () -> ()
    }
    %scan3A_64 = arith.constant 62 : i32
    %dma_wait3A = arith.constant 0 : i32
    %dma_wait3A_65 = arith.constant 0 : i32
    %dma_wait3A_66 = tpu.memref_slice %arg7[%dma_wait3A, %dma_wait3A_65] : memref<2x80xi32, #tpu.memory_space<vmem>> -> memref<1x80xi32, #tpu.memory_space<vmem>>
    %dma_wait3A_67 = tpu.memref_squeeze %dma_wait3A_66 : memref<1x80xi32, #tpu.memory_space<vmem>> -> memref<80xi32, #tpu.memory_space<vmem>>
    %dma_wait3A_68 = arith.constant 0 : i32
    %dma_wait3A_69 = tpu.memref_slice %arg3[%dma_wait3A_68] : memref<320000xi32, #tpu.memory_space<hbm>> -> memref<80xi32, #tpu.memory_space<hbm>>
    %dma_wait3A_70 = arith.constant 0 : i32
    %dma_wait3A_71 = tpu.memref_slice %arg7[%dma_wait3A, %dma_wait3A_70] : memref<2x80xi32, #tpu.memory_space<vmem>> -> memref<1x80xi32, #tpu.memory_space<vmem>>
    %dma_wait3A_72 = tpu.memref_squeeze %dma_wait3A_71 : memref<1x80xi32, #tpu.memory_space<vmem>> -> memref<80xi32, #tpu.memory_space<vmem>>
    %dma_wait3A_73 = arith.constant 0 : i32
    %dma_wait3A_74 = tpu.memref_slice %arg3[%dma_wait3A_73] : memref<320000xi32, #tpu.memory_space<hbm>> -> memref<80xi32, #tpu.memory_space<hbm>>
    tpu.wait_dma2 semaphore(%arg9 : memref<!tpu.dma_semaphore, #tpu.memory_space<semaphore_mem>>) src(%dma_wait3A_74 : memref<80xi32, #tpu.memory_space<hbm>>) dst(%dma_wait3A_72 : memref<80xi32, #tpu.memory_space<vmem>>)
    %dma_wait3A_75 = arith.constant 0 : i32
    %dma_wait3A_76 = arith.constant 0 : i32
    %dma_wait3A_77 = arith.constant 0 : i32
    %dma_wait3A_78 = tpu.memref_slice %arg8[%dma_wait3A_75, %dma_wait3A_76, %dma_wait3A_77] : memref<2x80x16xf32, #tpu.memory_space<vmem>> -> memref<1x80x16xf32, #tpu.memory_space<vmem>>
    %dma_wait3A_79 = tpu.memref_squeeze %dma_wait3A_78 : memref<1x80x16xf32, #tpu.memory_space<vmem>> -> memref<80x16xf32, #tpu.memory_space<vmem>>
    %dma_wait3A_80 = arith.constant 0 : i32
    %dma_wait3A_81 = arith.constant 0 : i32
    %dma_wait3A_82 = tpu.memref_slice %arg2[%dma_wait3A_80, %dma_wait3A_81] : memref<320000x16xf32, #tpu.memory_space<hbm>> -> memref<80x16xf32, #tpu.memory_space<hbm>>
    %dma_wait3A_83 = arith.constant 0 : i32
    %dma_wait3A_84 = arith.constant 0 : i32
    %dma_wait3A_85 = tpu.memref_slice %arg8[%dma_wait3A_75, %dma_wait3A_83, %dma_wait3A_84] : memref<2x80x16xf32, #tpu.memory_space<vmem>> -> memref<1x80x16xf32, #tpu.memory_space<vmem>>
    %dma_wait3A_86 = tpu.memref_squeeze %dma_wait3A_85 : memref<1x80x16xf32, #tpu.memory_space<vmem>> -> memref<80x16xf32, #tpu.memory_space<vmem>>
    %dma_wait3A_87 = arith.constant 0 : i32
    %dma_wait3A_88 = arith.constant 0 : i32
    %dma_wait3A_89 = tpu.memref_slice %arg2[%dma_wait3A_87, %dma_wait3A_88] : memref<320000x16xf32, #tpu.memory_space<hbm>> -> memref<80x16xf32, #tpu.memory_space<hbm>>
    tpu.wait_dma2 semaphore(%arg9 : memref<!tpu.dma_semaphore, #tpu.memory_space<semaphore_mem>>) src(%dma_wait3A_89 : memref<80x16xf32, #tpu.memory_space<hbm>>) dst(%dma_wait3A_86 : memref<80x16xf32, #tpu.memory_space<vmem>>)
    %run_scoped3A = arith.constant 0 : i32
    %run_scoped3A_90 = arith.constant 0 : i32
    "tpu.region"() ({
      %run_scoped3A_96 = tpu.sem_alloc : memref<!tpu.dma_semaphore, #tpu.memory_space<semaphore_mem>>
      %dma_start3A_97 = arith.constant 0 : i32
      %dma_start3A_98 = arith.constant 0 : i32
      %dma_start3A_99 = tpu.memref_slice %arg8[%run_scoped3A, %dma_start3A_97, %dma_start3A_98] : memref<2x80x16xf32, #tpu.memory_space<vmem>> -> memref<1x80x16xf32, #tpu.memory_space<vmem>>
      %dma_start3A_100 = tpu.memref_squeeze %dma_start3A_99 : memref<1x80x16xf32, #tpu.memory_space<vmem>> -> memref<80x16xf32, #tpu.memory_space<vmem>>
      %dma_start3A_101 = arith.constant 0 : i32
      %dma_start3A_102 = tpu.memref_slice %arg7[%run_scoped3A_90, %dma_start3A_101] : memref<2x80xi32, #tpu.memory_space<vmem>> -> memref<1x80xi32, #tpu.memory_space<vmem>>
      %dma_start3A_103 = tpu.memref_squeeze %dma_start3A_102 : memref<1x80xi32, #tpu.memory_space<vmem>> -> memref<80xi32, #tpu.memory_space<vmem>>
      %dma_start3A_104 = arith.constant 0 : i32
      %dma_start3A_105 = arith.constant 0 : i32
      %dma_start3A_106 = tpu.memref_slice %arg6[%dma_start3A_104, %dma_start3A_105] : memref<10000x16xf32, #tpu.memory_space<vmem_shared>> -> memref<10000x16xf32, #tpu.memory_space<vmem_shared>>
      tpu.enqueue_indirect_dma source(%dma_start3A_100 : memref<80x16xf32, #tpu.memory_space<vmem>>) target(%dma_start3A_106 : memref<10000x16xf32, #tpu.memory_space<vmem_shared>>) offsets(%dma_start3A_103 : memref<80xi32, #tpu.memory_space<vmem>>) semaphore(%run_scoped3A_96 : memref<!tpu.dma_semaphore, #tpu.memory_space<semaphore_mem>>) {add = true}
      %dma_wait3A_107 = arith.constant 0 : i32
      %dma_wait3A_108 = arith.constant 0 : i32
      %dma_wait3A_109 = tpu.memref_slice %arg8[%run_scoped3A, %dma_wait3A_107, %dma_wait3A_108] : memref<2x80x16xf32, #tpu.memory_space<vmem>> -> memref<1x80x16xf32, #tpu.memory_space<vmem>>
      %dma_wait3A_110 = tpu.memref_squeeze %dma_wait3A_109 : memref<1x80x16xf32, #tpu.memory_space<vmem>> -> memref<80x16xf32, #tpu.memory_space<vmem>>
      %dma_wait3A_111 = arith.constant 0 : i32
      %dma_wait3A_112 = tpu.memref_slice %arg7[%run_scoped3A_90, %dma_wait3A_111] : memref<2x80xi32, #tpu.memory_space<vmem>> -> memref<1x80xi32, #tpu.memory_space<vmem>>
      %dma_wait3A_113 = tpu.memref_squeeze %dma_wait3A_112 : memref<1x80xi32, #tpu.memory_space<vmem>> -> memref<80xi32, #tpu.memory_space<vmem>>
      %dma_wait3A_114 = arith.constant 0 : i32
      %dma_wait3A_115 = arith.constant 0 : i32
      %dma_wait3A_116 = tpu.memref_slice %arg6[%dma_wait3A_114, %dma_wait3A_115] : memref<10000x16xf32, #tpu.memory_space<vmem_shared>> -> memref<10000x16xf32, #tpu.memory_space<vmem_shared>>
      tpu.wait_indirect_dma semaphore(%run_scoped3A_96 : memref<!tpu.dma_semaphore, #tpu.memory_space<semaphore_mem>>) src(%dma_wait3A_110 : memref<80x16xf32, #tpu.memory_space<vmem>>) dst(%dma_wait3A_116 : memref<10000x16xf32, #tpu.memory_space<vmem_shared>>)
      tpu.yield
    }) : () -> ()
    %barrier3A_91 = arith.constant 0 : index
    tpu.barrier barrier_id(%barrier3A_91)
    %mul3A_92 = arith.constant 625 : i32
    %mul3A_93 = arith.muli %arg1, %mul3A_92 : i32
    %mul3A_94 = arith.constant 625 : i32
    %mul3A_95 = arith.muli %arg1, %mul3A_94 : i32
    "tpu.region"() ({
      %run_scoped3A_96 = tpu.sem_alloc : memref<!tpu.dma_semaphore, #tpu.memory_space<semaphore_mem>>
      %dma_start3A_97 = arith.constant 0 : i32
      %dma_start3A_98 = tpu.memref_slice %arg4[%arg0, %mul3A_95, %dma_start3A_97] : memref<2x10000x16xf32, #tpu.memory_space<hbm>> -> memref<1x625x16xf32, #tpu.memory_space<hbm>>
      %dma_start3A_99 = tpu.memref_squeeze %dma_start3A_98 : memref<1x625x16xf32, #tpu.memory_space<hbm>> -> memref<625x16xf32, #tpu.memory_space<hbm>>
      %dma_start3A_100 = arith.constant 0 : i32
      %dma_start3A_101 = tpu.memref_slice %arg6[%mul3A_93, %dma_start3A_100] : memref<10000x16xf32, #tpu.memory_space<vmem_shared>> -> memref<625x16xf32, #tpu.memory_space<vmem_shared>>
      tpu.enqueue_dma source(%dma_start3A_101 : memref<625x16xf32, #tpu.memory_space<vmem_shared>>) target(%dma_start3A_99 : memref<625x16xf32, #tpu.memory_space<hbm>>) target_semaphore(%run_scoped3A_96 : memref<!tpu.dma_semaphore, #tpu.memory_space<semaphore_mem>>)
      %dma_wait3A_102 = arith.constant 0 : i32
      %dma_wait3A_103 = tpu.memref_slice %arg4[%arg0, %mul3A_95, %dma_wait3A_102] : memref<2x10000x16xf32, #tpu.memory_space<hbm>> -> memref<1x625x16xf32, #tpu.memory_space<hbm>>
      %dma_wait3A_104 = tpu.memref_squeeze %dma_wait3A_103 : memref<1x625x16xf32, #tpu.memory_space<hbm>> -> memref<625x16xf32, #tpu.memory_space<hbm>>
      %dma_wait3A_105 = arith.constant 0 : i32
      %dma_wait3A_106 = tpu.memref_slice %arg6[%mul3A_93, %dma_wait3A_105] : memref<10000x16xf32, #tpu.memory_space<vmem_shared>> -> memref<625x16xf32, #tpu.memory_space<vmem_shared>>
      tpu.wait_dma2 semaphore(%run_scoped3A_96 : memref<!tpu.dma_semaphore, #tpu.memory_space<semaphore_mem>>) src(%dma_wait3A_106 : memref<625x16xf32, #tpu.memory_space<vmem_shared>>) dst(%dma_wait3A_104 : memref<625x16xf32, #tpu.memory_space<hbm>>)
      tpu.yield
    }) : () -> ()
    return
  }
}

#map = affine_map<(d0, d1) -> (0, 0)>
#map1 = affine_map<(d0, d1) -> (0)>
module attributes {stable_mosaic.version = 14 : i64} {
  func.func @kern(%arg0: i32, %arg1: i32, %arg2: memref<10000x32xf32, #tpu.memory_space<hbm>>, %arg3: memref<10000x32xf32, #tpu.memory_space<hbm>>, %arg4: memref<320000xi32, #tpu.memory_space<hbm>>, %arg5: memref<320000xi32, #tpu.memory_space<hbm>>, %arg6: memref<80000x128xf32, #tpu.memory_space<hbm>>, %arg7: memref<10000xi32, #tpu.memory_space<vmem>>, %arg8: memref<10000xi32, #tpu.memory_space<vmem>>, %arg9: memref<2x400x32xf32, #tpu.memory_space<vmem>>, %arg10: memref<2x400x32xf32, #tpu.memory_space<vmem>>, %arg11: memref<2x100x128xf32, #tpu.memory_space<vmem>>, %arg12: memref<!tpu.dma_semaphore, #tpu.memory_space<semaphore_mem>>, %arg13: memref<!tpu.dma_semaphore, #tpu.memory_space<semaphore_mem>>, %arg14: memref<!tpu.dma_semaphore, #tpu.memory_space<semaphore_mem>>, %arg15: memref<!tpu.dma_semaphore, #tpu.memory_space<semaphore_mem>>) attributes {dimension_semantics = [#tpu.dimension_semantics<core_parallel>, #tpu.dimension_semantics<subcore_parallel>], iteration_bounds = array<i64: 2, 16>, scalar_prefetch = 0 : i64, scratch_operands = 9 : i64, tpu.core_type = #tpu.core_type<sc_vector_subcore>, window_params = [{transform_indices = #map}, {transform_indices = #map}, {transform_indices = #map1}, {transform_indices = #map1}, {transform_indices = #map}]} {
    %mul3A = arith.constant 16 : i32
    %mul3A_0 = arith.muli %arg0, %mul3A : i32
    %add3A = arith.addi %mul3A_0, %arg1 : i32
    %mul3A_1 = arith.constant 10000 : i32
    %mul3A_2 = arith.muli %add3A, %mul3A_1 : i32
    %mul3A_3 = arith.constant 2500 : i32
    %mul3A_4 = arith.muli %add3A, %mul3A_3 : i32
    "tpu.region"() ({
      %run_scoped3A = tpu.sem_alloc : memref<!tpu.dma_semaphore, #tpu.memory_space<semaphore_mem>>
      %dma_start3A_302 = tpu.memref_slice %arg4[%mul3A_2] : memref<320000xi32, #tpu.memory_space<hbm>> -> memref<10000xi32, #tpu.memory_space<hbm>>
      %dma_start3A_303 = tpu.memref_slice %arg4[%mul3A_2] : memref<320000xi32, #tpu.memory_space<hbm>> -> memref<10000xi32, #tpu.memory_space<hbm>>
      tpu.enqueue_dma source(%dma_start3A_303 : memref<10000xi32, #tpu.memory_space<hbm>>) target(%arg7 : memref<10000xi32, #tpu.memory_space<vmem>>) target_semaphore(%run_scoped3A : memref<!tpu.dma_semaphore, #tpu.memory_space<semaphore_mem>>)
      %dma_wait3A_304 = tpu.memref_slice %arg4[%mul3A_2] : memref<320000xi32, #tpu.memory_space<hbm>> -> memref<10000xi32, #tpu.memory_space<hbm>>
      %dma_wait3A_305 = tpu.memref_slice %arg4[%mul3A_2] : memref<320000xi32, #tpu.memory_space<hbm>> -> memref<10000xi32, #tpu.memory_space<hbm>>
      tpu.wait_dma2 semaphore(%run_scoped3A : memref<!tpu.dma_semaphore, #tpu.memory_space<semaphore_mem>>) src(%dma_wait3A_305 : memref<10000xi32, #tpu.memory_space<hbm>>) dst(%arg7 : memref<10000xi32, #tpu.memory_space<vmem>>)
      tpu.yield
    }) : () -> ()
    "tpu.region"() ({
      %run_scoped3A = tpu.sem_alloc : memref<!tpu.dma_semaphore, #tpu.memory_space<semaphore_mem>>
      %dma_start3A_302 = tpu.memref_slice %arg5[%mul3A_2] : memref<320000xi32, #tpu.memory_space<hbm>> -> memref<10000xi32, #tpu.memory_space<hbm>>
      %dma_start3A_303 = tpu.memref_slice %arg5[%mul3A_2] : memref<320000xi32, #tpu.memory_space<hbm>> -> memref<10000xi32, #tpu.memory_space<hbm>>
      tpu.enqueue_dma source(%dma_start3A_303 : memref<10000xi32, #tpu.memory_space<hbm>>) target(%arg8 : memref<10000xi32, #tpu.memory_space<vmem>>) target_semaphore(%run_scoped3A : memref<!tpu.dma_semaphore, #tpu.memory_space<semaphore_mem>>)
      %dma_wait3A_304 = tpu.memref_slice %arg5[%mul3A_2] : memref<320000xi32, #tpu.memory_space<hbm>> -> memref<10000xi32, #tpu.memory_space<hbm>>
      %dma_wait3A_305 = tpu.memref_slice %arg5[%mul3A_2] : memref<320000xi32, #tpu.memory_space<hbm>> -> memref<10000xi32, #tpu.memory_space<hbm>>
      tpu.wait_dma2 semaphore(%run_scoped3A : memref<!tpu.dma_semaphore, #tpu.memory_space<semaphore_mem>>) src(%dma_wait3A_305 : memref<10000xi32, #tpu.memory_space<hbm>>) dst(%arg8 : memref<10000xi32, #tpu.memory_space<vmem>>)
      tpu.yield
    }) : () -> ()
    %dma_start3A = arith.constant 0 : i32
    %dma_start3A_5 = arith.constant 0 : i32
    %dma_start3A_6 = arith.constant 0 : i32
    %dma_start3A_7 = tpu.memref_slice %arg9[%dma_start3A, %dma_start3A_5, %dma_start3A_6] : memref<2x400x32xf32, #tpu.memory_space<vmem>> -> memref<1x80x32xf32, #tpu.memory_space<vmem>>
    %dma_start3A_8 = tpu.memref_squeeze %dma_start3A_7 : memref<1x80x32xf32, #tpu.memory_space<vmem>> -> memref<80x32xf32, #tpu.memory_space<vmem>>
    %dma_start3A_9 = arith.constant 0 : i32
    %dma_start3A_10 = tpu.memref_slice %arg7[%dma_start3A_9] : memref<10000xi32, #tpu.memory_space<vmem>> -> memref<80xi32, #tpu.memory_space<vmem>>
    %dma_start3A_11 = arith.constant 0 : i32
    %dma_start3A_12 = arith.constant 0 : i32
    %dma_start3A_13 = tpu.memref_slice %arg2[%dma_start3A_11, %dma_start3A_12] : memref<10000x32xf32, #tpu.memory_space<hbm>> -> memref<10000x32xf32, #tpu.memory_space<hbm>>
    tpu.enqueue_indirect_dma source(%dma_start3A_13 : memref<10000x32xf32, #tpu.memory_space<hbm>>) target(%dma_start3A_8 : memref<80x32xf32, #tpu.memory_space<vmem>>) offsets(%dma_start3A_10 : memref<80xi32, #tpu.memory_space<vmem>>) semaphore(%arg12 : memref<!tpu.dma_semaphore, #tpu.memory_space<semaphore_mem>>)
    %dma_start3A_14 = arith.constant 0 : i32
    %dma_start3A_15 = arith.constant 0 : i32
    %dma_start3A_16 = arith.constant 0 : i32
    %dma_start3A_17 = tpu.memref_slice %arg10[%dma_start3A_14, %dma_start3A_15, %dma_start3A_16] : memref<2x400x32xf32, #tpu.memory_space<vmem>> -> memref<1x80x32xf32, #tpu.memory_space<vmem>>
    %dma_start3A_18 = tpu.memref_squeeze %dma_start3A_17 : memref<1x80x32xf32, #tpu.memory_space<vmem>> -> memref<80x32xf32, #tpu.memory_space<vmem>>
    %dma_start3A_19 = arith.constant 0 : i32
    %dma_start3A_20 = tpu.memref_slice %arg8[%dma_start3A_19] : memref<10000xi32, #tpu.memory_space<vmem>> -> memref<80xi32, #tpu.memory_space<vmem>>
    %dma_start3A_21 = arith.constant 0 : i32
    %dma_start3A_22 = arith.constant 0 : i32
    %dma_start3A_23 = tpu.memref_slice %arg3[%dma_start3A_21, %dma_start3A_22] : memref<10000x32xf32, #tpu.memory_space<hbm>> -> memref<10000x32xf32, #tpu.memory_space<hbm>>
    tpu.enqueue_indirect_dma source(%dma_start3A_23 : memref<10000x32xf32, #tpu.memory_space<hbm>>) target(%dma_start3A_18 : memref<80x32xf32, #tpu.memory_space<vmem>>) offsets(%dma_start3A_20 : memref<80xi32, #tpu.memory_space<vmem>>) semaphore(%arg12 : memref<!tpu.dma_semaphore, #tpu.memory_space<semaphore_mem>>)
    %dma_start3A_24 = arith.constant 0 : i32
    %dma_start3A_25 = arith.constant 80 : i32
    %dma_start3A_26 = arith.constant 0 : i32
    %dma_start3A_27 = tpu.memref_slice %arg9[%dma_start3A_24, %dma_start3A_25, %dma_start3A_26] : memref<2x400x32xf32, #tpu.memory_space<vmem>> -> memref<1x80x32xf32, #tpu.memory_space<vmem>>
    %dma_start3A_28 = tpu.memref_squeeze %dma_start3A_27 : memref<1x80x32xf32, #tpu.memory_space<vmem>> -> memref<80x32xf32, #tpu.memory_space<vmem>>
    %dma_start3A_29 = arith.constant 80 : i32
    %dma_start3A_30 = tpu.memref_slice %arg7[%dma_start3A_29] : memref<10000xi32, #tpu.memory_space<vmem>> -> memref<80xi32, #tpu.memory_space<vmem>>
    %dma_start3A_31 = arith.constant 0 : i32
    %dma_start3A_32 = arith.constant 0 : i32
    %dma_start3A_33 = tpu.memref_slice %arg2[%dma_start3A_31, %dma_start3A_32] : memref<10000x32xf32, #tpu.memory_space<hbm>> -> memref<10000x32xf32, #tpu.memory_space<hbm>>
    tpu.enqueue_indirect_dma source(%dma_start3A_33 : memref<10000x32xf32, #tpu.memory_space<hbm>>) target(%dma_start3A_28 : memref<80x32xf32, #tpu.memory_space<vmem>>) offsets(%dma_start3A_30 : memref<80xi32, #tpu.memory_space<vmem>>) semaphore(%arg12 : memref<!tpu.dma_semaphore, #tpu.memory_space<semaphore_mem>>)
    %dma_start3A_34 = arith.constant 0 : i32
    %dma_start3A_35 = arith.constant 80 : i32
    %dma_start3A_36 = arith.constant 0 : i32
    %dma_start3A_37 = tpu.memref_slice %arg10[%dma_start3A_34, %dma_start3A_35, %dma_start3A_36] : memref<2x400x32xf32, #tpu.memory_space<vmem>> -> memref<1x80x32xf32, #tpu.memory_space<vmem>>
    %dma_start3A_38 = tpu.memref_squeeze %dma_start3A_37 : memref<1x80x32xf32, #tpu.memory_space<vmem>> -> memref<80x32xf32, #tpu.memory_space<vmem>>
    %dma_start3A_39 = arith.constant 80 : i32
    %dma_start3A_40 = tpu.memref_slice %arg8[%dma_start3A_39] : memref<10000xi32, #tpu.memory_space<vmem>> -> memref<80xi32, #tpu.memory_space<vmem>>
    %dma_start3A_41 = arith.constant 0 : i32
    %dma_start3A_42 = arith.constant 0 : i32
    %dma_start3A_43 = tpu.memref_slice %arg3[%dma_start3A_41, %dma_start3A_42] : memref<10000x32xf32, #tpu.memory_space<hbm>> -> memref<10000x32xf32, #tpu.memory_space<hbm>>
    tpu.enqueue_indirect_dma source(%dma_start3A_43 : memref<10000x32xf32, #tpu.memory_space<hbm>>) target(%dma_start3A_38 : memref<80x32xf32, #tpu.memory_space<vmem>>) offsets(%dma_start3A_40 : memref<80xi32, #tpu.memory_space<vmem>>) semaphore(%arg12 : memref<!tpu.dma_semaphore, #tpu.memory_space<semaphore_mem>>)
    %dma_start3A_44 = arith.constant 0 : i32
    %dma_start3A_45 = arith.constant 160 : i32
    %dma_start3A_46 = arith.constant 0 : i32
    %dma_start3A_47 = tpu.memref_slice %arg9[%dma_start3A_44, %dma_start3A_45, %dma_start3A_46] : memref<2x400x32xf32, #tpu.memory_space<vmem>> -> memref<1x80x32xf32, #tpu.memory_space<vmem>>
    %dma_start3A_48 = tpu.memref_squeeze %dma_start3A_47 : memref<1x80x32xf32, #tpu.memory_space<vmem>> -> memref<80x32xf32, #tpu.memory_space<vmem>>
    %dma_start3A_49 = arith.constant 160 : i32
    %dma_start3A_50 = tpu.memref_slice %arg7[%dma_start3A_49] : memref<10000xi32, #tpu.memory_space<vmem>> -> memref<80xi32, #tpu.memory_space<vmem>>
    %dma_start3A_51 = arith.constant 0 : i32
    %dma_start3A_52 = arith.constant 0 : i32
    %dma_start3A_53 = tpu.memref_slice %arg2[%dma_start3A_51, %dma_start3A_52] : memref<10000x32xf32, #tpu.memory_space<hbm>> -> memref<10000x32xf32, #tpu.memory_space<hbm>>
    tpu.enqueue_indirect_dma source(%dma_start3A_53 : memref<10000x32xf32, #tpu.memory_space<hbm>>) target(%dma_start3A_48 : memref<80x32xf32, #tpu.memory_space<vmem>>) offsets(%dma_start3A_50 : memref<80xi32, #tpu.memory_space<vmem>>) semaphore(%arg12 : memref<!tpu.dma_semaphore, #tpu.memory_space<semaphore_mem>>)
    %dma_start3A_54 = arith.constant 0 : i32
    %dma_start3A_55 = arith.constant 160 : i32
    %dma_start3A_56 = arith.constant 0 : i32
    %dma_start3A_57 = tpu.memref_slice %arg10[%dma_start3A_54, %dma_start3A_55, %dma_start3A_56] : memref<2x400x32xf32, #tpu.memory_space<vmem>> -> memref<1x80x32xf32, #tpu.memory_space<vmem>>
    %dma_start3A_58 = tpu.memref_squeeze %dma_start3A_57 : memref<1x80x32xf32, #tpu.memory_space<vmem>> -> memref<80x32xf32, #tpu.memory_space<vmem>>
    %dma_start3A_59 = arith.constant 160 : i32
    %dma_start3A_60 = tpu.memref_slice %arg8[%dma_start3A_59] : memref<10000xi32, #tpu.memory_space<vmem>> -> memref<80xi32, #tpu.memory_space<vmem>>
    %dma_start3A_61 = arith.constant 0 : i32
    %dma_start3A_62 = arith.constant 0 : i32
    %dma_start3A_63 = tpu.memref_slice %arg3[%dma_start3A_61, %dma_start3A_62] : memref<10000x32xf32, #tpu.memory_space<hbm>> -> memref<10000x32xf32, #tpu.memory_space<hbm>>
    tpu.enqueue_indirect_dma source(%dma_start3A_63 : memref<10000x32xf32, #tpu.memory_space<hbm>>) target(%dma_start3A_58 : memref<80x32xf32, #tpu.memory_space<vmem>>) offsets(%dma_start3A_60 : memref<80xi32, #tpu.memory_space<vmem>>) semaphore(%arg12 : memref<!tpu.dma_semaphore, #tpu.memory_space<semaphore_mem>>)
    %dma_start3A_64 = arith.constant 0 : i32
    %dma_start3A_65 = arith.constant 240 : i32
    %dma_start3A_66 = arith.constant 0 : i32
    %dma_start3A_67 = tpu.memref_slice %arg9[%dma_start3A_64, %dma_start3A_65, %dma_start3A_66] : memref<2x400x32xf32, #tpu.memory_space<vmem>> -> memref<1x80x32xf32, #tpu.memory_space<vmem>>
    %dma_start3A_68 = tpu.memref_squeeze %dma_start3A_67 : memref<1x80x32xf32, #tpu.memory_space<vmem>> -> memref<80x32xf32, #tpu.memory_space<vmem>>
    %dma_start3A_69 = arith.constant 240 : i32
    %dma_start3A_70 = tpu.memref_slice %arg7[%dma_start3A_69] : memref<10000xi32, #tpu.memory_space<vmem>> -> memref<80xi32, #tpu.memory_space<vmem>>
    %dma_start3A_71 = arith.constant 0 : i32
    %dma_start3A_72 = arith.constant 0 : i32
    %dma_start3A_73 = tpu.memref_slice %arg2[%dma_start3A_71, %dma_start3A_72] : memref<10000x32xf32, #tpu.memory_space<hbm>> -> memref<10000x32xf32, #tpu.memory_space<hbm>>
    tpu.enqueue_indirect_dma source(%dma_start3A_73 : memref<10000x32xf32, #tpu.memory_space<hbm>>) target(%dma_start3A_68 : memref<80x32xf32, #tpu.memory_space<vmem>>) offsets(%dma_start3A_70 : memref<80xi32, #tpu.memory_space<vmem>>) semaphore(%arg12 : memref<!tpu.dma_semaphore, #tpu.memory_space<semaphore_mem>>)
    %dma_start3A_74 = arith.constant 0 : i32
    %dma_start3A_75 = arith.constant 240 : i32
    %dma_start3A_76 = arith.constant 0 : i32
    %dma_start3A_77 = tpu.memref_slice %arg10[%dma_start3A_74, %dma_start3A_75, %dma_start3A_76] : memref<2x400x32xf32, #tpu.memory_space<vmem>> -> memref<1x80x32xf32, #tpu.memory_space<vmem>>
    %dma_start3A_78 = tpu.memref_squeeze %dma_start3A_77 : memref<1x80x32xf32, #tpu.memory_space<vmem>> -> memref<80x32xf32, #tpu.memory_space<vmem>>
    %dma_start3A_79 = arith.constant 240 : i32
    %dma_start3A_80 = tpu.memref_slice %arg8[%dma_start3A_79] : memref<10000xi32, #tpu.memory_space<vmem>> -> memref<80xi32, #tpu.memory_space<vmem>>
    %dma_start3A_81 = arith.constant 0 : i32
    %dma_start3A_82 = arith.constant 0 : i32
    %dma_start3A_83 = tpu.memref_slice %arg3[%dma_start3A_81, %dma_start3A_82] : memref<10000x32xf32, #tpu.memory_space<hbm>> -> memref<10000x32xf32, #tpu.memory_space<hbm>>
    tpu.enqueue_indirect_dma source(%dma_start3A_83 : memref<10000x32xf32, #tpu.memory_space<hbm>>) target(%dma_start3A_78 : memref<80x32xf32, #tpu.memory_space<vmem>>) offsets(%dma_start3A_80 : memref<80xi32, #tpu.memory_space<vmem>>) semaphore(%arg12 : memref<!tpu.dma_semaphore, #tpu.memory_space<semaphore_mem>>)
    %dma_start3A_84 = arith.constant 0 : i32
    %dma_start3A_85 = arith.constant 320 : i32
    %dma_start3A_86 = arith.constant 0 : i32
    %dma_start3A_87 = tpu.memref_slice %arg9[%dma_start3A_84, %dma_start3A_85, %dma_start3A_86] : memref<2x400x32xf32, #tpu.memory_space<vmem>> -> memref<1x80x32xf32, #tpu.memory_space<vmem>>
    %dma_start3A_88 = tpu.memref_squeeze %dma_start3A_87 : memref<1x80x32xf32, #tpu.memory_space<vmem>> -> memref<80x32xf32, #tpu.memory_space<vmem>>
    %dma_start3A_89 = arith.constant 320 : i32
    %dma_start3A_90 = tpu.memref_slice %arg7[%dma_start3A_89] : memref<10000xi32, #tpu.memory_space<vmem>> -> memref<80xi32, #tpu.memory_space<vmem>>
    %dma_start3A_91 = arith.constant 0 : i32
    %dma_start3A_92 = arith.constant 0 : i32
    %dma_start3A_93 = tpu.memref_slice %arg2[%dma_start3A_91, %dma_start3A_92] : memref<10000x32xf32, #tpu.memory_space<hbm>> -> memref<10000x32xf32, #tpu.memory_space<hbm>>
    tpu.enqueue_indirect_dma source(%dma_start3A_93 : memref<10000x32xf32, #tpu.memory_space<hbm>>) target(%dma_start3A_88 : memref<80x32xf32, #tpu.memory_space<vmem>>) offsets(%dma_start3A_90 : memref<80xi32, #tpu.memory_space<vmem>>) semaphore(%arg12 : memref<!tpu.dma_semaphore, #tpu.memory_space<semaphore_mem>>)
    %dma_start3A_94 = arith.constant 0 : i32
    %dma_start3A_95 = arith.constant 320 : i32
    %dma_start3A_96 = arith.constant 0 : i32
    %dma_start3A_97 = tpu.memref_slice %arg10[%dma_start3A_94, %dma_start3A_95, %dma_start3A_96] : memref<2x400x32xf32, #tpu.memory_space<vmem>> -> memref<1x80x32xf32, #tpu.memory_space<vmem>>
    %dma_start3A_98 = tpu.memref_squeeze %dma_start3A_97 : memref<1x80x32xf32, #tpu.memory_space<vmem>> -> memref<80x32xf32, #tpu.memory_space<vmem>>
    %dma_start3A_99 = arith.constant 320 : i32
    %dma_start3A_100 = tpu.memref_slice %arg8[%dma_start3A_99] : memref<10000xi32, #tpu.memory_space<vmem>> -> memref<80xi32, #tpu.memory_space<vmem>>
    %dma_start3A_101 = arith.constant 0 : i32
    %dma_start3A_102 = arith.constant 0 : i32
    %dma_start3A_103 = tpu.memref_slice %arg3[%dma_start3A_101, %dma_start3A_102] : memref<10000x32xf32, #tpu.memory_space<hbm>> -> memref<10000x32xf32, #tpu.memory_space<hbm>>
    tpu.enqueue_indirect_dma source(%dma_start3A_103 : memref<10000x32xf32, #tpu.memory_space<hbm>>) target(%dma_start3A_98 : memref<80x32xf32, #tpu.memory_space<vmem>>) offsets(%dma_start3A_100 : memref<80xi32, #tpu.memory_space<vmem>>) semaphore(%arg12 : memref<!tpu.dma_semaphore, #tpu.memory_space<semaphore_mem>>)
    %dma_start3A_104 = arith.constant 1 : i32
    %dma_start3A_105 = arith.constant 0 : i32
    %dma_start3A_106 = arith.constant 0 : i32
    %dma_start3A_107 = tpu.memref_slice %arg9[%dma_start3A_104, %dma_start3A_105, %dma_start3A_106] : memref<2x400x32xf32, #tpu.memory_space<vmem>> -> memref<1x80x32xf32, #tpu.memory_space<vmem>>
    %dma_start3A_108 = tpu.memref_squeeze %dma_start3A_107 : memref<1x80x32xf32, #tpu.memory_space<vmem>> -> memref<80x32xf32, #tpu.memory_space<vmem>>
    %dma_start3A_109 = arith.constant 400 : i32
    %dma_start3A_110 = tpu.memref_slice %arg7[%dma_start3A_109] : memref<10000xi32, #tpu.memory_space<vmem>> -> memref<80xi32, #tpu.memory_space<vmem>>
    %dma_start3A_111 = arith.constant 0 : i32
    %dma_start3A_112 = arith.constant 0 : i32
    %dma_start3A_113 = tpu.memref_slice %arg2[%dma_start3A_111, %dma_start3A_112] : memref<10000x32xf32, #tpu.memory_space<hbm>> -> memref<10000x32xf32, #tpu.memory_space<hbm>>
    tpu.enqueue_indirect_dma source(%dma_start3A_113 : memref<10000x32xf32, #tpu.memory_space<hbm>>) target(%dma_start3A_108 : memref<80x32xf32, #tpu.memory_space<vmem>>) offsets(%dma_start3A_110 : memref<80xi32, #tpu.memory_space<vmem>>) semaphore(%arg13 : memref<!tpu.dma_semaphore, #tpu.memory_space<semaphore_mem>>)
    %dma_start3A_114 = arith.constant 1 : i32
    %dma_start3A_115 = arith.constant 0 : i32
    %dma_start3A_116 = arith.constant 0 : i32
    %dma_start3A_117 = tpu.memref_slice %arg10[%dma_start3A_114, %dma_start3A_115, %dma_start3A_116] : memref<2x400x32xf32, #tpu.memory_space<vmem>> -> memref<1x80x32xf32, #tpu.memory_space<vmem>>
    %dma_start3A_118 = tpu.memref_squeeze %dma_start3A_117 : memref<1x80x32xf32, #tpu.memory_space<vmem>> -> memref<80x32xf32, #tpu.memory_space<vmem>>
    %dma_start3A_119 = arith.constant 400 : i32
    %dma_start3A_120 = tpu.memref_slice %arg8[%dma_start3A_119] : memref<10000xi32, #tpu.memory_space<vmem>> -> memref<80xi32, #tpu.memory_space<vmem>>
    %dma_start3A_121 = arith.constant 0 : i32
    %dma_start3A_122 = arith.constant 0 : i32
    %dma_start3A_123 = tpu.memref_slice %arg3[%dma_start3A_121, %dma_start3A_122] : memref<10000x32xf32, #tpu.memory_space<hbm>> -> memref<10000x32xf32, #tpu.memory_space<hbm>>
    tpu.enqueue_indirect_dma source(%dma_start3A_123 : memref<10000x32xf32, #tpu.memory_space<hbm>>) target(%dma_start3A_118 : memref<80x32xf32, #tpu.memory_space<vmem>>) offsets(%dma_start3A_120 : memref<80xi32, #tpu.memory_space<vmem>>) semaphore(%arg13 : memref<!tpu.dma_semaphore, #tpu.memory_space<semaphore_mem>>)
    %dma_start3A_124 = arith.constant 1 : i32
    %dma_start3A_125 = arith.constant 80 : i32
    %dma_start3A_126 = arith.constant 0 : i32
    %dma_start3A_127 = tpu.memref_slice %arg9[%dma_start3A_124, %dma_start3A_125, %dma_start3A_126] : memref<2x400x32xf32, #tpu.memory_space<vmem>> -> memref<1x80x32xf32, #tpu.memory_space<vmem>>
    %dma_start3A_128 = tpu.memref_squeeze %dma_start3A_127 : memref<1x80x32xf32, #tpu.memory_space<vmem>> -> memref<80x32xf32, #tpu.memory_space<vmem>>
    %dma_start3A_129 = arith.constant 480 : i32
    %dma_start3A_130 = tpu.memref_slice %arg7[%dma_start3A_129] : memref<10000xi32, #tpu.memory_space<vmem>> -> memref<80xi32, #tpu.memory_space<vmem>>
    %dma_start3A_131 = arith.constant 0 : i32
    %dma_start3A_132 = arith.constant 0 : i32
    %dma_start3A_133 = tpu.memref_slice %arg2[%dma_start3A_131, %dma_start3A_132] : memref<10000x32xf32, #tpu.memory_space<hbm>> -> memref<10000x32xf32, #tpu.memory_space<hbm>>
    tpu.enqueue_indirect_dma source(%dma_start3A_133 : memref<10000x32xf32, #tpu.memory_space<hbm>>) target(%dma_start3A_128 : memref<80x32xf32, #tpu.memory_space<vmem>>) offsets(%dma_start3A_130 : memref<80xi32, #tpu.memory_space<vmem>>) semaphore(%arg13 : memref<!tpu.dma_semaphore, #tpu.memory_space<semaphore_mem>>)
    %dma_start3A_134 = arith.constant 1 : i32
    %dma_start3A_135 = arith.constant 80 : i32
    %dma_start3A_136 = arith.constant 0 : i32
    %dma_start3A_137 = tpu.memref_slice %arg10[%dma_start3A_134, %dma_start3A_135, %dma_start3A_136] : memref<2x400x32xf32, #tpu.memory_space<vmem>> -> memref<1x80x32xf32, #tpu.memory_space<vmem>>
    %dma_start3A_138 = tpu.memref_squeeze %dma_start3A_137 : memref<1x80x32xf32, #tpu.memory_space<vmem>> -> memref<80x32xf32, #tpu.memory_space<vmem>>
    %dma_start3A_139 = arith.constant 480 : i32
    %dma_start3A_140 = tpu.memref_slice %arg8[%dma_start3A_139] : memref<10000xi32, #tpu.memory_space<vmem>> -> memref<80xi32, #tpu.memory_space<vmem>>
    %dma_start3A_141 = arith.constant 0 : i32
    %dma_start3A_142 = arith.constant 0 : i32
    %dma_start3A_143 = tpu.memref_slice %arg3[%dma_start3A_141, %dma_start3A_142] : memref<10000x32xf32, #tpu.memory_space<hbm>> -> memref<10000x32xf32, #tpu.memory_space<hbm>>
    tpu.enqueue_indirect_dma source(%dma_start3A_143 : memref<10000x32xf32, #tpu.memory_space<hbm>>) target(%dma_start3A_138 : memref<80x32xf32, #tpu.memory_space<vmem>>) offsets(%dma_start3A_140 : memref<80xi32, #tpu.memory_space<vmem>>) semaphore(%arg13 : memref<!tpu.dma_semaphore, #tpu.memory_space<semaphore_mem>>)
    %dma_start3A_144 = arith.constant 1 : i32
    %dma_start3A_145 = arith.constant 160 : i32
    %dma_start3A_146 = arith.constant 0 : i32
    %dma_start3A_147 = tpu.memref_slice %arg9[%dma_start3A_144, %dma_start3A_145, %dma_start3A_146] : memref<2x400x32xf32, #tpu.memory_space<vmem>> -> memref<1x80x32xf32, #tpu.memory_space<vmem>>
    %dma_start3A_148 = tpu.memref_squeeze %dma_start3A_147 : memref<1x80x32xf32, #tpu.memory_space<vmem>> -> memref<80x32xf32, #tpu.memory_space<vmem>>
    %dma_start3A_149 = arith.constant 560 : i32
    %dma_start3A_150 = tpu.memref_slice %arg7[%dma_start3A_149] : memref<10000xi32, #tpu.memory_space<vmem>> -> memref<80xi32, #tpu.memory_space<vmem>>
    %dma_start3A_151 = arith.constant 0 : i32
    %dma_start3A_152 = arith.constant 0 : i32
    %dma_start3A_153 = tpu.memref_slice %arg2[%dma_start3A_151, %dma_start3A_152] : memref<10000x32xf32, #tpu.memory_space<hbm>> -> memref<10000x32xf32, #tpu.memory_space<hbm>>
    tpu.enqueue_indirect_dma source(%dma_start3A_153 : memref<10000x32xf32, #tpu.memory_space<hbm>>) target(%dma_start3A_148 : memref<80x32xf32, #tpu.memory_space<vmem>>) offsets(%dma_start3A_150 : memref<80xi32, #tpu.memory_space<vmem>>) semaphore(%arg13 : memref<!tpu.dma_semaphore, #tpu.memory_space<semaphore_mem>>)
    %dma_start3A_154 = arith.constant 1 : i32
    %dma_start3A_155 = arith.constant 160 : i32
    %dma_start3A_156 = arith.constant 0 : i32
    %dma_start3A_157 = tpu.memref_slice %arg10[%dma_start3A_154, %dma_start3A_155, %dma_start3A_156] : memref<2x400x32xf32, #tpu.memory_space<vmem>> -> memref<1x80x32xf32, #tpu.memory_space<vmem>>
    %dma_start3A_158 = tpu.memref_squeeze %dma_start3A_157 : memref<1x80x32xf32, #tpu.memory_space<vmem>> -> memref<80x32xf32, #tpu.memory_space<vmem>>
    %dma_start3A_159 = arith.constant 560 : i32
    %dma_start3A_160 = tpu.memref_slice %arg8[%dma_start3A_159] : memref<10000xi32, #tpu.memory_space<vmem>> -> memref<80xi32, #tpu.memory_space<vmem>>
    %dma_start3A_161 = arith.constant 0 : i32
    %dma_start3A_162 = arith.constant 0 : i32
    %dma_start3A_163 = tpu.memref_slice %arg3[%dma_start3A_161, %dma_start3A_162] : memref<10000x32xf32, #tpu.memory_space<hbm>> -> memref<10000x32xf32, #tpu.memory_space<hbm>>
    tpu.enqueue_indirect_dma source(%dma_start3A_163 : memref<10000x32xf32, #tpu.memory_space<hbm>>) target(%dma_start3A_158 : memref<80x32xf32, #tpu.memory_space<vmem>>) offsets(%dma_start3A_160 : memref<80xi32, #tpu.memory_space<vmem>>) semaphore(%arg13 : memref<!tpu.dma_semaphore, #tpu.memory_space<semaphore_mem>>)
    %dma_start3A_164 = arith.constant 1 : i32
    %dma_start3A_165 = arith.constant 240 : i32
    %dma_start3A_166 = arith.constant 0 : i32
    %dma_start3A_167 = tpu.memref_slice %arg9[%dma_start3A_164, %dma_start3A_165, %dma_start3A_166] : memref<2x400x32xf32, #tpu.memory_space<vmem>> -> memref<1x80x32xf32, #tpu.memory_space<vmem>>
    %dma_start3A_168 = tpu.memref_squeeze %dma_start3A_167 : memref<1x80x32xf32, #tpu.memory_space<vmem>> -> memref<80x32xf32, #tpu.memory_space<vmem>>
    %dma_start3A_169 = arith.constant 640 : i32
    %dma_start3A_170 = tpu.memref_slice %arg7[%dma_start3A_169] : memref<10000xi32, #tpu.memory_space<vmem>> -> memref<80xi32, #tpu.memory_space<vmem>>
    %dma_start3A_171 = arith.constant 0 : i32
    %dma_start3A_172 = arith.constant 0 : i32
    %dma_start3A_173 = tpu.memref_slice %arg2[%dma_start3A_171, %dma_start3A_172] : memref<10000x32xf32, #tpu.memory_space<hbm>> -> memref<10000x32xf32, #tpu.memory_space<hbm>>
    tpu.enqueue_indirect_dma source(%dma_start3A_173 : memref<10000x32xf32, #tpu.memory_space<hbm>>) target(%dma_start3A_168 : memref<80x32xf32, #tpu.memory_space<vmem>>) offsets(%dma_start3A_170 : memref<80xi32, #tpu.memory_space<vmem>>) semaphore(%arg13 : memref<!tpu.dma_semaphore, #tpu.memory_space<semaphore_mem>>)
    %dma_start3A_174 = arith.constant 1 : i32
    %dma_start3A_175 = arith.constant 240 : i32
    %dma_start3A_176 = arith.constant 0 : i32
    %dma_start3A_177 = tpu.memref_slice %arg10[%dma_start3A_174, %dma_start3A_175, %dma_start3A_176] : memref<2x400x32xf32, #tpu.memory_space<vmem>> -> memref<1x80x32xf32, #tpu.memory_space<vmem>>
    %dma_start3A_178 = tpu.memref_squeeze %dma_start3A_177 : memref<1x80x32xf32, #tpu.memory_space<vmem>> -> memref<80x32xf32, #tpu.memory_space<vmem>>
    %dma_start3A_179 = arith.constant 640 : i32
    %dma_start3A_180 = tpu.memref_slice %arg8[%dma_start3A_179] : memref<10000xi32, #tpu.memory_space<vmem>> -> memref<80xi32, #tpu.memory_space<vmem>>
    %dma_start3A_181 = arith.constant 0 : i32
    %dma_start3A_182 = arith.constant 0 : i32
    %dma_start3A_183 = tpu.memref_slice %arg3[%dma_start3A_181, %dma_start3A_182] : memref<10000x32xf32, #tpu.memory_space<hbm>> -> memref<10000x32xf32, #tpu.memory_space<hbm>>
    tpu.enqueue_indirect_dma source(%dma_start3A_183 : memref<10000x32xf32, #tpu.memory_space<hbm>>) target(%dma_start3A_178 : memref<80x32xf32, #tpu.memory_space<vmem>>) offsets(%dma_start3A_180 : memref<80xi32, #tpu.memory_space<vmem>>) semaphore(%arg13 : memref<!tpu.dma_semaphore, #tpu.memory_space<semaphore_mem>>)
    %dma_start3A_184 = arith.constant 1 : i32
    %dma_start3A_185 = arith.constant 320 : i32
    %dma_start3A_186 = arith.constant 0 : i32
    %dma_start3A_187 = tpu.memref_slice %arg9[%dma_start3A_184, %dma_start3A_185, %dma_start3A_186] : memref<2x400x32xf32, #tpu.memory_space<vmem>> -> memref<1x80x32xf32, #tpu.memory_space<vmem>>
    %dma_start3A_188 = tpu.memref_squeeze %dma_start3A_187 : memref<1x80x32xf32, #tpu.memory_space<vmem>> -> memref<80x32xf32, #tpu.memory_space<vmem>>
    %dma_start3A_189 = arith.constant 720 : i32
    %dma_start3A_190 = tpu.memref_slice %arg7[%dma_start3A_189] : memref<10000xi32, #tpu.memory_space<vmem>> -> memref<80xi32, #tpu.memory_space<vmem>>
    %dma_start3A_191 = arith.constant 0 : i32
    %dma_start3A_192 = arith.constant 0 : i32
    %dma_start3A_193 = tpu.memref_slice %arg2[%dma_start3A_191, %dma_start3A_192] : memref<10000x32xf32, #tpu.memory_space<hbm>> -> memref<10000x32xf32, #tpu.memory_space<hbm>>
    tpu.enqueue_indirect_dma source(%dma_start3A_193 : memref<10000x32xf32, #tpu.memory_space<hbm>>) target(%dma_start3A_188 : memref<80x32xf32, #tpu.memory_space<vmem>>) offsets(%dma_start3A_190 : memref<80xi32, #tpu.memory_space<vmem>>) semaphore(%arg13 : memref<!tpu.dma_semaphore, #tpu.memory_space<semaphore_mem>>)
    %dma_start3A_194 = arith.constant 1 : i32
    %dma_start3A_195 = arith.constant 320 : i32
    %dma_start3A_196 = arith.constant 0 : i32
    %dma_start3A_197 = tpu.memref_slice %arg10[%dma_start3A_194, %dma_start3A_195, %dma_start3A_196] : memref<2x400x32xf32, #tpu.memory_space<vmem>> -> memref<1x80x32xf32, #tpu.memory_space<vmem>>
    %dma_start3A_198 = tpu.memref_squeeze %dma_start3A_197 : memref<1x80x32xf32, #tpu.memory_space<vmem>> -> memref<80x32xf32, #tpu.memory_space<vmem>>
    %dma_start3A_199 = arith.constant 720 : i32
    %dma_start3A_200 = tpu.memref_slice %arg8[%dma_start3A_199] : memref<10000xi32, #tpu.memory_space<vmem>> -> memref<80xi32, #tpu.memory_space<vmem>>
    %dma_start3A_201 = arith.constant 0 : i32
    %dma_start3A_202 = arith.constant 0 : i32
    %dma_start3A_203 = tpu.memref_slice %arg3[%dma_start3A_201, %dma_start3A_202] : memref<10000x32xf32, #tpu.memory_space<hbm>> -> memref<10000x32xf32, #tpu.memory_space<hbm>>
    tpu.enqueue_indirect_dma source(%dma_start3A_203 : memref<10000x32xf32, #tpu.memory_space<hbm>>) target(%dma_start3A_198 : memref<80x32xf32, #tpu.memory_space<vmem>>) offsets(%dma_start3A_200 : memref<80xi32, #tpu.memory_space<vmem>>) semaphore(%arg13 : memref<!tpu.dma_semaphore, #tpu.memory_space<semaphore_mem>>)
    %scan3A = arith.constant 0 : i32
    %scan3A_204 = arith.constant 12 : i32
    %scan3A_205 = arith.addi %scan3A, %scan3A_204 : i32
    %scan3A_206 = arith.constant 1 : i32
    scf.for %scan3A_302 = %scan3A to %scan3A_205 step %scan3A_206  : i32 {
      %mul3A_303 = arith.constant 1 : i32
      %mul3A_304 = arith.muli %scan3A_302, %mul3A_303 : i32
      %add3A_305 = arith.constant 0 : i32
      %add3A_306 = arith.addi %add3A_305, %mul3A_304 : i32
      %ge3A = arith.constant 1 : i32
      %ge3A_307 = arith.cmpi sge, %add3A_306, %ge3A : i32
      %convert_element_type3A = arith.extui %ge3A_307 : i1 to i32
      %cond3A = arith.constant 0 : i32
      %cond3A_308 = arith.cmpi ne, %convert_element_type3A, %cond3A : i32
      scf.if %cond3A_308 {
        %dma_wait3A_437 = arith.constant 0 : i32
        %dma_wait3A_438 = arith.constant 0 : i32
        %dma_wait3A_439 = arith.constant 0 : i32
        %dma_wait3A_440 = tpu.memref_slice %arg11[%dma_wait3A_437, %dma_wait3A_438, %dma_wait3A_439] : memref<2x100x128xf32, #tpu.memory_space<vmem>> -> memref<1x100x128xf32, #tpu.memory_space<vmem>>
        %dma_wait3A_441 = tpu.memref_squeeze %dma_wait3A_440 : memref<1x100x128xf32, #tpu.memory_space<vmem>> -> memref<100x128xf32, #tpu.memory_space<vmem>>
        %dma_wait3A_442 = arith.constant 0 : i32
        %dma_wait3A_443 = arith.constant 0 : i32
        %dma_wait3A_444 = tpu.memref_slice %arg6[%dma_wait3A_442, %dma_wait3A_443] : memref<80000x128xf32, #tpu.memory_space<hbm>> -> memref<100x128xf32, #tpu.memory_space<hbm>>
        %dma_wait3A_445 = arith.constant 0 : i32
        %dma_wait3A_446 = arith.constant 0 : i32
        %dma_wait3A_447 = tpu.memref_slice %arg6[%dma_wait3A_445, %dma_wait3A_446] : memref<80000x128xf32, #tpu.memory_space<hbm>> -> memref<100x128xf32, #tpu.memory_space<hbm>>
        %dma_wait3A_448 = arith.constant 0 : i32
        %dma_wait3A_449 = arith.constant 0 : i32
        %dma_wait3A_450 = tpu.memref_slice %arg11[%dma_wait3A_437, %dma_wait3A_448, %dma_wait3A_449] : memref<2x100x128xf32, #tpu.memory_space<vmem>> -> memref<1x100x128xf32, #tpu.memory_space<vmem>>
        %dma_wait3A_451 = tpu.memref_squeeze %dma_wait3A_450 : memref<1x100x128xf32, #tpu.memory_space<vmem>> -> memref<100x128xf32, #tpu.memory_space<vmem>>
        tpu.wait_dma2 semaphore(%arg14 : memref<!tpu.dma_semaphore, #tpu.memory_space<semaphore_mem>>) src(%dma_wait3A_451 : memref<100x128xf32, #tpu.memory_space<vmem>>) dst(%dma_wait3A_447 : memref<100x128xf32, #tpu.memory_space<hbm>>)
      } else {
      }
      %mul3A_309 = arith.constant 2 : i32
      %mul3A_310 = arith.muli %add3A_306, %mul3A_309 : i32
      %add3A_311 = arith.constant 0 : i32
      %add3A_312 = arith.addi %mul3A_310, %add3A_311 : i32
      %dma_wait3A_313 = arith.constant 0 : i32
      %dma_wait3A_314 = arith.constant 0 : i32
      %dma_wait3A_315 = arith.constant 0 : i32
      %dma_wait3A_316 = tpu.memref_slice %arg9[%dma_wait3A_313, %dma_wait3A_314, %dma_wait3A_315] : memref<2x400x32xf32, #tpu.memory_space<vmem>> -> memref<1x400x32xf32, #tpu.memory_space<vmem>>
      %dma_wait3A_317 = tpu.memref_squeeze %dma_wait3A_316 : memref<1x400x32xf32, #tpu.memory_space<vmem>> -> memref<400x32xf32, #tpu.memory_space<vmem>>
      %dma_wait3A_318 = arith.constant 0 : i32
      %dma_wait3A_319 = arith.constant 0 : i32
      %dma_wait3A_320 = tpu.memref_slice %arg2[%dma_wait3A_318, %dma_wait3A_319] : memref<10000x32xf32, #tpu.memory_space<hbm>> -> memref<400x32xf32, #tpu.memory_space<hbm>>
      %dma_wait3A_321 = arith.constant 0 : i32
      %dma_wait3A_322 = arith.constant 0 : i32
      %dma_wait3A_323 = tpu.memref_slice %arg9[%dma_wait3A_313, %dma_wait3A_321, %dma_wait3A_322] : memref<2x400x32xf32, #tpu.memory_space<vmem>> -> memref<1x400x32xf32, #tpu.memory_space<vmem>>
      %dma_wait3A_324 = tpu.memref_squeeze %dma_wait3A_323 : memref<1x400x32xf32, #tpu.memory_space<vmem>> -> memref<400x32xf32, #tpu.memory_space<vmem>>
      %dma_wait3A_325 = arith.constant 0 : i32
      %dma_wait3A_326 = arith.constant 0 : i32
      %dma_wait3A_327 = tpu.memref_slice %arg2[%dma_wait3A_325, %dma_wait3A_326] : memref<10000x32xf32, #tpu.memory_space<hbm>> -> memref<400x32xf32, #tpu.memory_space<hbm>>
      tpu.wait_dma2 semaphore(%arg12 : memref<!tpu.dma_semaphore, #tpu.memory_space<semaphore_mem>>) src(%dma_wait3A_327 : memref<400x32xf32, #tpu.memory_space<hbm>>) dst(%dma_wait3A_324 : memref<400x32xf32, #tpu.memory_space<vmem>>)
      %dma_wait3A_328 = arith.constant 0 : i32
      %dma_wait3A_329 = arith.constant 0 : i32
      %dma_wait3A_330 = arith.constant 0 : i32
      %dma_wait3A_331 = tpu.memref_slice %arg10[%dma_wait3A_328, %dma_wait3A_329, %dma_wait3A_330] : memref<2x400x32xf32, #tpu.memory_space<vmem>> -> memref<1x400x32xf32, #tpu.memory_space<vmem>>
      %dma_wait3A_332 = tpu.memref_squeeze %dma_wait3A_331 : memref<1x400x32xf32, #tpu.memory_space<vmem>> -> memref<400x32xf32, #tpu.memory_space<vmem>>
      %dma_wait3A_333 = arith.constant 0 : i32
      %dma_wait3A_334 = arith.constant 0 : i32
      %dma_wait3A_335 = tpu.memref_slice %arg3[%dma_wait3A_333, %dma_wait3A_334] : memref<10000x32xf32, #tpu.memory_space<hbm>> -> memref<400x32xf32, #tpu.memory_space<hbm>>
      %dma_wait3A_336 = arith.constant 0 : i32
      %dma_wait3A_337 = arith.constant 0 : i32
      %dma_wait3A_338 = tpu.memref_slice %arg10[%dma_wait3A_328, %dma_wait3A_336, %dma_wait3A_337] : memref<2x400x32xf32, #tpu.memory_space<vmem>> -> memref<1x400x32xf32, #tpu.memory_space<vmem>>
      %dma_wait3A_339 = tpu.memref_squeeze %dma_wait3A_338 : memref<1x400x32xf32, #tpu.memory_space<vmem>> -> memref<400x32xf32, #tpu.memory_space<vmem>>
      %dma_wait3A_340 = arith.constant 0 : i32
      %dma_wait3A_341 = arith.constant 0 : i32
      %dma_wait3A_342 = tpu.memref_slice %arg3[%dma_wait3A_340, %dma_wait3A_341] : memref<10000x32xf32, #tpu.memory_space<hbm>> -> memref<400x32xf32, #tpu.memory_space<hbm>>
      tpu.wait_dma2 semaphore(%arg12 : memref<!tpu.dma_semaphore, #tpu.memory_space<semaphore_mem>>) src(%dma_wait3A_342 : memref<400x32xf32, #tpu.memory_space<hbm>>) dst(%dma_wait3A_339 : memref<400x32xf32, #tpu.memory_space<vmem>>)
      %scan3A_343 = arith.constant 0 : i32
      %scan3A_344 = arith.constant 100 : i32
      %scan3A_345 = arith.addi %scan3A_343, %scan3A_344 : i32
      %scan3A_346 = arith.constant 1 : i32
      scf.for %scan3A_437 = %scan3A_343 to %scan3A_345 step %scan3A_346  : i32 {
        %mul3A_438 = arith.constant 1 : i32
        %mul3A_439 = arith.muli %scan3A_437, %mul3A_438 : i32
        %add3A_440 = arith.constant 0 : i32
        %add3A_441 = arith.addi %add3A_440, %mul3A_439 : i32
        %mul3A_442 = arith.constant 4 : i32
        %mul3A_443 = arith.muli %add3A_441, %mul3A_442 : i32
        %add3A_444 = arith.constant 0 : i32
        %add3A_445 = arith.addi %mul3A_443, %add3A_444 : i32
        %get3A = arith.constant 0 : i32
        %get3A_446 = arith.index_cast %get3A : i32 to index
        %get3A_447 = arith.index_cast %add3A_445 : i32 to index
        %get3A_448 = arith.constant 0 : index
        %get3A_449 = tpu.vector_load %arg9[%get3A_446, %get3A_447, %get3A_448] {strides = array<i32>} : memref<2x400x32xf32, #tpu.memory_space<vmem>>, vector<1x1x16xf32>,
        %get3A_450 = vector.shape_cast %get3A_449 : vector<1x1x16xf32> to vector<1x16xf32>
        %get3A_451 = arith.constant 0 : i32
        %get3A_452 = arith.index_cast %get3A_451 : i32 to index
        %get3A_453 = arith.index_cast %add3A_445 : i32 to index
        %get3A_454 = arith.constant 0 : index
        %get3A_455 = tpu.vector_load %arg10[%get3A_452, %get3A_453, %get3A_454] {strides = array<i32>} : memref<2x400x32xf32, #tpu.memory_space<vmem>>, vector<1x1x16xf32>,
        %get3A_456 = vector.shape_cast %get3A_455 : vector<1x1x16xf32> to vector<1x16xf32>
        %add3A_457 = arith.addf %get3A_450, %get3A_456 : vector<1x16xf32>
        %swap3A = arith.constant 0 : i32
        %swap3A_458 = arith.index_cast %swap3A : i32 to index
        %swap3A_459 = arith.index_cast %add3A_441 : i32 to index
        %swap3A_460 = arith.constant 0 : index
        %swap3A_461 = tpu.vector_load %arg11[%swap3A_458, %swap3A_459, %swap3A_460] {strides = array<i32>} : memref<2x100x128xf32, #tpu.memory_space<vmem>>, vector<1x1x16xf32>,
        %swap3A_462 = vector.shape_cast %swap3A_461 : vector<1x1x16xf32> to vector<1x16xf32>
        %swap3A_463 = vector.shape_cast %add3A_457 : vector<1x16xf32> to vector<1x1x16xf32>
        tpu.vector_store %arg11[%swap3A_458, %swap3A_459, %swap3A_460], %swap3A_463 {strides = array<i32>} : memref<2x100x128xf32, #tpu.memory_space<vmem>>, vector<1x1x16xf32>,
        %mul3A_464 = arith.constant 4 : i32
        %mul3A_465 = arith.muli %add3A_441, %mul3A_464 : i32
        %add3A_466 = arith.constant 0 : i32
        %add3A_467 = arith.addi %mul3A_465, %add3A_466 : i32
        %get3A_468 = arith.constant 0 : i32
        %get3A_469 = arith.index_cast %get3A_468 : i32 to index
        %get3A_470 = arith.index_cast %add3A_467 : i32 to index
        %get3A_471 = arith.constant 16 : index
        %get3A_472 = tpu.vector_load %arg9[%get3A_469, %get3A_470, %get3A_471] {strides = array<i32>} : memref<2x400x32xf32, #tpu.memory_space<vmem>>, vector<1x1x16xf32>,
        %get3A_473 = vector.shape_cast %get3A_472 : vector<1x1x16xf32> to vector<1x16xf32>
        %get3A_474 = arith.constant 0 : i32
        %get3A_475 = arith.index_cast %get3A_474 : i32 to index
        %get3A_476 = arith.index_cast %add3A_467 : i32 to index
        %get3A_477 = arith.constant 16 : index
        %get3A_478 = tpu.vector_load %arg10[%get3A_475, %get3A_476, %get3A_477] {strides = array<i32>} : memref<2x400x32xf32, #tpu.memory_space<vmem>>, vector<1x1x16xf32>,
        %get3A_479 = vector.shape_cast %get3A_478 : vector<1x1x16xf32> to vector<1x16xf32>
        %add3A_480 = arith.addf %get3A_473, %get3A_479 : vector<1x16xf32>
        %swap3A_481 = arith.constant 0 : i32
        %swap3A_482 = arith.index_cast %swap3A_481 : i32 to index
        %swap3A_483 = arith.index_cast %add3A_441 : i32 to index
        %swap3A_484 = arith.constant 16 : index
        %swap3A_485 = tpu.vector_load %arg11[%swap3A_482, %swap3A_483, %swap3A_484] {strides = array<i32>} : memref<2x100x128xf32, #tpu.memory_space<vmem>>, vector<1x1x16xf32>,
        %swap3A_486 = vector.shape_cast %swap3A_485 : vector<1x1x16xf32> to vector<1x16xf32>
        %swap3A_487 = vector.shape_cast %add3A_480 : vector<1x16xf32> to vector<1x1x16xf32>
        tpu.vector_store %arg11[%swap3A_482, %swap3A_483, %swap3A_484], %swap3A_487 {strides = array<i32>} : memref<2x100x128xf32, #tpu.memory_space<vmem>>, vector<1x1x16xf32>,
        %mul3A_488 = arith.constant 4 : i32
        %mul3A_489 = arith.muli %add3A_441, %mul3A_488 : i32
        %add3A_490 = arith.constant 1 : i32
        %add3A_491 = arith.addi %mul3A_489, %add3A_490 : i32
        %get3A_492 = arith.constant 0 : i32
        %get3A_493 = arith.index_cast %get3A_492 : i32 to index
        %get3A_494 = arith.index_cast %add3A_491 : i32 to index
        %get3A_495 = arith.constant 0 : index
        %get3A_496 = tpu.vector_load %arg9[%get3A_493, %get3A_494, %get3A_495] {strides = array<i32>} : memref<2x400x32xf32, #tpu.memory_space<vmem>>, vector<1x1x16xf32>,
        %get3A_497 = vector.shape_cast %get3A_496 : vector<1x1x16xf32> to vector<1x16xf32>
        %get3A_498 = arith.constant 0 : i32
        %get3A_499 = arith.index_cast %get3A_498 : i32 to index
        %get3A_500 = arith.index_cast %add3A_491 : i32 to index
        %get3A_501 = arith.constant 0 : index
        %get3A_502 = tpu.vector_load %arg10[%get3A_499, %get3A_500, %get3A_501] {strides = array<i32>} : memref<2x400x32xf32, #tpu.memory_space<vmem>>, vector<1x1x16xf32>,
        %get3A_503 = vector.shape_cast %get3A_502 : vector<1x1x16xf32> to vector<1x16xf32>
        %add3A_504 = arith.addf %get3A_497, %get3A_503 : vector<1x16xf32>
        %swap3A_505 = arith.constant 0 : i32
        %swap3A_506 = arith.index_cast %swap3A_505 : i32 to index
        %swap3A_507 = arith.index_cast %add3A_441 : i32 to index
        %swap3A_508 = arith.constant 32 : index
        %swap3A_509 = tpu.vector_load %arg11[%swap3A_506, %swap3A_507, %swap3A_508] {strides = array<i32>} : memref<2x100x128xf32, #tpu.memory_space<vmem>>, vector<1x1x16xf32>,
        %swap3A_510 = vector.shape_cast %swap3A_509 : vector<1x1x16xf32> to vector<1x16xf32>
        %swap3A_511 = vector.shape_cast %add3A_504 : vector<1x16xf32> to vector<1x1x16xf32>
        tpu.vector_store %arg11[%swap3A_506, %swap3A_507, %swap3A_508], %swap3A_511 {strides = array<i32>} : memref<2x100x128xf32, #tpu.memory_space<vmem>>, vector<1x1x16xf32>,
        %mul3A_512 = arith.constant 4 : i32
        %mul3A_513 = arith.muli %add3A_441, %mul3A_512 : i32
        %add3A_514 = arith.constant 1 : i32
        %add3A_515 = arith.addi %mul3A_513, %add3A_514 : i32
        %get3A_516 = arith.constant 0 : i32
        %get3A_517 = arith.index_cast %get3A_516 : i32 to index
        %get3A_518 = arith.index_cast %add3A_515 : i32 to index
        %get3A_519 = arith.constant 16 : index
        %get3A_520 = tpu.vector_load %arg9[%get3A_517, %get3A_518, %get3A_519] {strides = array<i32>} : memref<2x400x32xf32, #tpu.memory_space<vmem>>, vector<1x1x16xf32>,
        %get3A_521 = vector.shape_cast %get3A_520 : vector<1x1x16xf32> to vector<1x16xf32>
        %get3A_522 = arith.constant 0 : i32
        %get3A_523 = arith.index_cast %get3A_522 : i32 to index
        %get3A_524 = arith.index_cast %add3A_515 : i32 to index
        %get3A_525 = arith.constant 16 : index
        %get3A_526 = tpu.vector_load %arg10[%get3A_523, %get3A_524, %get3A_525] {strides = array<i32>} : memref<2x400x32xf32, #tpu.memory_space<vmem>>, vector<1x1x16xf32>,
        %get3A_527 = vector.shape_cast %get3A_526 : vector<1x1x16xf32> to vector<1x16xf32>
        %add3A_528 = arith.addf %get3A_521, %get3A_527 : vector<1x16xf32>
        %swap3A_529 = arith.constant 0 : i32
        %swap3A_530 = arith.index_cast %swap3A_529 : i32 to index
        %swap3A_531 = arith.index_cast %add3A_441 : i32 to index
        %swap3A_532 = arith.constant 48 : index
        %swap3A_533 = tpu.vector_load %arg11[%swap3A_530, %swap3A_531, %swap3A_532] {strides = array<i32>} : memref<2x100x128xf32, #tpu.memory_space<vmem>>, vector<1x1x16xf32>,
        %swap3A_534 = vector.shape_cast %swap3A_533 : vector<1x1x16xf32> to vector<1x16xf32>
        %swap3A_535 = vector.shape_cast %add3A_528 : vector<1x16xf32> to vector<1x1x16xf32>
        tpu.vector_store %arg11[%swap3A_530, %swap3A_531, %swap3A_532], %swap3A_535 {strides = array<i32>} : memref<2x100x128xf32, #tpu.memory_space<vmem>>, vector<1x1x16xf32>,
        %mul3A_536 = arith.constant 4 : i32
        %mul3A_537 = arith.muli %add3A_441, %mul3A_536 : i32
        %add3A_538 = arith.constant 2 : i32
        %add3A_539 = arith.addi %mul3A_537, %add3A_538 : i32
        %get3A_540 = arith.constant 0 : i32
        %get3A_541 = arith.index_cast %get3A_540 : i32 to index
        %get3A_542 = arith.index_cast %add3A_539 : i32 to index
        %get3A_543 = arith.constant 0 : index
        %get3A_544 = tpu.vector_load %arg9[%get3A_541, %get3A_542, %get3A_543] {strides = array<i32>} : memref<2x400x32xf32, #tpu.memory_space<vmem>>, vector<1x1x16xf32>,
        %get3A_545 = vector.shape_cast %get3A_544 : vector<1x1x16xf32> to vector<1x16xf32>
        %get3A_546 = arith.constant 0 : i32
        %get3A_547 = arith.index_cast %get3A_546 : i32 to index
        %get3A_548 = arith.index_cast %add3A_539 : i32 to index
        %get3A_549 = arith.constant 0 : index
        %get3A_550 = tpu.vector_load %arg10[%get3A_547, %get3A_548, %get3A_549] {strides = array<i32>} : memref<2x400x32xf32, #tpu.memory_space<vmem>>, vector<1x1x16xf32>,
        %get3A_551 = vector.shape_cast %get3A_550 : vector<1x1x16xf32> to vector<1x16xf32>
        %add3A_552 = arith.addf %get3A_545, %get3A_551 : vector<1x16xf32>
        %swap3A_553 = arith.constant 0 : i32
        %swap3A_554 = arith.index_cast %swap3A_553 : i32 to index
        %swap3A_555 = arith.index_cast %add3A_441 : i32 to index
        %swap3A_556 = arith.constant 64 : index
        %swap3A_557 = tpu.vector_load %arg11[%swap3A_554, %swap3A_555, %swap3A_556] {strides = array<i32>} : memref<2x100x128xf32, #tpu.memory_space<vmem>>, vector<1x1x16xf32>,
        %swap3A_558 = vector.shape_cast %swap3A_557 : vector<1x1x16xf32> to vector<1x16xf32>
        %swap3A_559 = vector.shape_cast %add3A_552 : vector<1x16xf32> to vector<1x1x16xf32>
        tpu.vector_store %arg11[%swap3A_554, %swap3A_555, %swap3A_556], %swap3A_559 {strides = array<i32>} : memref<2x100x128xf32, #tpu.memory_space<vmem>>, vector<1x1x16xf32>,
        %mul3A_560 = arith.constant 4 : i32
        %mul3A_561 = arith.muli %add3A_441, %mul3A_560 : i32
        %add3A_562 = arith.constant 2 : i32
        %add3A_563 = arith.addi %mul3A_561, %add3A_562 : i32
        %get3A_564 = arith.constant 0 : i32
        %get3A_565 = arith.index_cast %get3A_564 : i32 to index
        %get3A_566 = arith.index_cast %add3A_563 : i32 to index
        %get3A_567 = arith.constant 16 : index
        %get3A_568 = tpu.vector_load %arg9[%get3A_565, %get3A_566, %get3A_567] {strides = array<i32>} : memref<2x400x32xf32, #tpu.memory_space<vmem>>, vector<1x1x16xf32>,
        %get3A_569 = vector.shape_cast %get3A_568 : vector<1x1x16xf32> to vector<1x16xf32>
        %get3A_570 = arith.constant 0 : i32
        %get3A_571 = arith.index_cast %get3A_570 : i32 to index
        %get3A_572 = arith.index_cast %add3A_563 : i32 to index
        %get3A_573 = arith.constant 16 : index
        %get3A_574 = tpu.vector_load %arg10[%get3A_571, %get3A_572, %get3A_573] {strides = array<i32>} : memref<2x400x32xf32, #tpu.memory_space<vmem>>, vector<1x1x16xf32>,
        %get3A_575 = vector.shape_cast %get3A_574 : vector<1x1x16xf32> to vector<1x16xf32>
        %add3A_576 = arith.addf %get3A_569, %get3A_575 : vector<1x16xf32>
        %swap3A_577 = arith.constant 0 : i32
        %swap3A_578 = arith.index_cast %swap3A_577 : i32 to index
        %swap3A_579 = arith.index_cast %add3A_441 : i32 to index
        %swap3A_580 = arith.constant 80 : index
        %swap3A_581 = tpu.vector_load %arg11[%swap3A_578, %swap3A_579, %swap3A_580] {strides = array<i32>} : memref<2x100x128xf32, #tpu.memory_space<vmem>>, vector<1x1x16xf32>,
        %swap3A_582 = vector.shape_cast %swap3A_581 : vector<1x1x16xf32> to vector<1x16xf32>
        %swap3A_583 = vector.shape_cast %add3A_576 : vector<1x16xf32> to vector<1x1x16xf32>
        tpu.vector_store %arg11[%swap3A_578, %swap3A_579, %swap3A_580], %swap3A_583 {strides = array<i32>} : memref<2x100x128xf32, #tpu.memory_space<vmem>>, vector<1x1x16xf32>,
        %mul3A_584 = arith.constant 4 : i32
        %mul3A_585 = arith.muli %add3A_441, %mul3A_584 : i32
        %add3A_586 = arith.constant 3 : i32
        %add3A_587 = arith.addi %mul3A_585, %add3A_586 : i32
        %get3A_588 = arith.constant 0 : i32
        %get3A_589 = arith.index_cast %get3A_588 : i32 to index
        %get3A_590 = arith.index_cast %add3A_587 : i32 to index
        %get3A_591 = arith.constant 0 : index
        %get3A_592 = tpu.vector_load %arg9[%get3A_589, %get3A_590, %get3A_591] {strides = array<i32>} : memref<2x400x32xf32, #tpu.memory_space<vmem>>, vector<1x1x16xf32>,
        %get3A_593 = vector.shape_cast %get3A_592 : vector<1x1x16xf32> to vector<1x16xf32>
        %get3A_594 = arith.constant 0 : i32
        %get3A_595 = arith.index_cast %get3A_594 : i32 to index
        %get3A_596 = arith.index_cast %add3A_587 : i32 to index
        %get3A_597 = arith.constant 0 : index
        %get3A_598 = tpu.vector_load %arg10[%get3A_595, %get3A_596, %get3A_597] {strides = array<i32>} : memref<2x400x32xf32, #tpu.memory_space<vmem>>, vector<1x1x16xf32>,
        %get3A_599 = vector.shape_cast %get3A_598 : vector<1x1x16xf32> to vector<1x16xf32>
        %add3A_600 = arith.addf %get3A_593, %get3A_599 : vector<1x16xf32>
        %swap3A_601 = arith.constant 0 : i32
        %swap3A_602 = arith.index_cast %swap3A_601 : i32 to index
        %swap3A_603 = arith.index_cast %add3A_441 : i32 to index
        %swap3A_604 = arith.constant 96 : index
        %swap3A_605 = tpu.vector_load %arg11[%swap3A_602, %swap3A_603, %swap3A_604] {strides = array<i32>} : memref<2x100x128xf32, #tpu.memory_space<vmem>>, vector<1x1x16xf32>,
        %swap3A_606 = vector.shape_cast %swap3A_605 : vector<1x1x16xf32> to vector<1x16xf32>
        %swap3A_607 = vector.shape_cast %add3A_600 : vector<1x16xf32> to vector<1x1x16xf32>
        tpu.vector_store %arg11[%swap3A_602, %swap3A_603, %swap3A_604], %swap3A_607 {strides = array<i32>} : memref<2x100x128xf32, #tpu.memory_space<vmem>>, vector<1x1x16xf32>,
        %mul3A_608 = arith.constant 4 : i32
        %mul3A_609 = arith.muli %add3A_441, %mul3A_608 : i32
        %add3A_610 = arith.constant 3 : i32
        %add3A_611 = arith.addi %mul3A_609, %add3A_610 : i32
        %get3A_612 = arith.constant 0 : i32
        %get3A_613 = arith.index_cast %get3A_612 : i32 to index
        %get3A_614 = arith.index_cast %add3A_611 : i32 to index
        %get3A_615 = arith.constant 16 : index
        %get3A_616 = tpu.vector_load %arg9[%get3A_613, %get3A_614, %get3A_615] {strides = array<i32>} : memref<2x400x32xf32, #tpu.memory_space<vmem>>, vector<1x1x16xf32>,
        %get3A_617 = vector.shape_cast %get3A_616 : vector<1x1x16xf32> to vector<1x16xf32>
        %get3A_618 = arith.constant 0 : i32
        %get3A_619 = arith.index_cast %get3A_618 : i32 to index
        %get3A_620 = arith.index_cast %add3A_611 : i32 to index
        %get3A_621 = arith.constant 16 : index
        %get3A_622 = tpu.vector_load %arg10[%get3A_619, %get3A_620, %get3A_621] {strides = array<i32>} : memref<2x400x32xf32, #tpu.memory_space<vmem>>, vector<1x1x16xf32>,
        %get3A_623 = vector.shape_cast %get3A_622 : vector<1x1x16xf32> to vector<1x16xf32>
        %add3A_624 = arith.addf %get3A_617, %get3A_623 : vector<1x16xf32>
        %swap3A_625 = arith.constant 0 : i32
        %swap3A_626 = arith.index_cast %swap3A_625 : i32 to index
        %swap3A_627 = arith.index_cast %add3A_441 : i32 to index
        %swap3A_628 = arith.constant 112 : index
        %swap3A_629 = tpu.vector_load %arg11[%swap3A_626, %swap3A_627, %swap3A_628] {strides = array<i32>} : memref<2x100x128xf32, #tpu.memory_space<vmem>>, vector<1x1x16xf32>,
        %swap3A_630 = vector.shape_cast %swap3A_629 : vector<1x1x16xf32> to vector<1x16xf32>
        %swap3A_631 = vector.shape_cast %add3A_624 : vector<1x16xf32> to vector<1x1x16xf32>
        tpu.vector_store %arg11[%swap3A_626, %swap3A_627, %swap3A_628], %swap3A_631 {strides = array<i32>} : memref<2x100x128xf32, #tpu.memory_space<vmem>>, vector<1x1x16xf32>,
      }
      %scan3A_347 = arith.constant 100 : i32
      %add3A_348 = arith.constant 2 : i32
      %add3A_349 = arith.addi %add3A_312, %add3A_348 : i32
      %lt3A = arith.constant 25 : i32
      %lt3A_350 = arith.cmpi slt, %add3A_349, %lt3A : i32
      %convert_element_type3A_351 = arith.extui %lt3A_350 : i1 to i32
      %cond3A_352 = arith.constant 0 : i32
      %cond3A_353 = arith.cmpi ne, %convert_element_type3A_351, %cond3A_352 : i32
      scf.if %cond3A_353 {
        %add3A_437 = arith.constant 2 : i32
        %add3A_438 = arith.addi %add3A_312, %add3A_437 : i32
        %mul3A_439 = arith.constant 400 : i32
        %mul3A_440 = arith.muli %add3A_438, %mul3A_439 : i32
        %add3A_441 = arith.constant 0 : i32
        %add3A_442 = arith.addi %mul3A_440, %add3A_441 : i32
        %dma_start3A_443 = arith.constant 0 : i32
        %dma_start3A_444 = arith.constant 0 : i32
        %dma_start3A_445 = arith.constant 0 : i32
        %dma_start3A_446 = tpu.memref_slice %arg9[%dma_start3A_443, %dma_start3A_444, %dma_start3A_445] : memref<2x400x32xf32, #tpu.memory_space<vmem>> -> memref<1x80x32xf32, #tpu.memory_space<vmem>>
        %dma_start3A_447 = tpu.memref_squeeze %dma_start3A_446 : memref<1x80x32xf32, #tpu.memory_space<vmem>> -> memref<80x32xf32, #tpu.memory_space<vmem>>
        %dma_start3A_448 = tpu.memref_slice %arg7[%add3A_442] : memref<10000xi32, #tpu.memory_space<vmem>> -> memref<80xi32, #tpu.memory_space<vmem>>
        %dma_start3A_449 = arith.constant 0 : i32
        %dma_start3A_450 = arith.constant 0 : i32
        %dma_start3A_451 = tpu.memref_slice %arg2[%dma_start3A_449, %dma_start3A_450] : memref<10000x32xf32, #tpu.memory_space<hbm>> -> memref<10000x32xf32, #tpu.memory_space<hbm>>
        tpu.enqueue_indirect_dma source(%dma_start3A_451 : memref<10000x32xf32, #tpu.memory_space<hbm>>) target(%dma_start3A_447 : memref<80x32xf32, #tpu.memory_space<vmem>>) offsets(%dma_start3A_448 : memref<80xi32, #tpu.memory_space<vmem>>) semaphore(%arg12 : memref<!tpu.dma_semaphore, #tpu.memory_space<semaphore_mem>>)
        %dma_start3A_452 = arith.constant 0 : i32
        %dma_start3A_453 = arith.constant 0 : i32
        %dma_start3A_454 = arith.constant 0 : i32
        %dma_start3A_455 = tpu.memref_slice %arg10[%dma_start3A_452, %dma_start3A_453, %dma_start3A_454] : memref<2x400x32xf32, #tpu.memory_space<vmem>> -> memref<1x80x32xf32, #tpu.memory_space<vmem>>
        %dma_start3A_456 = tpu.memref_squeeze %dma_start3A_455 : memref<1x80x32xf32, #tpu.memory_space<vmem>> -> memref<80x32xf32, #tpu.memory_space<vmem>>
        %dma_start3A_457 = tpu.memref_slice %arg8[%add3A_442] : memref<10000xi32, #tpu.memory_space<vmem>> -> memref<80xi32, #tpu.memory_space<vmem>>
        %dma_start3A_458 = arith.constant 0 : i32
        %dma_start3A_459 = arith.constant 0 : i32
        %dma_start3A_460 = tpu.memref_slice %arg3[%dma_start3A_458, %dma_start3A_459] : memref<10000x32xf32, #tpu.memory_space<hbm>> -> memref<10000x32xf32, #tpu.memory_space<hbm>>
        tpu.enqueue_indirect_dma source(%dma_start3A_460 : memref<10000x32xf32, #tpu.memory_space<hbm>>) target(%dma_start3A_456 : memref<80x32xf32, #tpu.memory_space<vmem>>) offsets(%dma_start3A_457 : memref<80xi32, #tpu.memory_space<vmem>>) semaphore(%arg12 : memref<!tpu.dma_semaphore, #tpu.memory_space<semaphore_mem>>)
        %mul3A_461 = arith.constant 400 : i32
        %mul3A_462 = arith.muli %add3A_438, %mul3A_461 : i32
        %add3A_463 = arith.constant 80 : i32
        %add3A_464 = arith.addi %mul3A_462, %add3A_463 : i32
        %dma_start3A_465 = arith.constant 0 : i32
        %dma_start3A_466 = arith.constant 80 : i32
        %dma_start3A_467 = arith.constant 0 : i32
        %dma_start3A_468 = tpu.memref_slice %arg9[%dma_start3A_465, %dma_start3A_466, %dma_start3A_467] : memref<2x400x32xf32, #tpu.memory_space<vmem>> -> memref<1x80x32xf32, #tpu.memory_space<vmem>>
        %dma_start3A_469 = tpu.memref_squeeze %dma_start3A_468 : memref<1x80x32xf32, #tpu.memory_space<vmem>> -> memref<80x32xf32, #tpu.memory_space<vmem>>
        %dma_start3A_470 = tpu.memref_slice %arg7[%add3A_464] : memref<10000xi32, #tpu.memory_space<vmem>> -> memref<80xi32, #tpu.memory_space<vmem>>
        %dma_start3A_471 = arith.constant 0 : i32
        %dma_start3A_472 = arith.constant 0 : i32
        %dma_start3A_473 = tpu.memref_slice %arg2[%dma_start3A_471, %dma_start3A_472] : memref<10000x32xf32, #tpu.memory_space<hbm>> -> memref<10000x32xf32, #tpu.memory_space<hbm>>
        tpu.enqueue_indirect_dma source(%dma_start3A_473 : memref<10000x32xf32, #tpu.memory_space<hbm>>) target(%dma_start3A_469 : memref<80x32xf32, #tpu.memory_space<vmem>>) offsets(%dma_start3A_470 : memref<80xi32, #tpu.memory_space<vmem>>) semaphore(%arg12 : memref<!tpu.dma_semaphore, #tpu.memory_space<semaphore_mem>>)
        %dma_start3A_474 = arith.constant 0 : i32
        %dma_start3A_475 = arith.constant 80 : i32
        %dma_start3A_476 = arith.constant 0 : i32
        %dma_start3A_477 = tpu.memref_slice %arg10[%dma_start3A_474, %dma_start3A_475, %dma_start3A_476] : memref<2x400x32xf32, #tpu.memory_space<vmem>> -> memref<1x80x32xf32, #tpu.memory_space<vmem>>
        %dma_start3A_478 = tpu.memref_squeeze %dma_start3A_477 : memref<1x80x32xf32, #tpu.memory_space<vmem>> -> memref<80x32xf32, #tpu.memory_space<vmem>>
        %dma_start3A_479 = tpu.memref_slice %arg8[%add3A_464] : memref<10000xi32, #tpu.memory_space<vmem>> -> memref<80xi32, #tpu.memory_space<vmem>>
        %dma_start3A_480 = arith.constant 0 : i32
        %dma_start3A_481 = arith.constant 0 : i32
        %dma_start3A_482 = tpu.memref_slice %arg3[%dma_start3A_480, %dma_start3A_481] : memref<10000x32xf32, #tpu.memory_space<hbm>> -> memref<10000x32xf32, #tpu.memory_space<hbm>>
        tpu.enqueue_indirect_dma source(%dma_start3A_482 : memref<10000x32xf32, #tpu.memory_space<hbm>>) target(%dma_start3A_478 : memref<80x32xf32, #tpu.memory_space<vmem>>) offsets(%dma_start3A_479 : memref<80xi32, #tpu.memory_space<vmem>>) semaphore(%arg12 : memref<!tpu.dma_semaphore, #tpu.memory_space<semaphore_mem>>)
        %mul3A_483 = arith.constant 400 : i32
        %mul3A_484 = arith.muli %add3A_438, %mul3A_483 : i32
        %add3A_485 = arith.constant 160 : i32
        %add3A_486 = arith.addi %mul3A_484, %add3A_485 : i32
        %dma_start3A_487 = arith.constant 0 : i32
        %dma_start3A_488 = arith.constant 160 : i32
        %dma_start3A_489 = arith.constant 0 : i32
        %dma_start3A_490 = tpu.memref_slice %arg9[%dma_start3A_487, %dma_start3A_488, %dma_start3A_489] : memref<2x400x32xf32, #tpu.memory_space<vmem>> -> memref<1x80x32xf32, #tpu.memory_space<vmem>>
        %dma_start3A_491 = tpu.memref_squeeze %dma_start3A_490 : memref<1x80x32xf32, #tpu.memory_space<vmem>> -> memref<80x32xf32, #tpu.memory_space<vmem>>
        %dma_start3A_492 = tpu.memref_slice %arg7[%add3A_486] : memref<10000xi32, #tpu.memory_space<vmem>> -> memref<80xi32, #tpu.memory_space<vmem>>
        %dma_start3A_493 = arith.constant 0 : i32
        %dma_start3A_494 = arith.constant 0 : i32
        %dma_start3A_495 = tpu.memref_slice %arg2[%dma_start3A_493, %dma_start3A_494] : memref<10000x32xf32, #tpu.memory_space<hbm>> -> memref<10000x32xf32, #tpu.memory_space<hbm>>
        tpu.enqueue_indirect_dma source(%dma_start3A_495 : memref<10000x32xf32, #tpu.memory_space<hbm>>) target(%dma_start3A_491 : memref<80x32xf32, #tpu.memory_space<vmem>>) offsets(%dma_start3A_492 : memref<80xi32, #tpu.memory_space<vmem>>) semaphore(%arg12 : memref<!tpu.dma_semaphore, #tpu.memory_space<semaphore_mem>>)
        %dma_start3A_496 = arith.constant 0 : i32
        %dma_start3A_497 = arith.constant 160 : i32
        %dma_start3A_498 = arith.constant 0 : i32
        %dma_start3A_499 = tpu.memref_slice %arg10[%dma_start3A_496, %dma_start3A_497, %dma_start3A_498] : memref<2x400x32xf32, #tpu.memory_space<vmem>> -> memref<1x80x32xf32, #tpu.memory_space<vmem>>
        %dma_start3A_500 = tpu.memref_squeeze %dma_start3A_499 : memref<1x80x32xf32, #tpu.memory_space<vmem>> -> memref<80x32xf32, #tpu.memory_space<vmem>>
        %dma_start3A_501 = tpu.memref_slice %arg8[%add3A_486] : memref<10000xi32, #tpu.memory_space<vmem>> -> memref<80xi32, #tpu.memory_space<vmem>>
        %dma_start3A_502 = arith.constant 0 : i32
        %dma_start3A_503 = arith.constant 0 : i32
        %dma_start3A_504 = tpu.memref_slice %arg3[%dma_start3A_502, %dma_start3A_503] : memref<10000x32xf32, #tpu.memory_space<hbm>> -> memref<10000x32xf32, #tpu.memory_space<hbm>>
        tpu.enqueue_indirect_dma source(%dma_start3A_504 : memref<10000x32xf32, #tpu.memory_space<hbm>>) target(%dma_start3A_500 : memref<80x32xf32, #tpu.memory_space<vmem>>) offsets(%dma_start3A_501 : memref<80xi32, #tpu.memory_space<vmem>>) semaphore(%arg12 : memref<!tpu.dma_semaphore, #tpu.memory_space<semaphore_mem>>)
        %mul3A_505 = arith.constant 400 : i32
        %mul3A_506 = arith.muli %add3A_438, %mul3A_505 : i32
        %add3A_507 = arith.constant 240 : i32
        %add3A_508 = arith.addi %mul3A_506, %add3A_507 : i32
        %dma_start3A_509 = arith.constant 0 : i32
        %dma_start3A_510 = arith.constant 240 : i32
        %dma_start3A_511 = arith.constant 0 : i32
        %dma_start3A_512 = tpu.memref_slice %arg9[%dma_start3A_509, %dma_start3A_510, %dma_start3A_511] : memref<2x400x32xf32, #tpu.memory_space<vmem>> -> memref<1x80x32xf32, #tpu.memory_space<vmem>>
        %dma_start3A_513 = tpu.memref_squeeze %dma_start3A_512 : memref<1x80x32xf32, #tpu.memory_space<vmem>> -> memref<80x32xf32, #tpu.memory_space<vmem>>
        %dma_start3A_514 = tpu.memref_slice %arg7[%add3A_508] : memref<10000xi32, #tpu.memory_space<vmem>> -> memref<80xi32, #tpu.memory_space<vmem>>
        %dma_start3A_515 = arith.constant 0 : i32
        %dma_start3A_516 = arith.constant 0 : i32
        %dma_start3A_517 = tpu.memref_slice %arg2[%dma_start3A_515, %dma_start3A_516] : memref<10000x32xf32, #tpu.memory_space<hbm>> -> memref<10000x32xf32, #tpu.memory_space<hbm>>
        tpu.enqueue_indirect_dma source(%dma_start3A_517 : memref<10000x32xf32, #tpu.memory_space<hbm>>) target(%dma_start3A_513 : memref<80x32xf32, #tpu.memory_space<vmem>>) offsets(%dma_start3A_514 : memref<80xi32, #tpu.memory_space<vmem>>) semaphore(%arg12 : memref<!tpu.dma_semaphore, #tpu.memory_space<semaphore_mem>>)
        %dma_start3A_518 = arith.constant 0 : i32
        %dma_start3A_519 = arith.constant 240 : i32
        %dma_start3A_520 = arith.constant 0 : i32
        %dma_start3A_521 = tpu.memref_slice %arg10[%dma_start3A_518, %dma_start3A_519, %dma_start3A_520] : memref<2x400x32xf32, #tpu.memory_space<vmem>> -> memref<1x80x32xf32, #tpu.memory_space<vmem>>
        %dma_start3A_522 = tpu.memref_squeeze %dma_start3A_521 : memref<1x80x32xf32, #tpu.memory_space<vmem>> -> memref<80x32xf32, #tpu.memory_space<vmem>>
        %dma_start3A_523 = tpu.memref_slice %arg8[%add3A_508] : memref<10000xi32, #tpu.memory_space<vmem>> -> memref<80xi32, #tpu.memory_space<vmem>>
        %dma_start3A_524 = arith.constant 0 : i32
        %dma_start3A_525 = arith.constant 0 : i32
        %dma_start3A_526 = tpu.memref_slice %arg3[%dma_start3A_524, %dma_start3A_525] : memref<10000x32xf32, #tpu.memory_space<hbm>> -> memref<10000x32xf32, #tpu.memory_space<hbm>>
        tpu.enqueue_indirect_dma source(%dma_start3A_526 : memref<10000x32xf32, #tpu.memory_space<hbm>>) target(%dma_start3A_522 : memref<80x32xf32, #tpu.memory_space<vmem>>) offsets(%dma_start3A_523 : memref<80xi32, #tpu.memory_space<vmem>>) semaphore(%arg12 : memref<!tpu.dma_semaphore, #tpu.memory_space<semaphore_mem>>)
        %mul3A_527 = arith.constant 400 : i32
        %mul3A_528 = arith.muli %add3A_438, %mul3A_527 : i32
        %add3A_529 = arith.constant 320 : i32
        %add3A_530 = arith.addi %mul3A_528, %add3A_529 : i32
        %dma_start3A_531 = arith.constant 0 : i32
        %dma_start3A_532 = arith.constant 320 : i32
        %dma_start3A_533 = arith.constant 0 : i32
        %dma_start3A_534 = tpu.memref_slice %arg9[%dma_start3A_531, %dma_start3A_532, %dma_start3A_533] : memref<2x400x32xf32, #tpu.memory_space<vmem>> -> memref<1x80x32xf32, #tpu.memory_space<vmem>>
        %dma_start3A_535 = tpu.memref_squeeze %dma_start3A_534 : memref<1x80x32xf32, #tpu.memory_space<vmem>> -> memref<80x32xf32, #tpu.memory_space<vmem>>
        %dma_start3A_536 = tpu.memref_slice %arg7[%add3A_530] : memref<10000xi32, #tpu.memory_space<vmem>> -> memref<80xi32, #tpu.memory_space<vmem>>
        %dma_start3A_537 = arith.constant 0 : i32
        %dma_start3A_538 = arith.constant 0 : i32
        %dma_start3A_539 = tpu.memref_slice %arg2[%dma_start3A_537, %dma_start3A_538] : memref<10000x32xf32, #tpu.memory_space<hbm>> -> memref<10000x32xf32, #tpu.memory_space<hbm>>
        tpu.enqueue_indirect_dma source(%dma_start3A_539 : memref<10000x32xf32, #tpu.memory_space<hbm>>) target(%dma_start3A_535 : memref<80x32xf32, #tpu.memory_space<vmem>>) offsets(%dma_start3A_536 : memref<80xi32, #tpu.memory_space<vmem>>) semaphore(%arg12 : memref<!tpu.dma_semaphore, #tpu.memory_space<semaphore_mem>>)
        %dma_start3A_540 = arith.constant 0 : i32
        %dma_start3A_541 = arith.constant 320 : i32
        %dma_start3A_542 = arith.constant 0 : i32
        %dma_start3A_543 = tpu.memref_slice %arg10[%dma_start3A_540, %dma_start3A_541, %dma_start3A_542] : memref<2x400x32xf32, #tpu.memory_space<vmem>> -> memref<1x80x32xf32, #tpu.memory_space<vmem>>
        %dma_start3A_544 = tpu.memref_squeeze %dma_start3A_543 : memref<1x80x32xf32, #tpu.memory_space<vmem>> -> memref<80x32xf32, #tpu.memory_space<vmem>>
        %dma_start3A_545 = tpu.memref_slice %arg8[%add3A_530] : memref<10000xi32, #tpu.memory_space<vmem>> -> memref<80xi32, #tpu.memory_space<vmem>>
        %dma_start3A_546 = arith.constant 0 : i32
        %dma_start3A_547 = arith.constant 0 : i32
        %dma_start3A_548 = tpu.memref_slice %arg3[%dma_start3A_546, %dma_start3A_547] : memref<10000x32xf32, #tpu.memory_space<hbm>> -> memref<10000x32xf32, #tpu.memory_space<hbm>>
        tpu.enqueue_indirect_dma source(%dma_start3A_548 : memref<10000x32xf32, #tpu.memory_space<hbm>>) target(%dma_start3A_544 : memref<80x32xf32, #tpu.memory_space<vmem>>) offsets(%dma_start3A_545 : memref<80xi32, #tpu.memory_space<vmem>>) semaphore(%arg12 : memref<!tpu.dma_semaphore, #tpu.memory_space<semaphore_mem>>)
      } else {
      }
      %mul3A_354 = arith.constant 100 : i32
      %mul3A_355 = arith.muli %add3A_312, %mul3A_354 : i32
      %add3A_356 = arith.addi %mul3A_4, %mul3A_355 : i32
      %dma_start3A_357 = arith.constant 0 : i32
      %dma_start3A_358 = arith.constant 0 : i32
      %dma_start3A_359 = arith.constant 0 : i32
      %dma_start3A_360 = tpu.memref_slice %arg11[%dma_start3A_357, %dma_start3A_358, %dma_start3A_359] : memref<2x100x128xf32, #tpu.memory_space<vmem>> -> memref<1x100x128xf32, #tpu.memory_space<vmem>>
      %dma_start3A_361 = tpu.memref_squeeze %dma_start3A_360 : memref<1x100x128xf32, #tpu.memory_space<vmem>> -> memref<100x128xf32, #tpu.memory_space<vmem>>
      %dma_start3A_362 = arith.constant 0 : i32
      %dma_start3A_363 = tpu.memref_slice %arg6[%add3A_356, %dma_start3A_362] : memref<80000x128xf32, #tpu.memory_space<hbm>> -> memref<100x128xf32, #tpu.memory_space<hbm>>
      %dma_start3A_364 = arith.constant 0 : i32
      %dma_start3A_365 = tpu.memref_slice %arg6[%add3A_356, %dma_start3A_364] : memref<80000x128xf32, #tpu.memory_space<hbm>> -> memref<100x128xf32, #tpu.memory_space<hbm>>
      %dma_start3A_366 = arith.constant 0 : i32
      %dma_start3A_367 = arith.constant 0 : i32
      %dma_start3A_368 = tpu.memref_slice %arg11[%dma_start3A_357, %dma_start3A_366, %dma_start3A_367] : memref<2x100x128xf32, #tpu.memory_space<vmem>> -> memref<1x100x128xf32, #tpu.memory_space<vmem>>
      %dma_start3A_369 = tpu.memref_squeeze %dma_start3A_368 : memref<1x100x128xf32, #tpu.memory_space<vmem>> -> memref<100x128xf32, #tpu.memory_space<vmem>>
      tpu.enqueue_dma source(%dma_start3A_369 : memref<100x128xf32, #tpu.memory_space<vmem>>) target(%dma_start3A_365 : memref<100x128xf32, #tpu.memory_space<hbm>>) target_semaphore(%arg14 : memref<!tpu.dma_semaphore, #tpu.memory_space<semaphore_mem>>)
      %ge3A_370 = arith.constant 1 : i32
      %ge3A_371 = arith.cmpi sge, %add3A_306, %ge3A_370 : i32
      %convert_element_type3A_372 = arith.extui %ge3A_371 : i1 to i32
      %cond3A_373 = arith.constant 0 : i32
      %cond3A_374 = arith.cmpi ne, %convert_element_type3A_372, %cond3A_373 : i32
      scf.if %cond3A_374 {
        %dma_wait3A_437 = arith.constant 1 : i32
        %dma_wait3A_438 = arith.constant 0 : i32
        %dma_wait3A_439 = arith.constant 0 : i32
        %dma_wait3A_440 = tpu.memref_slice %arg11[%dma_wait3A_437, %dma_wait3A_438, %dma_wait3A_439] : memref<2x100x128xf32, #tpu.memory_space<vmem>> -> memref<1x100x128xf32, #tpu.memory_space<vmem>>
        %dma_wait3A_441 = tpu.memref_squeeze %dma_wait3A_440 : memref<1x100x128xf32, #tpu.memory_space<vmem>> -> memref<100x128xf32, #tpu.memory_space<vmem>>
        %dma_wait3A_442 = arith.constant 0 : i32
        %dma_wait3A_443 = arith.constant 0 : i32
        %dma_wait3A_444 = tpu.memref_slice %arg6[%dma_wait3A_442, %dma_wait3A_443] : memref<80000x128xf32, #tpu.memory_space<hbm>> -> memref<100x128xf32, #tpu.memory_space<hbm>>
        %dma_wait3A_445 = arith.constant 0 : i32
        %dma_wait3A_446 = arith.constant 0 : i32
        %dma_wait3A_447 = tpu.memref_slice %arg6[%dma_wait3A_445, %dma_wait3A_446] : memref<80000x128xf32, #tpu.memory_space<hbm>> -> memref<100x128xf32, #tpu.memory_space<hbm>>
        %dma_wait3A_448 = arith.constant 0 : i32
        %dma_wait3A_449 = arith.constant 0 : i32
        %dma_wait3A_450 = tpu.memref_slice %arg11[%dma_wait3A_437, %dma_wait3A_448, %dma_wait3A_449] : memref<2x100x128xf32, #tpu.memory_space<vmem>> -> memref<1x100x128xf32, #tpu.memory_space<vmem>>
        %dma_wait3A_451 = tpu.memref_squeeze %dma_wait3A_450 : memref<1x100x128xf32, #tpu.memory_space<vmem>> -> memref<100x128xf32, #tpu.memory_space<vmem>>
        tpu.wait_dma2 semaphore(%arg15 : memref<!tpu.dma_semaphore, #tpu.memory_space<semaphore_mem>>) src(%dma_wait3A_451 : memref<100x128xf32, #tpu.memory_space<vmem>>) dst(%dma_wait3A_447 : memref<100x128xf32, #tpu.memory_space<hbm>>)
      } else {
      }
      %mul3A_375 = arith.constant 2 : i32
      %mul3A_376 = arith.muli %add3A_306, %mul3A_375 : i32
      %add3A_377 = arith.constant 1 : i32
      %add3A_378 = arith.addi %mul3A_376, %add3A_377 : i32
      %dma_wait3A_379 = arith.constant 1 : i32
      %dma_wait3A_380 = arith.constant 0 : i32
      %dma_wait3A_381 = arith.constant 0 : i32
      %dma_wait3A_382 = tpu.memref_slice %arg9[%dma_wait3A_379, %dma_wait3A_380, %dma_wait3A_381] : memref<2x400x32xf32, #tpu.memory_space<vmem>> -> memref<1x400x32xf32, #tpu.memory_space<vmem>>
      %dma_wait3A_383 = tpu.memref_squeeze %dma_wait3A_382 : memref<1x400x32xf32, #tpu.memory_space<vmem>> -> memref<400x32xf32, #tpu.memory_space<vmem>>
      %dma_wait3A_384 = arith.constant 0 : i32
      %dma_wait3A_385 = arith.constant 0 : i32
      %dma_wait3A_386 = tpu.memref_slice %arg2[%dma_wait3A_384, %dma_wait3A_385] : memref<10000x32xf32, #tpu.memory_space<hbm>> -> memref<400x32xf32, #tpu.memory_space<hbm>>
      %dma_wait3A_387 = arith.constant 0 : i32
      %dma_wait3A_388 = arith.constant 0 : i32
      %dma_wait3A_389 = tpu.memref_slice %arg9[%dma_wait3A_379, %dma_wait3A_387, %dma_wait3A_388] : memref<2x400x32xf32, #tpu.memory_space<vmem>> -> memref<1x400x32xf32, #tpu.memory_space<vmem>>
      %dma_wait3A_390 = tpu.memref_squeeze %dma_wait3A_389 : memref<1x400x32xf32, #tpu.memory_space<vmem>> -> memref<400x32xf32, #tpu.memory_space<vmem>>
      %dma_wait3A_391 = arith.constant 0 : i32
      %dma_wait3A_392 = arith.constant 0 : i32
      %dma_wait3A_393 = tpu.memref_slice %arg2[%dma_wait3A_391, %dma_wait3A_392] : memref<10000x32xf32, #tpu.memory_space<hbm>> -> memref<400x32xf32, #tpu.memory_space<hbm>>
      tpu.wait_dma2 semaphore(%arg13 : memref<!tpu.dma_semaphore, #tpu.memory_space<semaphore_mem>>) src(%dma_wait3A_393 : memref<400x32xf32, #tpu.memory_space<hbm>>) dst(%dma_wait3A_390 : memref<400x32xf32, #tpu.memory_space<vmem>>)
      %dma_wait3A_394 = arith.constant 1 : i32
      %dma_wait3A_395 = arith.constant 0 : i32
      %dma_wait3A_396 = arith.constant 0 : i32
      %dma_wait3A_397 = tpu.memref_slice %arg10[%dma_wait3A_394, %dma_wait3A_395, %dma_wait3A_396] : memref<2x400x32xf32, #tpu.memory_space<vmem>> -> memref<1x400x32xf32, #tpu.memory_space<vmem>>
      %dma_wait3A_398 = tpu.memref_squeeze %dma_wait3A_397 : memref<1x400x32xf32, #tpu.memory_space<vmem>> -> memref<400x32xf32, #tpu.memory_space<vmem>>
      %dma_wait3A_399 = arith.constant 0 : i32
      %dma_wait3A_400 = arith.constant 0 : i32
      %dma_wait3A_401 = tpu.memref_slice %arg3[%dma_wait3A_399, %dma_wait3A_400] : memref<10000x32xf32, #tpu.memory_space<hbm>> -> memref<400x32xf32, #tpu.memory_space<hbm>>
      %dma_wait3A_402 = arith.constant 0 : i32
      %dma_wait3A_403 = arith.constant 0 : i32
      %dma_wait3A_404 = tpu.memref_slice %arg10[%dma_wait3A_394, %dma_wait3A_402, %dma_wait3A_403] : memref<2x400x32xf32, #tpu.memory_space<vmem>> -> memref<1x400x32xf32, #tpu.memory_space<vmem>>
      %dma_wait3A_405 = tpu.memref_squeeze %dma_wait3A_404 : memref<1x400x32xf32, #tpu.memory_space<vmem>> -> memref<400x32xf32, #tpu.memory_space<vmem>>
      %dma_wait3A_406 = arith.constant 0 : i32
      %dma_wait3A_407 = arith.constant 0 : i32
      %dma_wait3A_408 = tpu.memref_slice %arg3[%dma_wait3A_406, %dma_wait3A_407] : memref<10000x32xf32, #tpu.memory_space<hbm>> -> memref<400x32xf32, #tpu.memory_space<hbm>>
      tpu.wait_dma2 semaphore(%arg13 : memref<!tpu.dma_semaphore, #tpu.memory_space<semaphore_mem>>) src(%dma_wait3A_408 : memref<400x32xf32, #tpu.memory_space<hbm>>) dst(%dma_wait3A_405 : memref<400x32xf32, #tpu.memory_space<vmem>>)
      %scan3A_409 = arith.constant 0 : i32
      %scan3A_410 = arith.constant 100 : i32
      %scan3A_411 = arith.addi %scan3A_409, %scan3A_410 : i32
      %scan3A_412 = arith.constant 1 : i32
      scf.for %scan3A_437 = %scan3A_409 to %scan3A_411 step %scan3A_412  : i32 {
        %mul3A_438 = arith.constant 1 : i32
        %mul3A_439 = arith.muli %scan3A_437, %mul3A_438 : i32
        %add3A_440 = arith.constant 0 : i32
        %add3A_441 = arith.addi %add3A_440, %mul3A_439 : i32
        %mul3A_442 = arith.constant 4 : i32
        %mul3A_443 = arith.muli %add3A_441, %mul3A_442 : i32
        %add3A_444 = arith.constant 0 : i32
        %add3A_445 = arith.addi %mul3A_443, %add3A_444 : i32
        %get3A = arith.constant 1 : i32
        %get3A_446 = arith.index_cast %get3A : i32 to index
        %get3A_447 = arith.index_cast %add3A_445 : i32 to index
        %get3A_448 = arith.constant 0 : index
        %get3A_449 = tpu.vector_load %arg9[%get3A_446, %get3A_447, %get3A_448] {strides = array<i32>} : memref<2x400x32xf32, #tpu.memory_space<vmem>>, vector<1x1x16xf32>,
        %get3A_450 = vector.shape_cast %get3A_449 : vector<1x1x16xf32> to vector<1x16xf32>
        %get3A_451 = arith.constant 1 : i32
        %get3A_452 = arith.index_cast %get3A_451 : i32 to index
        %get3A_453 = arith.index_cast %add3A_445 : i32 to index
        %get3A_454 = arith.constant 0 : index
        %get3A_455 = tpu.vector_load %arg10[%get3A_452, %get3A_453, %get3A_454] {strides = array<i32>} : memref<2x400x32xf32, #tpu.memory_space<vmem>>, vector<1x1x16xf32>,
        %get3A_456 = vector.shape_cast %get3A_455 : vector<1x1x16xf32> to vector<1x16xf32>
        %add3A_457 = arith.addf %get3A_450, %get3A_456 : vector<1x16xf32>
        %swap3A = arith.constant 1 : i32
        %swap3A_458 = arith.index_cast %swap3A : i32 to index
        %swap3A_459 = arith.index_cast %add3A_441 : i32 to index
        %swap3A_460 = arith.constant 0 : index
        %swap3A_461 = tpu.vector_load %arg11[%swap3A_458, %swap3A_459, %swap3A_460] {strides = array<i32>} : memref<2x100x128xf32, #tpu.memory_space<vmem>>, vector<1x1x16xf32>,
        %swap3A_462 = vector.shape_cast %swap3A_461 : vector<1x1x16xf32> to vector<1x16xf32>
        %swap3A_463 = vector.shape_cast %add3A_457 : vector<1x16xf32> to vector<1x1x16xf32>
        tpu.vector_store %arg11[%swap3A_458, %swap3A_459, %swap3A_460], %swap3A_463 {strides = array<i32>} : memref<2x100x128xf32, #tpu.memory_space<vmem>>, vector<1x1x16xf32>,
        %mul3A_464 = arith.constant 4 : i32
        %mul3A_465 = arith.muli %add3A_441, %mul3A_464 : i32
        %add3A_466 = arith.constant 0 : i32
        %add3A_467 = arith.addi %mul3A_465, %add3A_466 : i32
        %get3A_468 = arith.constant 1 : i32
        %get3A_469 = arith.index_cast %get3A_468 : i32 to index
        %get3A_470 = arith.index_cast %add3A_467 : i32 to index
        %get3A_471 = arith.constant 16 : index
        %get3A_472 = tpu.vector_load %arg9[%get3A_469, %get3A_470, %get3A_471] {strides = array<i32>} : memref<2x400x32xf32, #tpu.memory_space<vmem>>, vector<1x1x16xf32>,
        %get3A_473 = vector.shape_cast %get3A_472 : vector<1x1x16xf32> to vector<1x16xf32>
        %get3A_474 = arith.constant 1 : i32
        %get3A_475 = arith.index_cast %get3A_474 : i32 to index
        %get3A_476 = arith.index_cast %add3A_467 : i32 to index
        %get3A_477 = arith.constant 16 : index
        %get3A_478 = tpu.vector_load %arg10[%get3A_475, %get3A_476, %get3A_477] {strides = array<i32>} : memref<2x400x32xf32, #tpu.memory_space<vmem>>, vector<1x1x16xf32>,
        %get3A_479 = vector.shape_cast %get3A_478 : vector<1x1x16xf32> to vector<1x16xf32>
        %add3A_480 = arith.addf %get3A_473, %get3A_479 : vector<1x16xf32>
        %swap3A_481 = arith.constant 1 : i32
        %swap3A_482 = arith.index_cast %swap3A_481 : i32 to index
        %swap3A_483 = arith.index_cast %add3A_441 : i32 to index
        %swap3A_484 = arith.constant 16 : index
        %swap3A_485 = tpu.vector_load %arg11[%swap3A_482, %swap3A_483, %swap3A_484] {strides = array<i32>} : memref<2x100x128xf32, #tpu.memory_space<vmem>>, vector<1x1x16xf32>,
        %swap3A_486 = vector.shape_cast %swap3A_485 : vector<1x1x16xf32> to vector<1x16xf32>
        %swap3A_487 = vector.shape_cast %add3A_480 : vector<1x16xf32> to vector<1x1x16xf32>
        tpu.vector_store %arg11[%swap3A_482, %swap3A_483, %swap3A_484], %swap3A_487 {strides = array<i32>} : memref<2x100x128xf32, #tpu.memory_space<vmem>>, vector<1x1x16xf32>,
        %mul3A_488 = arith.constant 4 : i32
        %mul3A_489 = arith.muli %add3A_441, %mul3A_488 : i32
        %add3A_490 = arith.constant 1 : i32
        %add3A_491 = arith.addi %mul3A_489, %add3A_490 : i32
        %get3A_492 = arith.constant 1 : i32
        %get3A_493 = arith.index_cast %get3A_492 : i32 to index
        %get3A_494 = arith.index_cast %add3A_491 : i32 to index
        %get3A_495 = arith.constant 0 : index
        %get3A_496 = tpu.vector_load %arg9[%get3A_493, %get3A_494, %get3A_495] {strides = array<i32>} : memref<2x400x32xf32, #tpu.memory_space<vmem>>, vector<1x1x16xf32>,
        %get3A_497 = vector.shape_cast %get3A_496 : vector<1x1x16xf32> to vector<1x16xf32>
        %get3A_498 = arith.constant 1 : i32
        %get3A_499 = arith.index_cast %get3A_498 : i32 to index
        %get3A_500 = arith.index_cast %add3A_491 : i32 to index
        %get3A_501 = arith.constant 0 : index
        %get3A_502 = tpu.vector_load %arg10[%get3A_499, %get3A_500, %get3A_501] {strides = array<i32>} : memref<2x400x32xf32, #tpu.memory_space<vmem>>, vector<1x1x16xf32>,
        %get3A_503 = vector.shape_cast %get3A_502 : vector<1x1x16xf32> to vector<1x16xf32>
        %add3A_504 = arith.addf %get3A_497, %get3A_503 : vector<1x16xf32>
        %swap3A_505 = arith.constant 1 : i32
        %swap3A_506 = arith.index_cast %swap3A_505 : i32 to index
        %swap3A_507 = arith.index_cast %add3A_441 : i32 to index
        %swap3A_508 = arith.constant 32 : index
        %swap3A_509 = tpu.vector_load %arg11[%swap3A_506, %swap3A_507, %swap3A_508] {strides = array<i32>} : memref<2x100x128xf32, #tpu.memory_space<vmem>>, vector<1x1x16xf32>,
        %swap3A_510 = vector.shape_cast %swap3A_509 : vector<1x1x16xf32> to vector<1x16xf32>
        %swap3A_511 = vector.shape_cast %add3A_504 : vector<1x16xf32> to vector<1x1x16xf32>
        tpu.vector_store %arg11[%swap3A_506, %swap3A_507, %swap3A_508], %swap3A_511 {strides = array<i32>} : memref<2x100x128xf32, #tpu.memory_space<vmem>>, vector<1x1x16xf32>,
        %mul3A_512 = arith.constant 4 : i32
        %mul3A_513 = arith.muli %add3A_441, %mul3A_512 : i32
        %add3A_514 = arith.constant 1 : i32
        %add3A_515 = arith.addi %mul3A_513, %add3A_514 : i32
        %get3A_516 = arith.constant 1 : i32
        %get3A_517 = arith.index_cast %get3A_516 : i32 to index
        %get3A_518 = arith.index_cast %add3A_515 : i32 to index
        %get3A_519 = arith.constant 16 : index
        %get3A_520 = tpu.vector_load %arg9[%get3A_517, %get3A_518, %get3A_519] {strides = array<i32>} : memref<2x400x32xf32, #tpu.memory_space<vmem>>, vector<1x1x16xf32>,
        %get3A_521 = vector.shape_cast %get3A_520 : vector<1x1x16xf32> to vector<1x16xf32>
        %get3A_522 = arith.constant 1 : i32
        %get3A_523 = arith.index_cast %get3A_522 : i32 to index
        %get3A_524 = arith.index_cast %add3A_515 : i32 to index
        %get3A_525 = arith.constant 16 : index
        %get3A_526 = tpu.vector_load %arg10[%get3A_523, %get3A_524, %get3A_525] {strides = array<i32>} : memref<2x400x32xf32, #tpu.memory_space<vmem>>, vector<1x1x16xf32>,
        %get3A_527 = vector.shape_cast %get3A_526 : vector<1x1x16xf32> to vector<1x16xf32>
        %add3A_528 = arith.addf %get3A_521, %get3A_527 : vector<1x16xf32>
        %swap3A_529 = arith.constant 1 : i32
        %swap3A_530 = arith.index_cast %swap3A_529 : i32 to index
        %swap3A_531 = arith.index_cast %add3A_441 : i32 to index
        %swap3A_532 = arith.constant 48 : index
        %swap3A_533 = tpu.vector_load %arg11[%swap3A_530, %swap3A_531, %swap3A_532] {strides = array<i32>} : memref<2x100x128xf32, #tpu.memory_space<vmem>>, vector<1x1x16xf32>,
        %swap3A_534 = vector.shape_cast %swap3A_533 : vector<1x1x16xf32> to vector<1x16xf32>
        %swap3A_535 = vector.shape_cast %add3A_528 : vector<1x16xf32> to vector<1x1x16xf32>
        tpu.vector_store %arg11[%swap3A_530, %swap3A_531, %swap3A_532], %swap3A_535 {strides = array<i32>} : memref<2x100x128xf32, #tpu.memory_space<vmem>>, vector<1x1x16xf32>,
        %mul3A_536 = arith.constant 4 : i32
        %mul3A_537 = arith.muli %add3A_441, %mul3A_536 : i32
        %add3A_538 = arith.constant 2 : i32
        %add3A_539 = arith.addi %mul3A_537, %add3A_538 : i32
        %get3A_540 = arith.constant 1 : i32
        %get3A_541 = arith.index_cast %get3A_540 : i32 to index
        %get3A_542 = arith.index_cast %add3A_539 : i32 to index
        %get3A_543 = arith.constant 0 : index
        %get3A_544 = tpu.vector_load %arg9[%get3A_541, %get3A_542, %get3A_543] {strides = array<i32>} : memref<2x400x32xf32, #tpu.memory_space<vmem>>, vector<1x1x16xf32>,
        %get3A_545 = vector.shape_cast %get3A_544 : vector<1x1x16xf32> to vector<1x16xf32>
        %get3A_546 = arith.constant 1 : i32
        %get3A_547 = arith.index_cast %get3A_546 : i32 to index
        %get3A_548 = arith.index_cast %add3A_539 : i32 to index
        %get3A_549 = arith.constant 0 : index
        %get3A_550 = tpu.vector_load %arg10[%get3A_547, %get3A_548, %get3A_549] {strides = array<i32>} : memref<2x400x32xf32, #tpu.memory_space<vmem>>, vector<1x1x16xf32>,
        %get3A_551 = vector.shape_cast %get3A_550 : vector<1x1x16xf32> to vector<1x16xf32>
        %add3A_552 = arith.addf %get3A_545, %get3A_551 : vector<1x16xf32>
        %swap3A_553 = arith.constant 1 : i32
        %swap3A_554 = arith.index_cast %swap3A_553 : i32 to index
        %swap3A_555 = arith.index_cast %add3A_441 : i32 to index
        %swap3A_556 = arith.constant 64 : index
        %swap3A_557 = tpu.vector_load %arg11[%swap3A_554, %swap3A_555, %swap3A_556] {strides = array<i32>} : memref<2x100x128xf32, #tpu.memory_space<vmem>>, vector<1x1x16xf32>,
        %swap3A_558 = vector.shape_cast %swap3A_557 : vector<1x1x16xf32> to vector<1x16xf32>
        %swap3A_559 = vector.shape_cast %add3A_552 : vector<1x16xf32> to vector<1x1x16xf32>
        tpu.vector_store %arg11[%swap3A_554, %swap3A_555, %swap3A_556], %swap3A_559 {strides = array<i32>} : memref<2x100x128xf32, #tpu.memory_space<vmem>>, vector<1x1x16xf32>,
        %mul3A_560 = arith.constant 4 : i32
        %mul3A_561 = arith.muli %add3A_441, %mul3A_560 : i32
        %add3A_562 = arith.constant 2 : i32
        %add3A_563 = arith.addi %mul3A_561, %add3A_562 : i32
        %get3A_564 = arith.constant 1 : i32
        %get3A_565 = arith.index_cast %get3A_564 : i32 to index
        %get3A_566 = arith.index_cast %add3A_563 : i32 to index
        %get3A_567 = arith.constant 16 : index
        %get3A_568 = tpu.vector_load %arg9[%get3A_565, %get3A_566, %get3A_567] {strides = array<i32>} : memref<2x400x32xf32, #tpu.memory_space<vmem>>, vector<1x1x16xf32>,
        %get3A_569 = vector.shape_cast %get3A_568 : vector<1x1x16xf32> to vector<1x16xf32>
        %get3A_570 = arith.constant 1 : i32
        %get3A_571 = arith.index_cast %get3A_570 : i32 to index
        %get3A_572 = arith.index_cast %add3A_563 : i32 to index
        %get3A_573 = arith.constant 16 : index
        %get3A_574 = tpu.vector_load %arg10[%get3A_571, %get3A_572, %get3A_573] {strides = array<i32>} : memref<2x400x32xf32, #tpu.memory_space<vmem>>, vector<1x1x16xf32>,
        %get3A_575 = vector.shape_cast %get3A_574 : vector<1x1x16xf32> to vector<1x16xf32>
        %add3A_576 = arith.addf %get3A_569, %get3A_575 : vector<1x16xf32>
        %swap3A_577 = arith.constant 1 : i32
        %swap3A_578 = arith.index_cast %swap3A_577 : i32 to index
        %swap3A_579 = arith.index_cast %add3A_441 : i32 to index
        %swap3A_580 = arith.constant 80 : index
        %swap3A_581 = tpu.vector_load %arg11[%swap3A_578, %swap3A_579, %swap3A_580] {strides = array<i32>} : memref<2x100x128xf32, #tpu.memory_space<vmem>>, vector<1x1x16xf32>,
        %swap3A_582 = vector.shape_cast %swap3A_581 : vector<1x1x16xf32> to vector<1x16xf32>
        %swap3A_583 = vector.shape_cast %add3A_576 : vector<1x16xf32> to vector<1x1x16xf32>
        tpu.vector_store %arg11[%swap3A_578, %swap3A_579, %swap3A_580], %swap3A_583 {strides = array<i32>} : memref<2x100x128xf32, #tpu.memory_space<vmem>>, vector<1x1x16xf32>,
        %mul3A_584 = arith.constant 4 : i32
        %mul3A_585 = arith.muli %add3A_441, %mul3A_584 : i32
        %add3A_586 = arith.constant 3 : i32
        %add3A_587 = arith.addi %mul3A_585, %add3A_586 : i32
        %get3A_588 = arith.constant 1 : i32
        %get3A_589 = arith.index_cast %get3A_588 : i32 to index
        %get3A_590 = arith.index_cast %add3A_587 : i32 to index
        %get3A_591 = arith.constant 0 : index
        %get3A_592 = tpu.vector_load %arg9[%get3A_589, %get3A_590, %get3A_591] {strides = array<i32>} : memref<2x400x32xf32, #tpu.memory_space<vmem>>, vector<1x1x16xf32>,
        %get3A_593 = vector.shape_cast %get3A_592 : vector<1x1x16xf32> to vector<1x16xf32>
        %get3A_594 = arith.constant 1 : i32
        %get3A_595 = arith.index_cast %get3A_594 : i32 to index
        %get3A_596 = arith.index_cast %add3A_587 : i32 to index
        %get3A_597 = arith.constant 0 : index
        %get3A_598 = tpu.vector_load %arg10[%get3A_595, %get3A_596, %get3A_597] {strides = array<i32>} : memref<2x400x32xf32, #tpu.memory_space<vmem>>, vector<1x1x16xf32>,
        %get3A_599 = vector.shape_cast %get3A_598 : vector<1x1x16xf32> to vector<1x16xf32>
        %add3A_600 = arith.addf %get3A_593, %get3A_599 : vector<1x16xf32>
        %swap3A_601 = arith.constant 1 : i32
        %swap3A_602 = arith.index_cast %swap3A_601 : i32 to index
        %swap3A_603 = arith.index_cast %add3A_441 : i32 to index
        %swap3A_604 = arith.constant 96 : index
        %swap3A_605 = tpu.vector_load %arg11[%swap3A_602, %swap3A_603, %swap3A_604] {strides = array<i32>} : memref<2x100x128xf32, #tpu.memory_space<vmem>>, vector<1x1x16xf32>,
        %swap3A_606 = vector.shape_cast %swap3A_605 : vector<1x1x16xf32> to vector<1x16xf32>
        %swap3A_607 = vector.shape_cast %add3A_600 : vector<1x16xf32> to vector<1x1x16xf32>
        tpu.vector_store %arg11[%swap3A_602, %swap3A_603, %swap3A_604], %swap3A_607 {strides = array<i32>} : memref<2x100x128xf32, #tpu.memory_space<vmem>>, vector<1x1x16xf32>,
        %mul3A_608 = arith.constant 4 : i32
        %mul3A_609 = arith.muli %add3A_441, %mul3A_608 : i32
        %add3A_610 = arith.constant 3 : i32
        %add3A_611 = arith.addi %mul3A_609, %add3A_610 : i32
        %get3A_612 = arith.constant 1 : i32
        %get3A_613 = arith.index_cast %get3A_612 : i32 to index
        %get3A_614 = arith.index_cast %add3A_611 : i32 to index
        %get3A_615 = arith.constant 16 : index
        %get3A_616 = tpu.vector_load %arg9[%get3A_613, %get3A_614, %get3A_615] {strides = array<i32>} : memref<2x400x32xf32, #tpu.memory_space<vmem>>, vector<1x1x16xf32>,
        %get3A_617 = vector.shape_cast %get3A_616 : vector<1x1x16xf32> to vector<1x16xf32>
        %get3A_618 = arith.constant 1 : i32
        %get3A_619 = arith.index_cast %get3A_618 : i32 to index
        %get3A_620 = arith.index_cast %add3A_611 : i32 to index
        %get3A_621 = arith.constant 16 : index
        %get3A_622 = tpu.vector_load %arg10[%get3A_619, %get3A_620, %get3A_621] {strides = array<i32>} : memref<2x400x32xf32, #tpu.memory_space<vmem>>, vector<1x1x16xf32>,
        %get3A_623 = vector.shape_cast %get3A_622 : vector<1x1x16xf32> to vector<1x16xf32>
        %add3A_624 = arith.addf %get3A_617, %get3A_623 : vector<1x16xf32>
        %swap3A_625 = arith.constant 1 : i32
        %swap3A_626 = arith.index_cast %swap3A_625 : i32 to index
        %swap3A_627 = arith.index_cast %add3A_441 : i32 to index
        %swap3A_628 = arith.constant 112 : index
        %swap3A_629 = tpu.vector_load %arg11[%swap3A_626, %swap3A_627, %swap3A_628] {strides = array<i32>} : memref<2x100x128xf32, #tpu.memory_space<vmem>>, vector<1x1x16xf32>,
        %swap3A_630 = vector.shape_cast %swap3A_629 : vector<1x1x16xf32> to vector<1x16xf32>
        %swap3A_631 = vector.shape_cast %add3A_624 : vector<1x16xf32> to vector<1x1x16xf32>
        tpu.vector_store %arg11[%swap3A_626, %swap3A_627, %swap3A_628], %swap3A_631 {strides = array<i32>} : memref<2x100x128xf32, #tpu.memory_space<vmem>>, vector<1x1x16xf32>,
      }
      %scan3A_413 = arith.constant 100 : i32
      %add3A_414 = arith.constant 2 : i32
      %add3A_415 = arith.addi %add3A_378, %add3A_414 : i32
      %lt3A_416 = arith.constant 25 : i32
      %lt3A_417 = arith.cmpi slt, %add3A_415, %lt3A_416 : i32
      %convert_element_type3A_418 = arith.extui %lt3A_417 : i1 to i32
      %cond3A_419 = arith.constant 0 : i32
      %cond3A_420 = arith.cmpi ne, %convert_element_type3A_418, %cond3A_419 : i32
      scf.if %cond3A_420 {
        %add3A_437 = arith.constant 2 : i32
        %add3A_438 = arith.addi %add3A_378, %add3A_437 : i32
        %mul3A_439 = arith.constant 400 : i32
        %mul3A_440 = arith.muli %add3A_438, %mul3A_439 : i32
        %add3A_441 = arith.constant 0 : i32
        %add3A_442 = arith.addi %mul3A_440, %add3A_441 : i32
        %dma_start3A_443 = arith.constant 1 : i32
        %dma_start3A_444 = arith.constant 0 : i32
        %dma_start3A_445 = arith.constant 0 : i32
        %dma_start3A_446 = tpu.memref_slice %arg9[%dma_start3A_443, %dma_start3A_444, %dma_start3A_445] : memref<2x400x32xf32, #tpu.memory_space<vmem>> -> memref<1x80x32xf32, #tpu.memory_space<vmem>>
        %dma_start3A_447 = tpu.memref_squeeze %dma_start3A_446 : memref<1x80x32xf32, #tpu.memory_space<vmem>> -> memref<80x32xf32, #tpu.memory_space<vmem>>
        %dma_start3A_448 = tpu.memref_slice %arg7[%add3A_442] : memref<10000xi32, #tpu.memory_space<vmem>> -> memref<80xi32, #tpu.memory_space<vmem>>
        %dma_start3A_449 = arith.constant 0 : i32
        %dma_start3A_450 = arith.constant 0 : i32
        %dma_start3A_451 = tpu.memref_slice %arg2[%dma_start3A_449, %dma_start3A_450] : memref<10000x32xf32, #tpu.memory_space<hbm>> -> memref<10000x32xf32, #tpu.memory_space<hbm>>
        tpu.enqueue_indirect_dma source(%dma_start3A_451 : memref<10000x32xf32, #tpu.memory_space<hbm>>) target(%dma_start3A_447 : memref<80x32xf32, #tpu.memory_space<vmem>>) offsets(%dma_start3A_448 : memref<80xi32, #tpu.memory_space<vmem>>) semaphore(%arg13 : memref<!tpu.dma_semaphore, #tpu.memory_space<semaphore_mem>>)
        %dma_start3A_452 = arith.constant 1 : i32
        %dma_start3A_453 = arith.constant 0 : i32
        %dma_start3A_454 = arith.constant 0 : i32
        %dma_start3A_455 = tpu.memref_slice %arg10[%dma_start3A_452, %dma_start3A_453, %dma_start3A_454] : memref<2x400x32xf32, #tpu.memory_space<vmem>> -> memref<1x80x32xf32, #tpu.memory_space<vmem>>
        %dma_start3A_456 = tpu.memref_squeeze %dma_start3A_455 : memref<1x80x32xf32, #tpu.memory_space<vmem>> -> memref<80x32xf32, #tpu.memory_space<vmem>>
        %dma_start3A_457 = tpu.memref_slice %arg8[%add3A_442] : memref<10000xi32, #tpu.memory_space<vmem>> -> memref<80xi32, #tpu.memory_space<vmem>>
        %dma_start3A_458 = arith.constant 0 : i32
        %dma_start3A_459 = arith.constant 0 : i32
        %dma_start3A_460 = tpu.memref_slice %arg3[%dma_start3A_458, %dma_start3A_459] : memref<10000x32xf32, #tpu.memory_space<hbm>> -> memref<10000x32xf32, #tpu.memory_space<hbm>>
        tpu.enqueue_indirect_dma source(%dma_start3A_460 : memref<10000x32xf32, #tpu.memory_space<hbm>>) target(%dma_start3A_456 : memref<80x32xf32, #tpu.memory_space<vmem>>) offsets(%dma_start3A_457 : memref<80xi32, #tpu.memory_space<vmem>>) semaphore(%arg13 : memref<!tpu.dma_semaphore, #tpu.memory_space<semaphore_mem>>)
        %mul3A_461 = arith.constant 400 : i32
        %mul3A_462 = arith.muli %add3A_438, %mul3A_461 : i32
        %add3A_463 = arith.constant 80 : i32
        %add3A_464 = arith.addi %mul3A_462, %add3A_463 : i32
        %dma_start3A_465 = arith.constant 1 : i32
        %dma_start3A_466 = arith.constant 80 : i32
        %dma_start3A_467 = arith.constant 0 : i32
        %dma_start3A_468 = tpu.memref_slice %arg9[%dma_start3A_465, %dma_start3A_466, %dma_start3A_467] : memref<2x400x32xf32, #tpu.memory_space<vmem>> -> memref<1x80x32xf32, #tpu.memory_space<vmem>>
        %dma_start3A_469 = tpu.memref_squeeze %dma_start3A_468 : memref<1x80x32xf32, #tpu.memory_space<vmem>> -> memref<80x32xf32, #tpu.memory_space<vmem>>
        %dma_start3A_470 = tpu.memref_slice %arg7[%add3A_464] : memref<10000xi32, #tpu.memory_space<vmem>> -> memref<80xi32, #tpu.memory_space<vmem>>
        %dma_start3A_471 = arith.constant 0 : i32
        %dma_start3A_472 = arith.constant 0 : i32
        %dma_start3A_473 = tpu.memref_slice %arg2[%dma_start3A_471, %dma_start3A_472] : memref<10000x32xf32, #tpu.memory_space<hbm>> -> memref<10000x32xf32, #tpu.memory_space<hbm>>
        tpu.enqueue_indirect_dma source(%dma_start3A_473 : memref<10000x32xf32, #tpu.memory_space<hbm>>) target(%dma_start3A_469 : memref<80x32xf32, #tpu.memory_space<vmem>>) offsets(%dma_start3A_470 : memref<80xi32, #tpu.memory_space<vmem>>) semaphore(%arg13 : memref<!tpu.dma_semaphore, #tpu.memory_space<semaphore_mem>>)
        %dma_start3A_474 = arith.constant 1 : i32
        %dma_start3A_475 = arith.constant 80 : i32
        %dma_start3A_476 = arith.constant 0 : i32
        %dma_start3A_477 = tpu.memref_slice %arg10[%dma_start3A_474, %dma_start3A_475, %dma_start3A_476] : memref<2x400x32xf32, #tpu.memory_space<vmem>> -> memref<1x80x32xf32, #tpu.memory_space<vmem>>
        %dma_start3A_478 = tpu.memref_squeeze %dma_start3A_477 : memref<1x80x32xf32, #tpu.memory_space<vmem>> -> memref<80x32xf32, #tpu.memory_space<vmem>>
        %dma_start3A_479 = tpu.memref_slice %arg8[%add3A_464] : memref<10000xi32, #tpu.memory_space<vmem>> -> memref<80xi32, #tpu.memory_space<vmem>>
        %dma_start3A_480 = arith.constant 0 : i32
        %dma_start3A_481 = arith.constant 0 : i32
        %dma_start3A_482 = tpu.memref_slice %arg3[%dma_start3A_480, %dma_start3A_481] : memref<10000x32xf32, #tpu.memory_space<hbm>> -> memref<10000x32xf32, #tpu.memory_space<hbm>>
        tpu.enqueue_indirect_dma source(%dma_start3A_482 : memref<10000x32xf32, #tpu.memory_space<hbm>>) target(%dma_start3A_478 : memref<80x32xf32, #tpu.memory_space<vmem>>) offsets(%dma_start3A_479 : memref<80xi32, #tpu.memory_space<vmem>>) semaphore(%arg13 : memref<!tpu.dma_semaphore, #tpu.memory_space<semaphore_mem>>)
        %mul3A_483 = arith.constant 400 : i32
        %mul3A_484 = arith.muli %add3A_438, %mul3A_483 : i32
        %add3A_485 = arith.constant 160 : i32
        %add3A_486 = arith.addi %mul3A_484, %add3A_485 : i32
        %dma_start3A_487 = arith.constant 1 : i32
        %dma_start3A_488 = arith.constant 160 : i32
        %dma_start3A_489 = arith.constant 0 : i32
        %dma_start3A_490 = tpu.memref_slice %arg9[%dma_start3A_487, %dma_start3A_488, %dma_start3A_489] : memref<2x400x32xf32, #tpu.memory_space<vmem>> -> memref<1x80x32xf32, #tpu.memory_space<vmem>>
        %dma_start3A_491 = tpu.memref_squeeze %dma_start3A_490 : memref<1x80x32xf32, #tpu.memory_space<vmem>> -> memref<80x32xf32, #tpu.memory_space<vmem>>
        %dma_start3A_492 = tpu.memref_slice %arg7[%add3A_486] : memref<10000xi32, #tpu.memory_space<vmem>> -> memref<80xi32, #tpu.memory_space<vmem>>
        %dma_start3A_493 = arith.constant 0 : i32
        %dma_start3A_494 = arith.constant 0 : i32
        %dma_start3A_495 = tpu.memref_slice %arg2[%dma_start3A_493, %dma_start3A_494] : memref<10000x32xf32, #tpu.memory_space<hbm>> -> memref<10000x32xf32, #tpu.memory_space<hbm>>
        tpu.enqueue_indirect_dma source(%dma_start3A_495 : memref<10000x32xf32, #tpu.memory_space<hbm>>) target(%dma_start3A_491 : memref<80x32xf32, #tpu.memory_space<vmem>>) offsets(%dma_start3A_492 : memref<80xi32, #tpu.memory_space<vmem>>) semaphore(%arg13 : memref<!tpu.dma_semaphore, #tpu.memory_space<semaphore_mem>>)
        %dma_start3A_496 = arith.constant 1 : i32
        %dma_start3A_497 = arith.constant 160 : i32
        %dma_start3A_498 = arith.constant 0 : i32
        %dma_start3A_499 = tpu.memref_slice %arg10[%dma_start3A_496, %dma_start3A_497, %dma_start3A_498] : memref<2x400x32xf32, #tpu.memory_space<vmem>> -> memref<1x80x32xf32, #tpu.memory_space<vmem>>
        %dma_start3A_500 = tpu.memref_squeeze %dma_start3A_499 : memref<1x80x32xf32, #tpu.memory_space<vmem>> -> memref<80x32xf32, #tpu.memory_space<vmem>>
        %dma_start3A_501 = tpu.memref_slice %arg8[%add3A_486] : memref<10000xi32, #tpu.memory_space<vmem>> -> memref<80xi32, #tpu.memory_space<vmem>>
        %dma_start3A_502 = arith.constant 0 : i32
        %dma_start3A_503 = arith.constant 0 : i32
        %dma_start3A_504 = tpu.memref_slice %arg3[%dma_start3A_502, %dma_start3A_503] : memref<10000x32xf32, #tpu.memory_space<hbm>> -> memref<10000x32xf32, #tpu.memory_space<hbm>>
        tpu.enqueue_indirect_dma source(%dma_start3A_504 : memref<10000x32xf32, #tpu.memory_space<hbm>>) target(%dma_start3A_500 : memref<80x32xf32, #tpu.memory_space<vmem>>) offsets(%dma_start3A_501 : memref<80xi32, #tpu.memory_space<vmem>>) semaphore(%arg13 : memref<!tpu.dma_semaphore, #tpu.memory_space<semaphore_mem>>)
        %mul3A_505 = arith.constant 400 : i32
        %mul3A_506 = arith.muli %add3A_438, %mul3A_505 : i32
        %add3A_507 = arith.constant 240 : i32
        %add3A_508 = arith.addi %mul3A_506, %add3A_507 : i32
        %dma_start3A_509 = arith.constant 1 : i32
        %dma_start3A_510 = arith.constant 240 : i32
        %dma_start3A_511 = arith.constant 0 : i32
        %dma_start3A_512 = tpu.memref_slice %arg9[%dma_start3A_509, %dma_start3A_510, %dma_start3A_511] : memref<2x400x32xf32, #tpu.memory_space<vmem>> -> memref<1x80x32xf32, #tpu.memory_space<vmem>>
        %dma_start3A_513 = tpu.memref_squeeze %dma_start3A_512 : memref<1x80x32xf32, #tpu.memory_space<vmem>> -> memref<80x32xf32, #tpu.memory_space<vmem>>
        %dma_start3A_514 = tpu.memref_slice %arg7[%add3A_508] : memref<10000xi32, #tpu.memory_space<vmem>> -> memref<80xi32, #tpu.memory_space<vmem>>
        %dma_start3A_515 = arith.constant 0 : i32
        %dma_start3A_516 = arith.constant 0 : i32
        %dma_start3A_517 = tpu.memref_slice %arg2[%dma_start3A_515, %dma_start3A_516] : memref<10000x32xf32, #tpu.memory_space<hbm>> -> memref<10000x32xf32, #tpu.memory_space<hbm>>
        tpu.enqueue_indirect_dma source(%dma_start3A_517 : memref<10000x32xf32, #tpu.memory_space<hbm>>) target(%dma_start3A_513 : memref<80x32xf32, #tpu.memory_space<vmem>>) offsets(%dma_start3A_514 : memref<80xi32, #tpu.memory_space<vmem>>) semaphore(%arg13 : memref<!tpu.dma_semaphore, #tpu.memory_space<semaphore_mem>>)
        %dma_start3A_518 = arith.constant 1 : i32
        %dma_start3A_519 = arith.constant 240 : i32
        %dma_start3A_520 = arith.constant 0 : i32
        %dma_start3A_521 = tpu.memref_slice %arg10[%dma_start3A_518, %dma_start3A_519, %dma_start3A_520] : memref<2x400x32xf32, #tpu.memory_space<vmem>> -> memref<1x80x32xf32, #tpu.memory_space<vmem>>
        %dma_start3A_522 = tpu.memref_squeeze %dma_start3A_521 : memref<1x80x32xf32, #tpu.memory_space<vmem>> -> memref<80x32xf32, #tpu.memory_space<vmem>>
        %dma_start3A_523 = tpu.memref_slice %arg8[%add3A_508] : memref<10000xi32, #tpu.memory_space<vmem>> -> memref<80xi32, #tpu.memory_space<vmem>>
        %dma_start3A_524 = arith.constant 0 : i32
        %dma_start3A_525 = arith.constant 0 : i32
        %dma_start3A_526 = tpu.memref_slice %arg3[%dma_start3A_524, %dma_start3A_525] : memref<10000x32xf32, #tpu.memory_space<hbm>> -> memref<10000x32xf32, #tpu.memory_space<hbm>>
        tpu.enqueue_indirect_dma source(%dma_start3A_526 : memref<10000x32xf32, #tpu.memory_space<hbm>>) target(%dma_start3A_522 : memref<80x32xf32, #tpu.memory_space<vmem>>) offsets(%dma_start3A_523 : memref<80xi32, #tpu.memory_space<vmem>>) semaphore(%arg13 : memref<!tpu.dma_semaphore, #tpu.memory_space<semaphore_mem>>)
        %mul3A_527 = arith.constant 400 : i32
        %mul3A_528 = arith.muli %add3A_438, %mul3A_527 : i32
        %add3A_529 = arith.constant 320 : i32
        %add3A_530 = arith.addi %mul3A_528, %add3A_529 : i32
        %dma_start3A_531 = arith.constant 1 : i32
        %dma_start3A_532 = arith.constant 320 : i32
        %dma_start3A_533 = arith.constant 0 : i32
        %dma_start3A_534 = tpu.memref_slice %arg9[%dma_start3A_531, %dma_start3A_532, %dma_start3A_533] : memref<2x400x32xf32, #tpu.memory_space<vmem>> -> memref<1x80x32xf32, #tpu.memory_space<vmem>>
        %dma_start3A_535 = tpu.memref_squeeze %dma_start3A_534 : memref<1x80x32xf32, #tpu.memory_space<vmem>> -> memref<80x32xf32, #tpu.memory_space<vmem>>
        %dma_start3A_536 = tpu.memref_slice %arg7[%add3A_530] : memref<10000xi32, #tpu.memory_space<vmem>> -> memref<80xi32, #tpu.memory_space<vmem>>
        %dma_start3A_537 = arith.constant 0 : i32
        %dma_start3A_538 = arith.constant 0 : i32
        %dma_start3A_539 = tpu.memref_slice %arg2[%dma_start3A_537, %dma_start3A_538] : memref<10000x32xf32, #tpu.memory_space<hbm>> -> memref<10000x32xf32, #tpu.memory_space<hbm>>
        tpu.enqueue_indirect_dma source(%dma_start3A_539 : memref<10000x32xf32, #tpu.memory_space<hbm>>) target(%dma_start3A_535 : memref<80x32xf32, #tpu.memory_space<vmem>>) offsets(%dma_start3A_536 : memref<80xi32, #tpu.memory_space<vmem>>) semaphore(%arg13 : memref<!tpu.dma_semaphore, #tpu.memory_space<semaphore_mem>>)
        %dma_start3A_540 = arith.constant 1 : i32
        %dma_start3A_541 = arith.constant 320 : i32
        %dma_start3A_542 = arith.constant 0 : i32
        %dma_start3A_543 = tpu.memref_slice %arg10[%dma_start3A_540, %dma_start3A_541, %dma_start3A_542] : memref<2x400x32xf32, #tpu.memory_space<vmem>> -> memref<1x80x32xf32, #tpu.memory_space<vmem>>
        %dma_start3A_544 = tpu.memref_squeeze %dma_start3A_543 : memref<1x80x32xf32, #tpu.memory_space<vmem>> -> memref<80x32xf32, #tpu.memory_space<vmem>>
        %dma_start3A_545 = tpu.memref_slice %arg8[%add3A_530] : memref<10000xi32, #tpu.memory_space<vmem>> -> memref<80xi32, #tpu.memory_space<vmem>>
        %dma_start3A_546 = arith.constant 0 : i32
        %dma_start3A_547 = arith.constant 0 : i32
        %dma_start3A_548 = tpu.memref_slice %arg3[%dma_start3A_546, %dma_start3A_547] : memref<10000x32xf32, #tpu.memory_space<hbm>> -> memref<10000x32xf32, #tpu.memory_space<hbm>>
        tpu.enqueue_indirect_dma source(%dma_start3A_548 : memref<10000x32xf32, #tpu.memory_space<hbm>>) target(%dma_start3A_544 : memref<80x32xf32, #tpu.memory_space<vmem>>) offsets(%dma_start3A_545 : memref<80xi32, #tpu.memory_space<vmem>>) semaphore(%arg13 : memref<!tpu.dma_semaphore, #tpu.memory_space<semaphore_mem>>)
      } else {
      }
      %mul3A_421 = arith.constant 100 : i32
      %mul3A_422 = arith.muli %add3A_378, %mul3A_421 : i32
      %add3A_423 = arith.addi %mul3A_4, %mul3A_422 : i32
      %dma_start3A_424 = arith.constant 1 : i32
      %dma_start3A_425 = arith.constant 0 : i32
      %dma_start3A_426 = arith.constant 0 : i32
      %dma_start3A_427 = tpu.memref_slice %arg11[%dma_start3A_424, %dma_start3A_425, %dma_start3A_426] : memref<2x100x128xf32, #tpu.memory_space<vmem>> -> memref<1x100x128xf32, #tpu.memory_space<vmem>>
      %dma_start3A_428 = tpu.memref_squeeze %dma_start3A_427 : memref<1x100x128xf32, #tpu.memory_space<vmem>> -> memref<100x128xf32, #tpu.memory_space<vmem>>
      %dma_start3A_429 = arith.constant 0 : i32
      %dma_start3A_430 = tpu.memref_slice %arg6[%add3A_423, %dma_start3A_429] : memref<80000x128xf32, #tpu.memory_space<hbm>> -> memref<100x128xf32, #tpu.memory_space<hbm>>
      %dma_start3A_431 = arith.constant 0 : i32
      %dma_start3A_432 = tpu.memref_slice %arg6[%add3A_423, %dma_start3A_431] : memref<80000x128xf32, #tpu.memory_space<hbm>> -> memref<100x128xf32, #tpu.memory_space<hbm>>
      %dma_start3A_433 = arith.constant 0 : i32
      %dma_start3A_434 = arith.constant 0 : i32
      %dma_start3A_435 = tpu.memref_slice %arg11[%dma_start3A_424, %dma_start3A_433, %dma_start3A_434] : memref<2x100x128xf32, #tpu.memory_space<vmem>> -> memref<1x100x128xf32, #tpu.memory_space<vmem>>
      %dma_start3A_436 = tpu.memref_squeeze %dma_start3A_435 : memref<1x100x128xf32, #tpu.memory_space<vmem>> -> memref<100x128xf32, #tpu.memory_space<vmem>>
      tpu.enqueue_dma source(%dma_start3A_436 : memref<100x128xf32, #tpu.memory_space<vmem>>) target(%dma_start3A_432 : memref<100x128xf32, #tpu.memory_space<hbm>>) target_semaphore(%arg15 : memref<!tpu.dma_semaphore, #tpu.memory_space<semaphore_mem>>)
    }
    %scan3A_207 = arith.constant 12 : i32
    %dma_wait3A = arith.constant 0 : i32
    %dma_wait3A_208 = arith.constant 0 : i32
    %dma_wait3A_209 = arith.constant 0 : i32
    %dma_wait3A_210 = tpu.memref_slice %arg11[%dma_wait3A, %dma_wait3A_208, %dma_wait3A_209] : memref<2x100x128xf32, #tpu.memory_space<vmem>> -> memref<1x100x128xf32, #tpu.memory_space<vmem>>
    %dma_wait3A_211 = tpu.memref_squeeze %dma_wait3A_210 : memref<1x100x128xf32, #tpu.memory_space<vmem>> -> memref<100x128xf32, #tpu.memory_space<vmem>>
    %dma_wait3A_212 = arith.constant 0 : i32
    %dma_wait3A_213 = arith.constant 0 : i32
    %dma_wait3A_214 = tpu.memref_slice %arg6[%dma_wait3A_212, %dma_wait3A_213] : memref<80000x128xf32, #tpu.memory_space<hbm>> -> memref<100x128xf32, #tpu.memory_space<hbm>>
    %dma_wait3A_215 = arith.constant 0 : i32
    %dma_wait3A_216 = arith.constant 0 : i32
    %dma_wait3A_217 = tpu.memref_slice %arg6[%dma_wait3A_215, %dma_wait3A_216] : memref<80000x128xf32, #tpu.memory_space<hbm>> -> memref<100x128xf32, #tpu.memory_space<hbm>>
    %dma_wait3A_218 = arith.constant 0 : i32
    %dma_wait3A_219 = arith.constant 0 : i32
    %dma_wait3A_220 = tpu.memref_slice %arg11[%dma_wait3A, %dma_wait3A_218, %dma_wait3A_219] : memref<2x100x128xf32, #tpu.memory_space<vmem>> -> memref<1x100x128xf32, #tpu.memory_space<vmem>>
    %dma_wait3A_221 = tpu.memref_squeeze %dma_wait3A_220 : memref<1x100x128xf32, #tpu.memory_space<vmem>> -> memref<100x128xf32, #tpu.memory_space<vmem>>
    tpu.wait_dma2 semaphore(%arg14 : memref<!tpu.dma_semaphore, #tpu.memory_space<semaphore_mem>>) src(%dma_wait3A_221 : memref<100x128xf32, #tpu.memory_space<vmem>>) dst(%dma_wait3A_217 : memref<100x128xf32, #tpu.memory_space<hbm>>)
    %dma_wait3A_222 = arith.constant 0 : i32
    %dma_wait3A_223 = arith.constant 0 : i32
    %dma_wait3A_224 = arith.constant 0 : i32
    %dma_wait3A_225 = tpu.memref_slice %arg9[%dma_wait3A_222, %dma_wait3A_223, %dma_wait3A_224] : memref<2x400x32xf32, #tpu.memory_space<vmem>> -> memref<1x400x32xf32, #tpu.memory_space<vmem>>
    %dma_wait3A_226 = tpu.memref_squeeze %dma_wait3A_225 : memref<1x400x32xf32, #tpu.memory_space<vmem>> -> memref<400x32xf32, #tpu.memory_space<vmem>>
    %dma_wait3A_227 = arith.constant 0 : i32
    %dma_wait3A_228 = arith.constant 0 : i32
    %dma_wait3A_229 = tpu.memref_slice %arg2[%dma_wait3A_227, %dma_wait3A_228] : memref<10000x32xf32, #tpu.memory_space<hbm>> -> memref<400x32xf32, #tpu.memory_space<hbm>>
    %dma_wait3A_230 = arith.constant 0 : i32
    %dma_wait3A_231 = arith.constant 0 : i32
    %dma_wait3A_232 = tpu.memref_slice %arg9[%dma_wait3A_222, %dma_wait3A_230, %dma_wait3A_231] : memref<2x400x32xf32, #tpu.memory_space<vmem>> -> memref<1x400x32xf32, #tpu.memory_space<vmem>>
    %dma_wait3A_233 = tpu.memref_squeeze %dma_wait3A_232 : memref<1x400x32xf32, #tpu.memory_space<vmem>> -> memref<400x32xf32, #tpu.memory_space<vmem>>
    %dma_wait3A_234 = arith.constant 0 : i32
    %dma_wait3A_235 = arith.constant 0 : i32
    %dma_wait3A_236 = tpu.memref_slice %arg2[%dma_wait3A_234, %dma_wait3A_235] : memref<10000x32xf32, #tpu.memory_space<hbm>> -> memref<400x32xf32, #tpu.memory_space<hbm>>
    tpu.wait_dma2 semaphore(%arg12 : memref<!tpu.dma_semaphore, #tpu.memory_space<semaphore_mem>>) src(%dma_wait3A_236 : memref<400x32xf32, #tpu.memory_space<hbm>>) dst(%dma_wait3A_233 : memref<400x32xf32, #tpu.memory_space<vmem>>)
    %dma_wait3A_237 = arith.constant 0 : i32
    %dma_wait3A_238 = arith.constant 0 : i32
    %dma_wait3A_239 = arith.constant 0 : i32
    %dma_wait3A_240 = tpu.memref_slice %arg10[%dma_wait3A_237, %dma_wait3A_238, %dma_wait3A_239] : memref<2x400x32xf32, #tpu.memory_space<vmem>> -> memref<1x400x32xf32, #tpu.memory_space<vmem>>
    %dma_wait3A_241 = tpu.memref_squeeze %dma_wait3A_240 : memref<1x400x32xf32, #tpu.memory_space<vmem>> -> memref<400x32xf32, #tpu.memory_space<vmem>>
    %dma_wait3A_242 = arith.constant 0 : i32
    %dma_wait3A_243 = arith.constant 0 : i32
    %dma_wait3A_244 = tpu.memref_slice %arg3[%dma_wait3A_242, %dma_wait3A_243] : memref<10000x32xf32, #tpu.memory_space<hbm>> -> memref<400x32xf32, #tpu.memory_space<hbm>>
    %dma_wait3A_245 = arith.constant 0 : i32
    %dma_wait3A_246 = arith.constant 0 : i32
    %dma_wait3A_247 = tpu.memref_slice %arg10[%dma_wait3A_237, %dma_wait3A_245, %dma_wait3A_246] : memref<2x400x32xf32, #tpu.memory_space<vmem>> -> memref<1x400x32xf32, #tpu.memory_space<vmem>>
    %dma_wait3A_248 = tpu.memref_squeeze %dma_wait3A_247 : memref<1x400x32xf32, #tpu.memory_space<vmem>> -> memref<400x32xf32, #tpu.memory_space<vmem>>
    %dma_wait3A_249 = arith.constant 0 : i32
    %dma_wait3A_250 = arith.constant 0 : i32
    %dma_wait3A_251 = tpu.memref_slice %arg3[%dma_wait3A_249, %dma_wait3A_250] : memref<10000x32xf32, #tpu.memory_space<hbm>> -> memref<400x32xf32, #tpu.memory_space<hbm>>
    tpu.wait_dma2 semaphore(%arg12 : memref<!tpu.dma_semaphore, #tpu.memory_space<semaphore_mem>>) src(%dma_wait3A_251 : memref<400x32xf32, #tpu.memory_space<hbm>>) dst(%dma_wait3A_248 : memref<400x32xf32, #tpu.memory_space<vmem>>)
    %scan3A_252 = arith.constant 0 : i32
    %scan3A_253 = arith.constant 100 : i32
    %scan3A_254 = arith.addi %scan3A_252, %scan3A_253 : i32
    %scan3A_255 = arith.constant 1 : i32
    scf.for %scan3A_302 = %scan3A_252 to %scan3A_254 step %scan3A_255  : i32 {
      %mul3A_303 = arith.constant 1 : i32
      %mul3A_304 = arith.muli %scan3A_302, %mul3A_303 : i32
      %add3A_305 = arith.constant 0 : i32
      %add3A_306 = arith.addi %add3A_305, %mul3A_304 : i32
      %mul3A_307 = arith.constant 4 : i32
      %mul3A_308 = arith.muli %add3A_306, %mul3A_307 : i32
      %add3A_309 = arith.constant 0 : i32
      %add3A_310 = arith.addi %mul3A_308, %add3A_309 : i32
      %get3A = arith.constant 0 : i32
      %get3A_311 = arith.index_cast %get3A : i32 to index
      %get3A_312 = arith.index_cast %add3A_310 : i32 to index
      %get3A_313 = arith.constant 0 : index
      %get3A_314 = tpu.vector_load %arg9[%get3A_311, %get3A_312, %get3A_313] {strides = array<i32>} : memref<2x400x32xf32, #tpu.memory_space<vmem>>, vector<1x1x16xf32>,
      %get3A_315 = vector.shape_cast %get3A_314 : vector<1x1x16xf32> to vector<1x16xf32>
      %get3A_316 = arith.constant 0 : i32
      %get3A_317 = arith.index_cast %get3A_316 : i32 to index
      %get3A_318 = arith.index_cast %add3A_310 : i32 to index
      %get3A_319 = arith.constant 0 : index
      %get3A_320 = tpu.vector_load %arg10[%get3A_317, %get3A_318, %get3A_319] {strides = array<i32>} : memref<2x400x32xf32, #tpu.memory_space<vmem>>, vector<1x1x16xf32>,
      %get3A_321 = vector.shape_cast %get3A_320 : vector<1x1x16xf32> to vector<1x16xf32>
      %add3A_322 = arith.addf %get3A_315, %get3A_321 : vector<1x16xf32>
      %swap3A = arith.constant 0 : i32
      %swap3A_323 = arith.index_cast %swap3A : i32 to index
      %swap3A_324 = arith.index_cast %add3A_306 : i32 to index
      %swap3A_325 = arith.constant 0 : index
      %swap3A_326 = tpu.vector_load %arg11[%swap3A_323, %swap3A_324, %swap3A_325] {strides = array<i32>} : memref<2x100x128xf32, #tpu.memory_space<vmem>>, vector<1x1x16xf32>,
      %swap3A_327 = vector.shape_cast %swap3A_326 : vector<1x1x16xf32> to vector<1x16xf32>
      %swap3A_328 = vector.shape_cast %add3A_322 : vector<1x16xf32> to vector<1x1x16xf32>
      tpu.vector_store %arg11[%swap3A_323, %swap3A_324, %swap3A_325], %swap3A_328 {strides = array<i32>} : memref<2x100x128xf32, #tpu.memory_space<vmem>>, vector<1x1x16xf32>,
      %mul3A_329 = arith.constant 4 : i32
      %mul3A_330 = arith.muli %add3A_306, %mul3A_329 : i32
      %add3A_331 = arith.constant 0 : i32
      %add3A_332 = arith.addi %mul3A_330, %add3A_331 : i32
      %get3A_333 = arith.constant 0 : i32
      %get3A_334 = arith.index_cast %get3A_333 : i32 to index
      %get3A_335 = arith.index_cast %add3A_332 : i32 to index
      %get3A_336 = arith.constant 16 : index
      %get3A_337 = tpu.vector_load %arg9[%get3A_334, %get3A_335, %get3A_336] {strides = array<i32>} : memref<2x400x32xf32, #tpu.memory_space<vmem>>, vector<1x1x16xf32>,
      %get3A_338 = vector.shape_cast %get3A_337 : vector<1x1x16xf32> to vector<1x16xf32>
      %get3A_339 = arith.constant 0 : i32
      %get3A_340 = arith.index_cast %get3A_339 : i32 to index
      %get3A_341 = arith.index_cast %add3A_332 : i32 to index
      %get3A_342 = arith.constant 16 : index
      %get3A_343 = tpu.vector_load %arg10[%get3A_340, %get3A_341, %get3A_342] {strides = array<i32>} : memref<2x400x32xf32, #tpu.memory_space<vmem>>, vector<1x1x16xf32>,
      %get3A_344 = vector.shape_cast %get3A_343 : vector<1x1x16xf32> to vector<1x16xf32>
      %add3A_345 = arith.addf %get3A_338, %get3A_344 : vector<1x16xf32>
      %swap3A_346 = arith.constant 0 : i32
      %swap3A_347 = arith.index_cast %swap3A_346 : i32 to index
      %swap3A_348 = arith.index_cast %add3A_306 : i32 to index
      %swap3A_349 = arith.constant 16 : index
      %swap3A_350 = tpu.vector_load %arg11[%swap3A_347, %swap3A_348, %swap3A_349] {strides = array<i32>} : memref<2x100x128xf32, #tpu.memory_space<vmem>>, vector<1x1x16xf32>,
      %swap3A_351 = vector.shape_cast %swap3A_350 : vector<1x1x16xf32> to vector<1x16xf32>
      %swap3A_352 = vector.shape_cast %add3A_345 : vector<1x16xf32> to vector<1x1x16xf32>
      tpu.vector_store %arg11[%swap3A_347, %swap3A_348, %swap3A_349], %swap3A_352 {strides = array<i32>} : memref<2x100x128xf32, #tpu.memory_space<vmem>>, vector<1x1x16xf32>,
      %mul3A_353 = arith.constant 4 : i32
      %mul3A_354 = arith.muli %add3A_306, %mul3A_353 : i32
      %add3A_355 = arith.constant 1 : i32
      %add3A_356 = arith.addi %mul3A_354, %add3A_355 : i32
      %get3A_357 = arith.constant 0 : i32
      %get3A_358 = arith.index_cast %get3A_357 : i32 to index
      %get3A_359 = arith.index_cast %add3A_356 : i32 to index
      %get3A_360 = arith.constant 0 : index
      %get3A_361 = tpu.vector_load %arg9[%get3A_358, %get3A_359, %get3A_360] {strides = array<i32>} : memref<2x400x32xf32, #tpu.memory_space<vmem>>, vector<1x1x16xf32>,
      %get3A_362 = vector.shape_cast %get3A_361 : vector<1x1x16xf32> to vector<1x16xf32>
      %get3A_363 = arith.constant 0 : i32
      %get3A_364 = arith.index_cast %get3A_363 : i32 to index
      %get3A_365 = arith.index_cast %add3A_356 : i32 to index
      %get3A_366 = arith.constant 0 : index
      %get3A_367 = tpu.vector_load %arg10[%get3A_364, %get3A_365, %get3A_366] {strides = array<i32>} : memref<2x400x32xf32, #tpu.memory_space<vmem>>, vector<1x1x16xf32>,
      %get3A_368 = vector.shape_cast %get3A_367 : vector<1x1x16xf32> to vector<1x16xf32>
      %add3A_369 = arith.addf %get3A_362, %get3A_368 : vector<1x16xf32>
      %swap3A_370 = arith.constant 0 : i32
      %swap3A_371 = arith.index_cast %swap3A_370 : i32 to index
      %swap3A_372 = arith.index_cast %add3A_306 : i32 to index
      %swap3A_373 = arith.constant 32 : index
      %swap3A_374 = tpu.vector_load %arg11[%swap3A_371, %swap3A_372, %swap3A_373] {strides = array<i32>} : memref<2x100x128xf32, #tpu.memory_space<vmem>>, vector<1x1x16xf32>,
      %swap3A_375 = vector.shape_cast %swap3A_374 : vector<1x1x16xf32> to vector<1x16xf32>
      %swap3A_376 = vector.shape_cast %add3A_369 : vector<1x16xf32> to vector<1x1x16xf32>
      tpu.vector_store %arg11[%swap3A_371, %swap3A_372, %swap3A_373], %swap3A_376 {strides = array<i32>} : memref<2x100x128xf32, #tpu.memory_space<vmem>>, vector<1x1x16xf32>,
      %mul3A_377 = arith.constant 4 : i32
      %mul3A_378 = arith.muli %add3A_306, %mul3A_377 : i32
      %add3A_379 = arith.constant 1 : i32
      %add3A_380 = arith.addi %mul3A_378, %add3A_379 : i32
      %get3A_381 = arith.constant 0 : i32
      %get3A_382 = arith.index_cast %get3A_381 : i32 to index
      %get3A_383 = arith.index_cast %add3A_380 : i32 to index
      %get3A_384 = arith.constant 16 : index
      %get3A_385 = tpu.vector_load %arg9[%get3A_382, %get3A_383, %get3A_384] {strides = array<i32>} : memref<2x400x32xf32, #tpu.memory_space<vmem>>, vector<1x1x16xf32>,
      %get3A_386 = vector.shape_cast %get3A_385 : vector<1x1x16xf32> to vector<1x16xf32>
      %get3A_387 = arith.constant 0 : i32
      %get3A_388 = arith.index_cast %get3A_387 : i32 to index
      %get3A_389 = arith.index_cast %add3A_380 : i32 to index
      %get3A_390 = arith.constant 16 : index
      %get3A_391 = tpu.vector_load %arg10[%get3A_388, %get3A_389, %get3A_390] {strides = array<i32>} : memref<2x400x32xf32, #tpu.memory_space<vmem>>, vector<1x1x16xf32>,
      %get3A_392 = vector.shape_cast %get3A_391 : vector<1x1x16xf32> to vector<1x16xf32>
      %add3A_393 = arith.addf %get3A_386, %get3A_392 : vector<1x16xf32>
      %swap3A_394 = arith.constant 0 : i32
      %swap3A_395 = arith.index_cast %swap3A_394 : i32 to index
      %swap3A_396 = arith.index_cast %add3A_306 : i32 to index
      %swap3A_397 = arith.constant 48 : index
      %swap3A_398 = tpu.vector_load %arg11[%swap3A_395, %swap3A_396, %swap3A_397] {strides = array<i32>} : memref<2x100x128xf32, #tpu.memory_space<vmem>>, vector<1x1x16xf32>,
      %swap3A_399 = vector.shape_cast %swap3A_398 : vector<1x1x16xf32> to vector<1x16xf32>
      %swap3A_400 = vector.shape_cast %add3A_393 : vector<1x16xf32> to vector<1x1x16xf32>
      tpu.vector_store %arg11[%swap3A_395, %swap3A_396, %swap3A_397], %swap3A_400 {strides = array<i32>} : memref<2x100x128xf32, #tpu.memory_space<vmem>>, vector<1x1x16xf32>,
      %mul3A_401 = arith.constant 4 : i32
      %mul3A_402 = arith.muli %add3A_306, %mul3A_401 : i32
      %add3A_403 = arith.constant 2 : i32
      %add3A_404 = arith.addi %mul3A_402, %add3A_403 : i32
      %get3A_405 = arith.constant 0 : i32
      %get3A_406 = arith.index_cast %get3A_405 : i32 to index
      %get3A_407 = arith.index_cast %add3A_404 : i32 to index
      %get3A_408 = arith.constant 0 : index
      %get3A_409 = tpu.vector_load %arg9[%get3A_406, %get3A_407, %get3A_408] {strides = array<i32>} : memref<2x400x32xf32, #tpu.memory_space<vmem>>, vector<1x1x16xf32>,
      %get3A_410 = vector.shape_cast %get3A_409 : vector<1x1x16xf32> to vector<1x16xf32>
      %get3A_411 = arith.constant 0 : i32
      %get3A_412 = arith.index_cast %get3A_411 : i32 to index
      %get3A_413 = arith.index_cast %add3A_404 : i32 to index
      %get3A_414 = arith.constant 0 : index
      %get3A_415 = tpu.vector_load %arg10[%get3A_412, %get3A_413, %get3A_414] {strides = array<i32>} : memref<2x400x32xf32, #tpu.memory_space<vmem>>, vector<1x1x16xf32>,
      %get3A_416 = vector.shape_cast %get3A_415 : vector<1x1x16xf32> to vector<1x16xf32>
      %add3A_417 = arith.addf %get3A_410, %get3A_416 : vector<1x16xf32>
      %swap3A_418 = arith.constant 0 : i32
      %swap3A_419 = arith.index_cast %swap3A_418 : i32 to index
      %swap3A_420 = arith.index_cast %add3A_306 : i32 to index
      %swap3A_421 = arith.constant 64 : index
      %swap3A_422 = tpu.vector_load %arg11[%swap3A_419, %swap3A_420, %swap3A_421] {strides = array<i32>} : memref<2x100x128xf32, #tpu.memory_space<vmem>>, vector<1x1x16xf32>,
      %swap3A_423 = vector.shape_cast %swap3A_422 : vector<1x1x16xf32> to vector<1x16xf32>
      %swap3A_424 = vector.shape_cast %add3A_417 : vector<1x16xf32> to vector<1x1x16xf32>
      tpu.vector_store %arg11[%swap3A_419, %swap3A_420, %swap3A_421], %swap3A_424 {strides = array<i32>} : memref<2x100x128xf32, #tpu.memory_space<vmem>>, vector<1x1x16xf32>,
      %mul3A_425 = arith.constant 4 : i32
      %mul3A_426 = arith.muli %add3A_306, %mul3A_425 : i32
      %add3A_427 = arith.constant 2 : i32
      %add3A_428 = arith.addi %mul3A_426, %add3A_427 : i32
      %get3A_429 = arith.constant 0 : i32
      %get3A_430 = arith.index_cast %get3A_429 : i32 to index
      %get3A_431 = arith.index_cast %add3A_428 : i32 to index
      %get3A_432 = arith.constant 16 : index
      %get3A_433 = tpu.vector_load %arg9[%get3A_430, %get3A_431, %get3A_432] {strides = array<i32>} : memref<2x400x32xf32, #tpu.memory_space<vmem>>, vector<1x1x16xf32>,
      %get3A_434 = vector.shape_cast %get3A_433 : vector<1x1x16xf32> to vector<1x16xf32>
      %get3A_435 = arith.constant 0 : i32
      %get3A_436 = arith.index_cast %get3A_435 : i32 to index
      %get3A_437 = arith.index_cast %add3A_428 : i32 to index
      %get3A_438 = arith.constant 16 : index
      %get3A_439 = tpu.vector_load %arg10[%get3A_436, %get3A_437, %get3A_438] {strides = array<i32>} : memref<2x400x32xf32, #tpu.memory_space<vmem>>, vector<1x1x16xf32>,
      %get3A_440 = vector.shape_cast %get3A_439 : vector<1x1x16xf32> to vector<1x16xf32>
      %add3A_441 = arith.addf %get3A_434, %get3A_440 : vector<1x16xf32>
      %swap3A_442 = arith.constant 0 : i32
      %swap3A_443 = arith.index_cast %swap3A_442 : i32 to index
      %swap3A_444 = arith.index_cast %add3A_306 : i32 to index
      %swap3A_445 = arith.constant 80 : index
      %swap3A_446 = tpu.vector_load %arg11[%swap3A_443, %swap3A_444, %swap3A_445] {strides = array<i32>} : memref<2x100x128xf32, #tpu.memory_space<vmem>>, vector<1x1x16xf32>,
      %swap3A_447 = vector.shape_cast %swap3A_446 : vector<1x1x16xf32> to vector<1x16xf32>
      %swap3A_448 = vector.shape_cast %add3A_441 : vector<1x16xf32> to vector<1x1x16xf32>
      tpu.vector_store %arg11[%swap3A_443, %swap3A_444, %swap3A_445], %swap3A_448 {strides = array<i32>} : memref<2x100x128xf32, #tpu.memory_space<vmem>>, vector<1x1x16xf32>,
      %mul3A_449 = arith.constant 4 : i32
      %mul3A_450 = arith.muli %add3A_306, %mul3A_449 : i32
      %add3A_451 = arith.constant 3 : i32
      %add3A_452 = arith.addi %mul3A_450, %add3A_451 : i32
      %get3A_453 = arith.constant 0 : i32
      %get3A_454 = arith.index_cast %get3A_453 : i32 to index
      %get3A_455 = arith.index_cast %add3A_452 : i32 to index
      %get3A_456 = arith.constant 0 : index
      %get3A_457 = tpu.vector_load %arg9[%get3A_454, %get3A_455, %get3A_456] {strides = array<i32>} : memref<2x400x32xf32, #tpu.memory_space<vmem>>, vector<1x1x16xf32>,
      %get3A_458 = vector.shape_cast %get3A_457 : vector<1x1x16xf32> to vector<1x16xf32>
      %get3A_459 = arith.constant 0 : i32
      %get3A_460 = arith.index_cast %get3A_459 : i32 to index
      %get3A_461 = arith.index_cast %add3A_452 : i32 to index
      %get3A_462 = arith.constant 0 : index
      %get3A_463 = tpu.vector_load %arg10[%get3A_460, %get3A_461, %get3A_462] {strides = array<i32>} : memref<2x400x32xf32, #tpu.memory_space<vmem>>, vector<1x1x16xf32>,
      %get3A_464 = vector.shape_cast %get3A_463 : vector<1x1x16xf32> to vector<1x16xf32>
      %add3A_465 = arith.addf %get3A_458, %get3A_464 : vector<1x16xf32>
      %swap3A_466 = arith.constant 0 : i32
      %swap3A_467 = arith.index_cast %swap3A_466 : i32 to index
      %swap3A_468 = arith.index_cast %add3A_306 : i32 to index
      %swap3A_469 = arith.constant 96 : index
      %swap3A_470 = tpu.vector_load %arg11[%swap3A_467, %swap3A_468, %swap3A_469] {strides = array<i32>} : memref<2x100x128xf32, #tpu.memory_space<vmem>>, vector<1x1x16xf32>,
      %swap3A_471 = vector.shape_cast %swap3A_470 : vector<1x1x16xf32> to vector<1x16xf32>
      %swap3A_472 = vector.shape_cast %add3A_465 : vector<1x16xf32> to vector<1x1x16xf32>
      tpu.vector_store %arg11[%swap3A_467, %swap3A_468, %swap3A_469], %swap3A_472 {strides = array<i32>} : memref<2x100x128xf32, #tpu.memory_space<vmem>>, vector<1x1x16xf32>,
      %mul3A_473 = arith.constant 4 : i32
      %mul3A_474 = arith.muli %add3A_306, %mul3A_473 : i32
      %add3A_475 = arith.constant 3 : i32
      %add3A_476 = arith.addi %mul3A_474, %add3A_475 : i32
      %get3A_477 = arith.constant 0 : i32
      %get3A_478 = arith.index_cast %get3A_477 : i32 to index
      %get3A_479 = arith.index_cast %add3A_476 : i32 to index
      %get3A_480 = arith.constant 16 : index
      %get3A_481 = tpu.vector_load %arg9[%get3A_478, %get3A_479, %get3A_480] {strides = array<i32>} : memref<2x400x32xf32, #tpu.memory_space<vmem>>, vector<1x1x16xf32>,
      %get3A_482 = vector.shape_cast %get3A_481 : vector<1x1x16xf32> to vector<1x16xf32>
      %get3A_483 = arith.constant 0 : i32
      %get3A_484 = arith.index_cast %get3A_483 : i32 to index
      %get3A_485 = arith.index_cast %add3A_476 : i32 to index
      %get3A_486 = arith.constant 16 : index
      %get3A_487 = tpu.vector_load %arg10[%get3A_484, %get3A_485, %get3A_486] {strides = array<i32>} : memref<2x400x32xf32, #tpu.memory_space<vmem>>, vector<1x1x16xf32>,
      %get3A_488 = vector.shape_cast %get3A_487 : vector<1x1x16xf32> to vector<1x16xf32>
      %add3A_489 = arith.addf %get3A_482, %get3A_488 : vector<1x16xf32>
      %swap3A_490 = arith.constant 0 : i32
      %swap3A_491 = arith.index_cast %swap3A_490 : i32 to index
      %swap3A_492 = arith.index_cast %add3A_306 : i32 to index
      %swap3A_493 = arith.constant 112 : index
      %swap3A_494 = tpu.vector_load %arg11[%swap3A_491, %swap3A_492, %swap3A_493] {strides = array<i32>} : memref<2x100x128xf32, #tpu.memory_space<vmem>>, vector<1x1x16xf32>,
      %swap3A_495 = vector.shape_cast %swap3A_494 : vector<1x1x16xf32> to vector<1x16xf32>
      %swap3A_496 = vector.shape_cast %add3A_489 : vector<1x16xf32> to vector<1x1x16xf32>
      tpu.vector_store %arg11[%swap3A_491, %swap3A_492, %swap3A_493], %swap3A_496 {strides = array<i32>} : memref<2x100x128xf32, #tpu.memory_space<vmem>>, vector<1x1x16xf32>,
    }
    %scan3A_256 = arith.constant 100 : i32
    %add3A_257 = arith.constant 2400 : i32
    %add3A_258 = arith.addi %mul3A_4, %add3A_257 : i32
    %dma_start3A_259 = arith.constant 0 : i32
    %dma_start3A_260 = arith.constant 0 : i32
    %dma_start3A_261 = arith.constant 0 : i32
    %dma_start3A_262 = tpu.memref_slice %arg11[%dma_start3A_259, %dma_start3A_260, %dma_start3A_261] : memref<2x100x128xf32, #tpu.memory_space<vmem>> -> memref<1x100x128xf32, #tpu.memory_space<vmem>>
    %dma_start3A_263 = tpu.memref_squeeze %dma_start3A_262 : memref<1x100x128xf32, #tpu.memory_space<vmem>> -> memref<100x128xf32, #tpu.memory_space<vmem>>
    %dma_start3A_264 = arith.constant 0 : i32
    %dma_start3A_265 = tpu.memref_slice %arg6[%add3A_258, %dma_start3A_264] : memref<80000x128xf32, #tpu.memory_space<hbm>> -> memref<100x128xf32, #tpu.memory_space<hbm>>
    %dma_start3A_266 = arith.constant 0 : i32
    %dma_start3A_267 = tpu.memref_slice %arg6[%add3A_258, %dma_start3A_266] : memref<80000x128xf32, #tpu.memory_space<hbm>> -> memref<100x128xf32, #tpu.memory_space<hbm>>
    %dma_start3A_268 = arith.constant 0 : i32
    %dma_start3A_269 = arith.constant 0 : i32
    %dma_start3A_270 = tpu.memref_slice %arg11[%dma_start3A_259, %dma_start3A_268, %dma_start3A_269] : memref<2x100x128xf32, #tpu.memory_space<vmem>> -> memref<1x100x128xf32, #tpu.memory_space<vmem>>
    %dma_start3A_271 = tpu.memref_squeeze %dma_start3A_270 : memref<1x100x128xf32, #tpu.memory_space<vmem>> -> memref<100x128xf32, #tpu.memory_space<vmem>>
    tpu.enqueue_dma source(%dma_start3A_271 : memref<100x128xf32, #tpu.memory_space<vmem>>) target(%dma_start3A_267 : memref<100x128xf32, #tpu.memory_space<hbm>>) target_semaphore(%arg14 : memref<!tpu.dma_semaphore, #tpu.memory_space<semaphore_mem>>)
    %dma_wait3A_272 = arith.constant 1 : i32
    %dma_wait3A_273 = arith.constant 0 : i32
    %dma_wait3A_274 = arith.constant 0 : i32
    %dma_wait3A_275 = tpu.memref_slice %arg11[%dma_wait3A_272, %dma_wait3A_273, %dma_wait3A_274] : memref<2x100x128xf32, #tpu.memory_space<vmem>> -> memref<1x100x128xf32, #tpu.memory_space<vmem>>
    %dma_wait3A_276 = tpu.memref_squeeze %dma_wait3A_275 : memref<1x100x128xf32, #tpu.memory_space<vmem>> -> memref<100x128xf32, #tpu.memory_space<vmem>>
    %dma_wait3A_277 = arith.constant 0 : i32
    %dma_wait3A_278 = arith.constant 0 : i32
    %dma_wait3A_279 = tpu.memref_slice %arg6[%dma_wait3A_277, %dma_wait3A_278] : memref<80000x128xf32, #tpu.memory_space<hbm>> -> memref<100x128xf32, #tpu.memory_space<hbm>>
    %dma_wait3A_280 = arith.constant 0 : i32
    %dma_wait3A_281 = arith.constant 0 : i32
    %dma_wait3A_282 = tpu.memref_slice %arg6[%dma_wait3A_280, %dma_wait3A_281] : memref<80000x128xf32, #tpu.memory_space<hbm>> -> memref<100x128xf32, #tpu.memory_space<hbm>>
    %dma_wait3A_283 = arith.constant 0 : i32
    %dma_wait3A_284 = arith.constant 0 : i32
    %dma_wait3A_285 = tpu.memref_slice %arg11[%dma_wait3A_272, %dma_wait3A_283, %dma_wait3A_284] : memref<2x100x128xf32, #tpu.memory_space<vmem>> -> memref<1x100x128xf32, #tpu.memory_space<vmem>>
    %dma_wait3A_286 = tpu.memref_squeeze %dma_wait3A_285 : memref<1x100x128xf32, #tpu.memory_space<vmem>> -> memref<100x128xf32, #tpu.memory_space<vmem>>
    tpu.wait_dma2 semaphore(%arg15 : memref<!tpu.dma_semaphore, #tpu.memory_space<semaphore_mem>>) src(%dma_wait3A_286 : memref<100x128xf32, #tpu.memory_space<vmem>>) dst(%dma_wait3A_282 : memref<100x128xf32, #tpu.memory_space<hbm>>)
    %dma_wait3A_287 = arith.constant 0 : i32
    %dma_wait3A_288 = arith.constant 0 : i32
    %dma_wait3A_289 = arith.constant 0 : i32
    %dma_wait3A_290 = tpu.memref_slice %arg11[%dma_wait3A_287, %dma_wait3A_288, %dma_wait3A_289] : memref<2x100x128xf32, #tpu.memory_space<vmem>> -> memref<1x100x128xf32, #tpu.memory_space<vmem>>
    %dma_wait3A_291 = tpu.memref_squeeze %dma_wait3A_290 : memref<1x100x128xf32, #tpu.memory_space<vmem>> -> memref<100x128xf32, #tpu.memory_space<vmem>>
    %dma_wait3A_292 = arith.constant 0 : i32
    %dma_wait3A_293 = arith.constant 0 : i32
    %dma_wait3A_294 = tpu.memref_slice %arg6[%dma_wait3A_292, %dma_wait3A_293] : memref<80000x128xf32, #tpu.memory_space<hbm>> -> memref<100x128xf32, #tpu.memory_space<hbm>>
    %dma_wait3A_295 = arith.constant 0 : i32
    %dma_wait3A_296 = arith.constant 0 : i32
    %dma_wait3A_297 = tpu.memref_slice %arg6[%dma_wait3A_295, %dma_wait3A_296] : memref<80000x128xf32, #tpu.memory_space<hbm>> -> memref<100x128xf32, #tpu.memory_space<hbm>>
    %dma_wait3A_298 = arith.constant 0 : i32
    %dma_wait3A_299 = arith.constant 0 : i32
    %dma_wait3A_300 = tpu.memref_slice %arg11[%dma_wait3A_287, %dma_wait3A_298, %dma_wait3A_299] : memref<2x100x128xf32, #tpu.memory_space<vmem>> -> memref<1x100x128xf32, #tpu.memory_space<vmem>>
    %dma_wait3A_301 = tpu.memref_squeeze %dma_wait3A_300 : memref<1x100x128xf32, #tpu.memory_space<vmem>> -> memref<100x128xf32, #tpu.memory_space<vmem>>
    tpu.wait_dma2 semaphore(%arg14 : memref<!tpu.dma_semaphore, #tpu.memory_space<semaphore_mem>>) src(%dma_wait3A_301 : memref<100x128xf32, #tpu.memory_space<vmem>>) dst(%dma_wait3A_297 : memref<100x128xf32, #tpu.memory_space<hbm>>)
    return
  }
}

module attributes {stable_mosaic.version = 14 : i64} {
  func.func @_pre_body(%arg0: i32, %arg1: memref<2000x128xf32, #tpu.memory_space<vmem>>, %arg2: memref<128x32xf32, #tpu.memory_space<vmem>>, %arg3: memref<128x32xf32, #tpu.memory_space<vmem>>, %arg4: memref<2000x32xf32, #tpu.memory_space<vmem>>, %arg5: memref<2000x32xf32, #tpu.memory_space<vmem>>) attributes {dimension_semantics = [#tpu.dimension_semantics<arbitrary>], iteration_bounds = array<i64: 5>, scalar_prefetch = 0 : i64, scratch_operands = 0 : i64, tpu.core_type = #tpu.core_type<tc>, window_params = [{transform_indices = @transform_0, window_bounds = array<i64: 2000, 128>}, {pipeline_mode = #tpu.pipeline_mode<synchronous>, transform_indices = @transform_1, window_bounds = array<i64: 128, 32>}, {pipeline_mode = #tpu.pipeline_mode<synchronous>, transform_indices = @transform_2, window_bounds = array<i64: 128, 32>}, {transform_indices = @transform_3, window_bounds = array<i64: 2000, 32>}, {transform_indices = @transform_4, window_bounds = array<i64: 2000, 32>}]} {
    %get3A = arith.constant 0 : index
    %get3A_0 = arith.constant 0 : index
    %get3A_1 = vector.load %arg1[%get3A, %get3A_0] : memref<2000x128xf32, #tpu.memory_space<vmem>>, vector<2000x128xf32>
    %get3A_2 = arith.constant 0 : index
    %get3A_3 = arith.constant 0 : index
    %get3A_4 = vector.load %arg2[%get3A_2, %get3A_3] : memref<128x32xf32, #tpu.memory_space<vmem>>, vector<128x32xf32>
    %dot_general3A = arith.constant dense<0.000000e+00> : vector<2000x32xf32>
    %dot_general3A_5 = tpu.matmul %get3A_1, %get3A_4, %dot_general3A {dimension_numbers = #tpu.dot_dimension_numbers<[1], [0], [0], [1], [0, 0, 1, 1], [], []>, transpose_lhs_hint = false} : vector<2000x128xf32>, vector<128x32xf32>, vector<2000x32xf32> -> vector<2000x32xf32>
    %swap3A = arith.constant 0 : index
    %swap3A_6 = arith.constant 0 : index
    %swap3A_7 = vector.load %arg4[%swap3A, %swap3A_6] : memref<2000x32xf32, #tpu.memory_space<vmem>>, vector<2000x32xf32>
    tpu.vector_store %arg4[%swap3A, %swap3A_6], %dot_general3A_5 {strides = array<i32>} : memref<2000x32xf32, #tpu.memory_space<vmem>>, vector<2000x32xf32>,
    %get3A_8 = arith.constant 0 : index
    %get3A_9 = arith.constant 0 : index
    %get3A_10 = vector.load %arg3[%get3A_8, %get3A_9] : memref<128x32xf32, #tpu.memory_space<vmem>>, vector<128x32xf32>
    %dot_general3A_11 = arith.constant dense<0.000000e+00> : vector<2000x32xf32>
    %dot_general3A_12 = tpu.matmul %get3A_1, %get3A_10, %dot_general3A_11 {dimension_numbers = #tpu.dot_dimension_numbers<[1], [0], [0], [1], [0, 0, 1, 1], [], []>, transpose_lhs_hint = false} : vector<2000x128xf32>, vector<128x32xf32>, vector<2000x32xf32> -> vector<2000x32xf32>
    %swap3A_13 = arith.constant 0 : index
    %swap3A_14 = arith.constant 0 : index
    %swap3A_15 = vector.load %arg5[%swap3A_13, %swap3A_14] : memref<2000x32xf32, #tpu.memory_space<vmem>>, vector<2000x32xf32>
    tpu.vector_store %arg5[%swap3A_13, %swap3A_14], %dot_general3A_12 {strides = array<i32>} : memref<2000x32xf32, #tpu.memory_space<vmem>>, vector<2000x32xf32>,
    return
  }
  func.func @transform_0(%arg0: i32) -> (i32, i32) {
    %c0_i32 = arith.constant 0 : i32
    %c0_i32_0 = arith.constant 0 : i32
    return %arg0, %c0_i32 : i32, i32
  }
  func.func @transform_1(%arg0: i32) -> (i32, i32) {
    %c0_i32 = arith.constant 0 : i32
    %c0_i32_0 = arith.constant 0 : i32
    %c0_i32_1 = arith.constant 0 : i32
    return %c0_i32, %c0_i32_0 : i32, i32
  }
  func.func @transform_2(%arg0: i32) -> (i32, i32) {
    %c0_i32 = arith.constant 0 : i32
    %c0_i32_0 = arith.constant 0 : i32
    %c0_i32_1 = arith.constant 0 : i32
    return %c0_i32, %c0_i32_0 : i32, i32
  }
  func.func @transform_3(%arg0: i32) -> (i32, i32) {
    %c0_i32 = arith.constant 0 : i32
    %c0_i32_0 = arith.constant 0 : i32
    return %arg0, %c0_i32 : i32, i32
  }
  func.func @transform_4(%arg0: i32) -> (i32, i32) {
    %c0_i32 = arith.constant 0 : i32
    %c0_i32_0 = arith.constant 0 : i32
    return %arg0, %c0_i32 : i32, i32
  }
}

module attributes {stable_mosaic.version = 14 : i64} {
  func.func @_edge_body(%arg0: i32, %arg1: memref<8000x128xf32, #tpu.memory_space<vmem>>, %arg2: memref<8000x64xf32, #tpu.memory_space<vmem>>, %arg3: memref<64x128xf32, #tpu.memory_space<vmem>>, %arg4: memref<1x128xf32, #tpu.memory_space<vmem>>, %arg5: memref<128x64xf32, #tpu.memory_space<vmem>>, %arg6: memref<1x64xf32, #tpu.memory_space<vmem>>, %arg7: memref<8000x64xf32, #tpu.memory_space<vmem>>) attributes {dimension_semantics = [#tpu.dimension_semantics<arbitrary>], iteration_bounds = array<i64: 10>, scalar_prefetch = 0 : i64, scratch_operands = 0 : i64, tpu.core_type = #tpu.core_type<tc>, window_params = [{transform_indices = @transform_0, window_bounds = array<i64: 8000, 128>}, {transform_indices = @transform_1, window_bounds = array<i64: 8000, 64>}, {pipeline_mode = #tpu.pipeline_mode<synchronous>, transform_indices = @transform_2, window_bounds = array<i64: 64, 128>}, {pipeline_mode = #tpu.pipeline_mode<synchronous>, transform_indices = @transform_3, window_bounds = array<i64: 1, 128>}, {pipeline_mode = #tpu.pipeline_mode<synchronous>, transform_indices = @transform_4, window_bounds = array<i64: 128, 64>}, {pipeline_mode = #tpu.pipeline_mode<synchronous>, transform_indices = @transform_5, window_bounds = array<i64: 1, 64>}, {transform_indices = @transform_6, window_bounds = array<i64: 8000, 64>}]} {
    %get3A = arith.constant 0 : index
    %get3A_0 = arith.constant 0 : index
    %get3A_1 = vector.load %arg1[%get3A, %get3A_0] : memref<8000x128xf32, #tpu.memory_space<vmem>>, vector<8000x128xf32>
    %get3A_2 = arith.constant 0 : index
    %get3A_3 = arith.constant 0 : index
    %get3A_4 = vector.load %arg2[%get3A_2, %get3A_3] : memref<8000x64xf32, #tpu.memory_space<vmem>>, vector<8000x64xf32>
    %get3A_5 = arith.constant 0 : index
    %get3A_6 = arith.constant 0 : index
    %get3A_7 = vector.load %arg3[%get3A_5, %get3A_6] : memref<64x128xf32, #tpu.memory_space<vmem>>, vector<64x128xf32>
    %dot_general3A = arith.constant dense<0.000000e+00> : vector<8000x128xf32>
    %dot_general3A_8 = tpu.matmul %get3A_4, %get3A_7, %dot_general3A {dimension_numbers = #tpu.dot_dimension_numbers<[1], [0], [0], [1], [0, 0, 1, 1], [], []>, transpose_lhs_hint = false} : vector<8000x64xf32>, vector<64x128xf32>, vector<8000x128xf32> -> vector<8000x128xf32>
    %add3A = arith.addf %get3A_1, %dot_general3A_8 : vector<8000x128xf32>
    %get3A_9 = arith.constant 0 : index
    %get3A_10 = arith.constant 0 : index
    %get3A_11 = vector.load %arg4[%get3A_9, %get3A_10] : memref<1x128xf32, #tpu.memory_space<vmem>>, vector<1x128xf32>
    %add3A_12 = vector.broadcast %get3A_11 : vector<1x128xf32> to vector<8000x128xf32>
    %add3A_13 = arith.addf %add3A, %add3A_12 : vector<8000x128xf32>
    %logistic3A = arith.negf %add3A_13 : vector<8000x128xf32>
    %logistic3A_14 = math.exp %logistic3A : vector<8000x128xf32>
    %logistic3A_15 = arith.constant 1.000000e+00 : f32
    %logistic3A_16 = vector.broadcast %logistic3A_15 : f32 to vector<8000x128xf32>
    %logistic3A_17 = arith.addf %logistic3A_16, %logistic3A_14 : vector<8000x128xf32>
    %logistic3A_18 = arith.divf %logistic3A_16, %logistic3A_17 : vector<8000x128xf32>
    %mul3A = arith.mulf %add3A_13, %logistic3A_18 : vector<8000x128xf32>
    %get3A_19 = arith.constant 0 : index
    %get3A_20 = arith.constant 0 : index
    %get3A_21 = vector.load %arg5[%get3A_19, %get3A_20] : memref<128x64xf32, #tpu.memory_space<vmem>>, vector<128x64xf32>
    %dot_general3A_22 = arith.constant dense<0.000000e+00> : vector<8000x64xf32>
    %dot_general3A_23 = tpu.matmul %mul3A, %get3A_21, %dot_general3A_22 {dimension_numbers = #tpu.dot_dimension_numbers<[1], [0], [0], [1], [0, 0, 1, 1], [], []>, transpose_lhs_hint = false} : vector<8000x128xf32>, vector<128x64xf32>, vector<8000x64xf32> -> vector<8000x64xf32>
    %get3A_24 = arith.constant 0 : index
    %get3A_25 = arith.constant 0 : index
    %get3A_26 = vector.load %arg6[%get3A_24, %get3A_25] : memref<1x64xf32, #tpu.memory_space<vmem>>, vector<1x64xf32>
    %add3A_27 = vector.broadcast %get3A_26 : vector<1x64xf32> to vector<8000x64xf32>
    %add3A_28 = arith.addf %dot_general3A_23, %add3A_27 : vector<8000x64xf32>
    %logistic3A_29 = arith.negf %add3A_28 : vector<8000x64xf32>
    %logistic3A_30 = math.exp %logistic3A_29 : vector<8000x64xf32>
    %logistic3A_31 = arith.constant 1.000000e+00 : f32
    %logistic3A_32 = vector.broadcast %logistic3A_31 : f32 to vector<8000x64xf32>
    %logistic3A_33 = arith.addf %logistic3A_32, %logistic3A_30 : vector<8000x64xf32>
    %logistic3A_34 = arith.divf %logistic3A_32, %logistic3A_33 : vector<8000x64xf32>
    %mul3A_35 = arith.mulf %add3A_28, %logistic3A_34 : vector<8000x64xf32>
    %swap3A = arith.constant 0 : index
    %swap3A_36 = arith.constant 0 : index
    %swap3A_37 = vector.load %arg7[%swap3A, %swap3A_36] : memref<8000x64xf32, #tpu.memory_space<vmem>>, vector<8000x64xf32>
    tpu.vector_store %arg7[%swap3A, %swap3A_36], %mul3A_35 {strides = array<i32>} : memref<8000x64xf32, #tpu.memory_space<vmem>>, vector<8000x64xf32>,
    return
  }
  func.func @transform_0(%arg0: i32) -> (i32, i32) {
    %c0_i32 = arith.constant 0 : i32
    %c0_i32_0 = arith.constant 0 : i32
    return %arg0, %c0_i32 : i32, i32
  }
  func.func @transform_1(%arg0: i32) -> (i32, i32) {
    %c0_i32 = arith.constant 0 : i32
    %c0_i32_0 = arith.constant 0 : i32
    return %arg0, %c0_i32 : i32, i32
  }
  func.func @transform_2(%arg0: i32) -> (i32, i32) {
    %c0_i32 = arith.constant 0 : i32
    %c0_i32_0 = arith.constant 0 : i32
    %c0_i32_1 = arith.constant 0 : i32
    return %c0_i32, %c0_i32_0 : i32, i32
  }
  func.func @transform_3(%arg0: i32) -> (i32, i32) {
    %c0_i32 = arith.constant 0 : i32
    %c0_i32_0 = arith.constant 0 : i32
    %c0_i32_1 = arith.constant 0 : i32
    return %c0_i32, %c0_i32_0 : i32, i32
  }
  func.func @transform_4(%arg0: i32) -> (i32, i32) {
    %c0_i32 = arith.constant 0 : i32
    %c0_i32_0 = arith.constant 0 : i32
    %c0_i32_1 = arith.constant 0 : i32
    return %c0_i32, %c0_i32_0 : i32, i32
  }
  func.func @transform_5(%arg0: i32) -> (i32, i32) {
    %c0_i32 = arith.constant 0 : i32
    %c0_i32_0 = arith.constant 0 : i32
    %c0_i32_1 = arith.constant 0 : i32
    return %c0_i32, %c0_i32_0 : i32, i32
  }
  func.func @transform_6(%arg0: i32) -> (i32, i32) {
    %c0_i32 = arith.constant 0 : i32
    %c0_i32_0 = arith.constant 0 : i32
    return %arg0, %c0_i32 : i32, i32
  }
}

module attributes {stable_mosaic.version = 14 : i64} {
  func.func @_node_body(%arg0: i32, %arg1: memref<2000x128xf32, #tpu.memory_space<vmem>>, %arg2: memref<2000x16xf32, #tpu.memory_space<vmem>>, %arg3: memref<2000x16xf32, #tpu.memory_space<vmem>>, %arg4: memref<128x256xf32, #tpu.memory_space<vmem>>, %arg5: memref<16x256xf32, #tpu.memory_space<vmem>>, %arg6: memref<1x256xf32, #tpu.memory_space<vmem>>, %arg7: memref<256x128xf32, #tpu.memory_space<vmem>>, %arg8: memref<1x128xf32, #tpu.memory_space<vmem>>, %arg9: memref<2000x128xf32, #tpu.memory_space<vmem>>) attributes {dimension_semantics = [#tpu.dimension_semantics<arbitrary>], iteration_bounds = array<i64: 5>, scalar_prefetch = 0 : i64, scratch_operands = 0 : i64, tpu.core_type = #tpu.core_type<tc>, window_params = [{transform_indices = @transform_0, window_bounds = array<i64: 2000, 128>}, {transform_indices = @transform_1, window_bounds = array<i64: 2000, 16>}, {transform_indices = @transform_2, window_bounds = array<i64: 2000, 16>}, {pipeline_mode = #tpu.pipeline_mode<synchronous>, transform_indices = @transform_3, window_bounds = array<i64: 128, 256>}, {pipeline_mode = #tpu.pipeline_mode<synchronous>, transform_indices = @transform_4, window_bounds = array<i64: 16, 256>}, {pipeline_mode = #tpu.pipeline_mode<synchronous>, transform_indices = @transform_5, window_bounds = array<i64: 1, 256>}, {pipeline_mode = #tpu.pipeline_mode<synchronous>, transform_indices = @transform_6, window_bounds = array<i64: 256, 128>}, {pipeline_mode = #tpu.pipeline_mode<synchronous>, transform_indices = @transform_7, window_bounds = array<i64: 1, 128>}, {transform_indices = @transform_8, window_bounds = array<i64: 2000, 128>}]} {
    %get3A = arith.constant 0 : index
    %get3A_0 = arith.constant 0 : index
    %get3A_1 = vector.load %arg1[%get3A, %get3A_0] : memref<2000x128xf32, #tpu.memory_space<vmem>>, vector<2000x128xf32>
    %get3A_2 = arith.constant 0 : index
    %get3A_3 = arith.constant 0 : index
    %get3A_4 = vector.load %arg2[%get3A_2, %get3A_3] : memref<2000x16xf32, #tpu.memory_space<vmem>>, vector<2000x16xf32>
    %get3A_5 = arith.constant 0 : index
    %get3A_6 = arith.constant 0 : index
    %get3A_7 = vector.load %arg3[%get3A_5, %get3A_6] : memref<2000x16xf32, #tpu.memory_space<vmem>>, vector<2000x16xf32>
    %add3A = arith.addf %get3A_4, %get3A_7 : vector<2000x16xf32>
    %get3A_8 = arith.constant 0 : index
    %get3A_9 = arith.constant 0 : index
    %get3A_10 = vector.load %arg4[%get3A_8, %get3A_9] : memref<128x256xf32, #tpu.memory_space<vmem>>, vector<128x256xf32>
    %dot_general3A = arith.constant dense<0.000000e+00> : vector<2000x256xf32>
    %dot_general3A_11 = tpu.matmul %get3A_1, %get3A_10, %dot_general3A {dimension_numbers = #tpu.dot_dimension_numbers<[1], [0], [0], [1], [0, 0, 1, 1], [], []>, transpose_lhs_hint = false} : vector<2000x128xf32>, vector<128x256xf32>, vector<2000x256xf32> -> vector<2000x256xf32>
    %get3A_12 = arith.constant 0 : index
    %get3A_13 = arith.constant 0 : index
    %get3A_14 = vector.load %arg5[%get3A_12, %get3A_13] : memref<16x256xf32, #tpu.memory_space<vmem>>, vector<16x256xf32>
    %dot_general3A_15 = arith.constant dense<0.000000e+00> : vector<2000x256xf32>
    %dot_general3A_16 = tpu.matmul %add3A, %get3A_14, %dot_general3A_15 {dimension_numbers = #tpu.dot_dimension_numbers<[1], [0], [0], [1], [0, 0, 1, 1], [], []>, transpose_lhs_hint = false} : vector<2000x16xf32>, vector<16x256xf32>, vector<2000x256xf32> -> vector<2000x256xf32>
    %add3A_17 = arith.addf %dot_general3A_11, %dot_general3A_16 : vector<2000x256xf32>
    %get3A_18 = arith.constant 0 : index
    %get3A_19 = arith.constant 0 : index
    %get3A_20 = vector.load %arg6[%get3A_18, %get3A_19] : memref<1x256xf32, #tpu.memory_space<vmem>>, vector<1x256xf32>
    %add3A_21 = vector.broadcast %get3A_20 : vector<1x256xf32> to vector<2000x256xf32>
    %add3A_22 = arith.addf %add3A_17, %add3A_21 : vector<2000x256xf32>
    %logistic3A = arith.negf %add3A_22 : vector<2000x256xf32>
    %logistic3A_23 = math.exp %logistic3A : vector<2000x256xf32>
    %logistic3A_24 = arith.constant 1.000000e+00 : f32
    %logistic3A_25 = vector.broadcast %logistic3A_24 : f32 to vector<2000x256xf32>
    %logistic3A_26 = arith.addf %logistic3A_25, %logistic3A_23 : vector<2000x256xf32>
    %logistic3A_27 = arith.divf %logistic3A_25, %logistic3A_26 : vector<2000x256xf32>
    %mul3A = arith.mulf %add3A_22, %logistic3A_27 : vector<2000x256xf32>
    %get3A_28 = arith.constant 0 : index
    %get3A_29 = arith.constant 0 : index
    %get3A_30 = vector.load %arg7[%get3A_28, %get3A_29] : memref<256x128xf32, #tpu.memory_space<vmem>>, vector<256x128xf32>
    %dot_general3A_31 = arith.constant dense<0.000000e+00> : vector<2000x128xf32>
    %dot_general3A_32 = tpu.matmul %mul3A, %get3A_30, %dot_general3A_31 {dimension_numbers = #tpu.dot_dimension_numbers<[1], [0], [0], [1], [0, 0, 1, 1], [], []>, transpose_lhs_hint = false} : vector<2000x256xf32>, vector<256x128xf32>, vector<2000x128xf32> -> vector<2000x128xf32>
    %add3A_33 = arith.addf %get3A_1, %dot_general3A_32 : vector<2000x128xf32>
    %get3A_34 = arith.constant 0 : index
    %get3A_35 = arith.constant 0 : index
    %get3A_36 = vector.load %arg8[%get3A_34, %get3A_35] : memref<1x128xf32, #tpu.memory_space<vmem>>, vector<1x128xf32>
    %add3A_37 = vector.broadcast %get3A_36 : vector<1x128xf32> to vector<2000x128xf32>
    %add3A_38 = arith.addf %add3A_33, %add3A_37 : vector<2000x128xf32>
    %swap3A = arith.constant 0 : index
    %swap3A_39 = arith.constant 0 : index
    %swap3A_40 = vector.load %arg9[%swap3A, %swap3A_39] : memref<2000x128xf32, #tpu.memory_space<vmem>>, vector<2000x128xf32>
    tpu.vector_store %arg9[%swap3A, %swap3A_39], %add3A_38 {strides = array<i32>} : memref<2000x128xf32, #tpu.memory_space<vmem>>, vector<2000x128xf32>,
    return
  }
  func.func @transform_0(%arg0: i32) -> (i32, i32) {
    %c0_i32 = arith.constant 0 : i32
    %c0_i32_0 = arith.constant 0 : i32
    return %arg0, %c0_i32 : i32, i32
  }
  func.func @transform_1(%arg0: i32) -> (i32, i32) {
    %c0_i32 = arith.constant 0 : i32
    %c0_i32_0 = arith.constant 0 : i32
    return %arg0, %c0_i32 : i32, i32
  }
  func.func @transform_2(%arg0: i32) -> (i32, i32) {
    %c0_i32 = arith.constant 0 : i32
    %c0_i32_0 = arith.constant 0 : i32
    return %arg0, %c0_i32 : i32, i32
  }
  func.func @transform_3(%arg0: i32) -> (i32, i32) {
    %c0_i32 = arith.constant 0 : i32
    %c0_i32_0 = arith.constant 0 : i32
    %c0_i32_1 = arith.constant 0 : i32
    return %c0_i32, %c0_i32_0 : i32, i32
  }
  func.func @transform_4(%arg0: i32) -> (i32, i32) {
    %c0_i32 = arith.constant 0 : i32
    %c0_i32_0 = arith.constant 0 : i32
    %c0_i32_1 = arith.constant 0 : i32
    return %c0_i32, %c0_i32_0 : i32, i32
  }
  func.func @transform_5(%arg0: i32) -> (i32, i32) {
    %c0_i32 = arith.constant 0 : i32
    %c0_i32_0 = arith.constant 0 : i32
    %c0_i32_1 = arith.constant 0 : i32
    return %c0_i32, %c0_i32_0 : i32, i32
  }
  func.func @transform_6(%arg0: i32) -> (i32, i32) {
    %c0_i32 = arith.constant 0 : i32
    %c0_i32_0 = arith.constant 0 : i32
    %c0_i32_1 = arith.constant 0 : i32
    return %c0_i32, %c0_i32_0 : i32, i32
  }
  func.func @transform_7(%arg0: i32) -> (i32, i32) {
    %c0_i32 = arith.constant 0 : i32
    %c0_i32_0 = arith.constant 0 : i32
    %c0_i32_1 = arith.constant 0 : i32
    return %c0_i32, %c0_i32_0 : i32, i32
  }
  func.func @transform_8(%arg0: i32) -> (i32, i32) {
    %c0_i32 = arith.constant 0 : i32
    %c0_i32_0 = arith.constant 0 : i32
    return %arg0, %c0_i32 : i32, i32
  }
}

</mosaic_0001>

<sc_bundles>
// kernel: kernel.10.cloned.1.call-start
scs
__scs_entry_jumppad:
0x0: {  	(pc) =	sbr.rel $0x88, $3  }
0x1: {  	(tag) =	ssettag $0x0;
	lr =	simm.s32 $0x1  }
0x2: {  	[smem:$0x3F96] =	sst lr;
	_ =	strace $0xD0000000  }
0x3: {  	_ = 	snop  }
0x4: {  	_ = 	snop  }
0x5: {  	_ = 	snop  }
0x6: {  	_ = 	snop  }
0x7: {  	_ = 	snop  }
__scs_overlays_trampoline_lowered:
0x8: {  	[smem:$0x3FA5] =	sst s0  }
0x9: {  	[smem:$0x3FA6] =	sst s1  }
0xa: {  	[smem:$0x3FA7] =	sst s2  }
0xb: {  	[smem:$0x3FA8] =	sst s3  }
0xc: {  	[smem:$0x3FA9] =	sst s4  }
0xd: {  	[smem:$0x3FAA] =	sst s5  }
0xe: {  	[smem:$0x3FAB] =	sst s6  }
0xf: {  	[smem:$0x3FAC] =	sst s7  }
0x10: {  	[smem:$0x3FAD] =	sst s8  }
0x11: {  	[smem:$0x3FAE] =	sst s9;
	s0 =	simm.s32 @!p0 $0x0  }
0x12: {  	s1 =	sld [smem:$0x3F94];
	s0 =	simm.s32 @p0 $0x1  }
0x13: {  	[smem:$0x3FAF] =	sst s0;
	s0 =	simm.s32 @!p1 $0x0  }
0x14: {  	s2 =	sld [smem:$0x3F93];
	s0 =	simm.s32 @p1 $0x1  }
0x15: {  	[smem:$0x3FB0] =	sst s0;
	s0 =	simm.s32 @!p2 $0x0  }
0x16: {  	s3 =	sld [smem:$0x3FDB];
	s0 =	simm.s32 @p2 $0x1  }
0x17: {  	s4 =	simm.s32 $0x1BF5;
	[smem:$0x3FB2] =	sst s0  }
0x18: {  	s0 =	sld [smem:$0x3F95];
	_ =	swait.ge [sflag:s4], $0x0  }
0x19: {  	s7 =	sld [smem:$0x3F96]  }
0x1a: {  	s8 =	sadd.s32 $0xFFFFE003, lr  }
0x1b: {  	s9 =	sadd.s32 $0xFFFFFEF7, lr;
	s5 =	simm.s32 $0xFFFFFFFF;
	p2 =	slt.u32 s8, $0xFFFFF086  }
0x1c: {  	p1 =	slt.u32 s9, $0xF7A;
	s5 =	simm.s32 @!p2 $0x0  }
0x1d: {  	s5 =	simm.s32 @p1 $0x1;
	p0 =	seq.s32 s7, s2  }
0x1e: {  	s7 =	smul.u32 @!p0 $0xF7A, s2;
	p2 =	seq.s32 @!p0 s5, $0x0  }
0x1f: {  	s9 =	smul.u32 $0xF7A, s1;
	s8 =	simm.s32 @!p0 $0x1BF5;
	p2 =	por !p2, p0  }
0x20: {  	[sflag:s8] =	ssyncset.s32 @!p0 $0xFFFFF086;
	s6 =	sadd.s32 @!p0 s3, s7;
	s7 =	simm.s32 @!p0 $0x108  }
0x21: {  	s3 =	sadd.s32 s3, s9;
	s6 =	sadd.s32 @!p0 $0x88, s6;
	s7 =	simm.s32 @p2 $0x1082  }
0x22: {  	[simem:s7], [sflag:s8] =	dma.local @!p0 [hbm:s6], $0xF7A  }
0x23: {  	s9 =	sor.u32 $0xD0000000, s2;
	s6 =	simm.s32 $0x108;
	_ =	swait.ge @!p0 [sflag:s8], $0x0  }
0x24: {  	s3 =	sadd.s32 $0x88, s3;
	s6 =	simm.s32 @!p1 $0x1082;
	[sflag:s4] =	ssyncset.s32 $0xFFFFF086  }
0x25: {  	[simem:s6], [sflag:s4] =	dma.local [hbm:s3], $0xF7A  }
0x26: {  	[smem:$0x3F96] =	sst s1;
	(tag) =	ssettag s2;
	_ =	strace s9  }
0x27: {  	s1 =	sld [smem:$0x3FA6]  }
0x28: {  	s2 =	sld [smem:$0x3FA7]  }
0x29: {  	s4 =	sld [smem:$0x3FA9]  }
0x2a: {  	p0 =	seq.s32 s5, $0x0;
	s5 =	sld [smem:$0x3FAA]  }
0x2b: {  	s6 =	sld [smem:$0x3FAB]  }
0x2c: {  	s7 =	sld [smem:$0x3FAC]  }
0x2d: {  	s3 =	simm.s32 $0x108;
	s8 =	sld [smem:$0x3FAD]  }
0x2e: {  	s3 =	simm.s32 @!p0 $0x1082;
	s9 =	sld [smem:$0x3FAE]  }
0x2f: {  	lr =	sadd.s32 s0, s3;
	s0 =	sld [smem:$0x3FA5]  }
0x30: {  	s3 =	sld [smem:$0x3FA8]  }
0x31: {  	[smem:$0x3FB1] =	sst s10  }
0x32: {  	s10 =	sld [smem:$0x3FAF];
	_ =	sdelay $0x3  }
0x33: {  	p0 =	seq.s32 s10, $0x1;
	s10 =	sld [smem:$0x3FB1];
	_ =	sdelay $0x3  }
0x34: {  	[smem:$0x3FB1] =	sst s10  }
0x35: {  	s10 =	sld [smem:$0x3FB0];
	_ =	sdelay $0x3  }
0x36: {  	p1 =	seq.s32 s10, $0x1;
	s10 =	sld [smem:$0x3FB1];
	_ =	sdelay $0x3  }
0x37: {  	[smem:$0x3FB1] =	sst s10  }
0x38: {  	s10 =	sld [smem:$0x3FB2]  }
0x39: {  	_ = 	snop;
	(pc) =	sbr.ind lr, $3  }
0x3a: {  	_ = 	snop  }
0x3b: {  	_ = 	snop  }
0x3c: {  	p2 =	seq.s32 s10, $0x1;
	s10 =	sld [smem:$0x3FB1]  }
0x3d: {  	_ =	shalt  }
0x3e: {  	_ =	shalt  }
0x3f: {  	_ =	shalt  }
0x40: {  	_ =	shalt  }
0x41: {  	_ =	shalt  }
0x42: {  	_ =	shalt  }
0x43: {  	_ =	shalt  }
0x44: {  	_ =	shalt  }
0x45: {  	_ =	shalt  }
0x46: {  	_ =	shalt  }
0x47: {  	_ =	shalt  }
0x48: {  	_ =	shalt  }
0x49: {  	_ =	shalt  }
0x4a: {  	_ =	shalt  }
0x4b: {  	_ =	shalt  }
0x4c: {  	_ =	shalt  }
0x4d: {  	_ =	shalt  }
0x4e: {  	_ =	shalt  }
0x4f: {  	_ =	shalt  }
0x50: {  	_ =	shalt  }
0x51: {  	_ =	shalt  }
0x52: {  	_ =	shalt  }
0x53: {  	_ =	shalt  }
0x54: {  	_ =	shalt  }
0x55: {  	_ =	shalt  }
0x56: {  	_ =	shalt  }
0x57: {  	_ =	shalt  }
0x58: {  	_ =	shalt  }
0x59: {  	_ =	shalt  }
0x5a: {  	_ =	shalt  }
0x5b: {  	_ =	shalt  }
0x5c: {  	_ =	shalt  }
0x5d: {  	_ =	shalt  }
0x5e: {  	_ =	shalt  }
0x5f: {  	_ =	shalt  }
0x60: {  	_ =	shalt  }
0x61: {  	_ =	shalt  }
0x62: {  	_ =	shalt  }
0x63: {  	_ =	shalt  }
0x64: {  	_ =	shalt  }
0x65: {  	_ =	shalt  }
0x66: {  	_ =	shalt  }
0x67: {  	_ =	shalt  }
0x68: {  	_ =	shalt  }
0x69: {  	_ =	shalt  }
0x6a: {  	_ =	shalt  }
0x6b: {  	_ =	shalt  }
0x6c: {  	_ =	shalt  }
0x6d: {  	_ =	shalt  }
0x6e: {  	_ =	shalt  }
0x6f: {  	_ =	shalt  }
0x70: {  	_ =	shalt  }
0x71: {  	_ =	shalt  }
0x72: {  	_ =	shalt  }
0x73: {  	_ =	shalt  }
0x74: {  	_ =	shalt  }
0x75: {  	_ =	shalt  }
0x76: {  	_ =	shalt  }
0x77: {  	_ =	shalt  }
0x78: {  	_ =	shalt  }
0x79: {  	_ =	shalt  }
0x7a: {  	_ =	shalt  }
0x7b: {  	_ =	shalt  }
0x7c: {  	_ =	shalt  }
0x7d: {  	_ =	shalt  }
0x7e: {  	_ =	shalt  }
0x7f: {  	_ =	shalt  }
0x80: {  	_ =	shalt  }
0x81: {  	_ =	shalt  }
0x82: {  	_ =	shalt  }
0x83: {  	_ =	shalt  }
0x84: {  	_ =	shalt  }
0x85: {  	_ =	shalt  }
0x86: {  	_ =	shalt  }
0x87: {  	_ =	shalt  }
.Lfunc_end0:
.L_simem_size_0:
called_computation.1_lowered:
.L_overlay_start_0:
0x88: {  	s2 =	sld [smem:$0x3FD9]  }
0x89: {  	s3 =	sld [smem:$0x3FFE];
	_ =	sdelay $0x1  }
0x8a: {  	s1 =	srdreg.scid  }
0x8b: {  	s0 =	sand.u32 $0x1, s1  }
0x8c: {  	s16 =	sshll.u32 s0, $0xA;
	s2 =	sadd.s32 s3, s2  }
0x8d: {  	s2 =	sadd.s32 s2, s16  }
0x8e: {  	[smem:$0x3FBD] =	sst s2  }
0x8f: {  	_ = 	snop  }
0x90: {  	(tm) =	ssettm $0x1  }
0x91: {  	s17 =	sld [smem:$0x3FFB];
	_ =	sdelay $0x3  }
0x92: {  	_ =	strace s17  }
0x93: {  	s2 =	sld [smem:$0x3FFC];
	_ =	sdelay $0x3  }
0x94: {  	_ =	strace s2  }
0x95: {  	s2 =	sld [smem:$0x3FFD];
	_ =	sdelay $0x3  }
0x96: {  	_ =	strace s2  }
0x97: {  	_ =	strace $0x8FFFFFFF  }
0x98: {  	s18 =	sld [smem:$0x3FDB];
	_ =	sdelay $0x1  }
0x99: {  	s19 =	simm.s32 $_scs_section_size  }
0x9a: {  	s4 =	simm.s32 $_size__tile_overlayer_lowered;
	s5 =	simm.s32 $_tile_overlayer_lowered  }
0x9b: {  	s22 =	simm.s32 $0x1BFF;
	s21 =	sshll.u32 s5, $0x1;
	s2 =	sadd.s32 s19, s18  }
0x9c: {  	s6 =	simm.s32 $0x0;
	s20 =	sshll.u32 s4, $0x1;
	s4 =	sadd.s32 s21, s2  }
0x9d: {  	[timem:s6], [sflag:s22] =	dma.local [hbm:s4], s20  }
0x9e: {  	_ =	swait.ge [sflag:s22], s20  }
0x9f: {  	s3 =	ssub.s32 $0x0, s20;
	[sflag:s22] =	ssyncset.done $0x0  }
0xa0: {  	[sflag:s22] =	ssyncadd.s32 s3;
	_ =	sdelay $0x1  }
0xa1: {  	s23 =	simm.s32 $0x1B8B  }
0xa2: {  	_ =	swait.ge [sflag:s23], $0x1  }
0xa3: {  	[sflag:s23] =	ssyncset.done $0x0  }
0xa4: {  	s25 =	simm.s32 $0x1B8E;
	s24 =	sld [smem:$0x3FFE];
	[sflag:s23] =	ssyncadd.s32 $0xFFFFFFFF  }
0xa5: {  	s26 =	simm.s32 $execute0_lowered;
	[smem:$0x3FD2] =	sst s25  }
0xa6: {  	s4 =	sshll.u32 s26, $0x1;
	_ =	strace $0x80000049;
	[dreg:$0x1] =	wrdreg $0xFFFFFFFF  }
0xa7: {  	s28 =	simm.s32 $_size_execute0_lowered;
	s2 =	sadd.s32 s2, s4;
	[dreg:$0x0] =	wrdreg $0x0  }
0xa8: {  	s4 =	sshll.u32 s28, $0x1;
	[dreg:$0x2] =	wrdreg s2  }
0xa9: {  	[dreg:$0x3] =	wrdreg s4  }
0xaa: {  	[dreg:$0x4] =	wrdreg $0xC0  }
0xab: {  	_ =	task [dreg:s6], $0x5FFFF  }
0xac: {  	[dreg:$0x1] =	wrdreg $0xFFFFFFFF  }
0xad: {  	[dreg:$0x0] =	wrdreg $0x60  }
0xae: {  	[dreg:$0x2] =	wrdreg s24  }
0xaf: {  	[dreg:$0x3] =	wrdreg $0x27100  }
0xb0: {  	[dreg:$0x4] =	wrdreg $0x9  }
0xb1: {  	_ =	task.clear_ibuf [dreg:s6], $0x5FFFF;
	_ =	strace $0x90000049  }
0xb2: {  	s29 =	simm.s32 $0x9;
	_ =	strace $0x8000004B  }
0xb3: {  	_ =	swait.ge [sflag:s29], $0x1  }
0xb4: {  	[sflag:s29] =	ssyncadd.s32 $0xFFFFFFFF  }
0xb5: {  	_ =	strace $0x9000004B  }
0xb6: {  	_ =	sfence  }
0xb7: {  	s30 =	sld [smem:$0x0];
	_ =	sdelay $0x2  }
0xb8: {  	s31 =	sshll.u32 s1, $0xD;
	s1 =	sshrl.u32 s1, $0x2  }
0xb9: {  	s3 =	sand.u32 $0x4000, s31;
	s1 =	sadd.s32 s1, s30  }
0xba: {  	s0 =	sor.u32 s3, s0;
	s1 =	sshll.u32 s1, $0x11  }
0xbb: {  	s0 =	sor.u32 s1, s0  }
0xbc: {  	s0 =	sadd.s32 $0x8F2B, s0  }
0xbd: {  	[sflag:s0] =	ssyncadd.remote.s32 $0x1  }
0xbe: {  	_ =	sfence.sel $0xFFFF  }
0xbf: {  	[dreg:$0x0] =	wrdreg $0xFFFFFFFF;
	(pc) =	sbr.abs _section_cstart, $3  }
0xc0: {  	[dreg:$0x1] =	wrdreg $0xFFFFFFFF  }
0xc1: {  	_ =	task.clear_ibuf [dreg:s6], $0x2FFFF;
	_ =	strace $0x9FFFFFFF  }
0xc2: {  	(tm) =	ssettm $0x7FFFFFFF  }
0xc3: {  	_ =	shalt  }
tec
execute0_lowered:
.L_overlay_start_1:
0x0: {  	(tag) =	ssettag $0x1  }
0x1: {  	s5 =	rddreg [dreg:$0x0]  }
0x2: {  	s2 =	rddreg [dreg:$0x1];
	s3 =	simm.s32 $0x0;
	s4 =	srdreg.scid  }
0x3: {  	s1 =	stileid.u32;
	s20 =	simm.s32 $0x4EC0;
	s21 =	simm.s32 $0x4E70  }
0x4: {  	s22 =	simm.s32 $0x53C0;
	[smem:$0x7FF] =	sst s3;
	s6 =	sand.u32 $0x1, s4  }
0x5: {  	s7 =	smul.u32 $0x2710, s1;
	s17 =	sadd.s32 $0x2B600, s5;
	s4 =	sadd.s32 $0x21800, s5  }
0x6: {  	s8 =	smul.u32 $0x27100, s6;
	s9 =	sshll.u32 s6, $0x4;
	s6 =	ssub.s32 $0x2, s6  }
0x7: {  	_ =	strace $0x8000004A;
	s23 =	sor.u32 s1, s9;
	s10 =	sshrl.u32 s6, $0x1  }
0x8: {  	s14 =	sadd.s32 s7, s8;
	s11 =	smul.u32 $0x2710, s23;
	s13 =	ssub.s32 s6, s10  }
0x9: {  	s8 =	smul.u32 $0x4E20, s23;
	s23 =	simm.s32 $0x1;
	s24 =	sshrl.u32 s14, $0x3  }
0xa: {  	s31 =	sadd.s32 $0xF0, s14;
	s14 =	sadd.s32 $0xA0, s14;
	s12 =	sadd.s32 s24, s5  }
0xb: {  	s5 =	sadd.s32 s7, s2;
	s25 =	sshrl.u32 s11, $0x3;
	s26 =	sadd.s32 $0x50, s11  }
0xc: {  	s7 =	sadd.s32 s17, s8;
	s15 =	sadd.s32 $0x26C0, s11;
	s11 =	smax.u32 s13, $0x1  }
0xd: {  	s16 =	sshll.u32 s31, $0x1;
	s18 =	sshrl.u32 s31, $0x3;
	s19 =	sshll.u32 s14, $0x1  }
0xe: {  	s24 =	simm.s32 $0x50;
	s6 =	sadd.s32 s4, s25;
	s28 =	sshrl.u32 s26, $0x3  }
0xf: {  	s9 =	sshll.u32 s26, $0x1;
	s10 =	sadd.s32 $0x3E00, s12;
	s29 =	sshrl.u32 s15, $0x3  }
0x10: {  	s30 =	sshll.u32 s15, $0x1;
	s15 =	sadd.s32 s16, s17;
	s16 =	sadd.s32 s18, s4  }
0x11: {  	s18 =	simm.s32 $0x3;
	s25 =	simm.s32 $0x2;
	s26 =	simm.s32 $0x0  }
0x12: {  	s8 =	sadd.s32 s4, s28;
	s9 =	sadd.s32 s17, s9;
	s12 =	sadd.s32 s4, s29  }
0x13: {  	v0 =	vimm.f32 $0.0e+00;
	s13 =	sadd.s32 s17, s30;
	s17 =	sadd.s32 s19, s17;
	s19 =	simm.s32 $0x4E20  }
.LBB2_1:
0x14: {  	s28 =	simm.s32 $0x40;
	s29 =	simm.s32 $0x0  }
.LBB2_2:
0x15: {  	p0 =	sne.s32 s28, $0x9C00;
	[tilespmem:s29+$0x0] =	vst v0;
	s29 =	smov.u32 s28;
	s28 =	sadd.s32 $0x40, s28  }
.Ltmp0:
0x16: {  	(pc) =	sbr.rel @p0 .LBB2_2-.Ltmp0, $2  }
0x17: {  	_ =	sdelay $0x2  }
0x18: {  	s29 =	sshra.s32 s29, $0x2  }
0x19: {  	[tilespmem:s29+$0x0] =	vst v0;
	s28 =	simm.s32 $0x0  }
0x1a: {  	[spmem:s5] =	stream.linear.scatter [tilespmem:s28], [sflag:$0x3], $0x2710, $0x38;
	[tilespmem:$0x58C0] =	vst v63  }
0x1b: {  	_ =	swait.ge [sflag:s18], $0x2710  }
0x1c: {  	[sflag:s18] =	ssyncset.done $0x0  }
0x1d: {  	[sflag:s18] =	ssyncadd.s32 $0xFFFFD8F0  }
0x1e: {  	[bflag:$0x0] =	sbarrier.arrive $0xFFFF  }
0x1f: {  	[tilespmem:s19], [sflag:$0x1] =	stream.linear.gather [hbm4b:s6+s28], $0x50, $0x38;
	[tilespmem:$0x58C0] =	vst v63  }
0x20: {  	_ = 	snop  }
0x21: {  	[tilespmem:s20], [sflag:$0x1] =	stream.linear.gather [hbm4b:s7+s28], $0x500, $0x38;
	[tilespmem:$0x58C0] =	vst v63  }
0x22: {  	_ = 	snop  }
0x23: {  	[tilespmem:s21], [sflag:$0x2] =	stream.linear.gather [hbm4b:s8+s28], $0x50, $0x38;
	[tilespmem:$0x58C0] =	vst v63  }
0x24: {  	_ = 	snop  }
0x25: {  	[tilespmem:s22], [sflag:$0x2] =	stream.linear.gather [hbm4b:s9+s28], $0x500, $0x38;
	[tilespmem:$0x58C0] =	vst v63  }
0x26: {  	_ =	swait.ge [sflag:s23], $0x50  }
0x27: {  	[sflag:s23] =	ssyncset.done $0x0  }
0x28: {  	[sflag:s23] =	ssyncadd.s32 $0xFFFFFFB0  }
0x29: {  	_ =	swait.ge [sflag:s23], $0x500  }
0x2a: {  	s28 =	sshrl.u32 s14, $0x3;
	[sflag:s23] =	ssyncset.done $0x0  }
0x2b: {  	s28 =	sadd.s32 s4, s28;
	[sflag:s23] =	ssyncadd.s32 $0xFFFFFB00  }
0x2c: {  	[tilespmem:s19], [sflag:$0x1] =	stream.linear.gather [hbm4b:s28+s3], $0x50, $0x38;
	[tilespmem:$0x58C0] =	vst v63  }
0x2d: {  	s28 =	sadd.s32 $0x0, s17  }
0x2e: {  	[tilespmem:s20], [sflag:$0x1] =	stream.linear.gather [hbm4b:s28+s3], $0x500, $0x38;
	[tilespmem:$0x58C0] =	vst v63  }
0x2f: {  	_ = 	snop  }
0x30: {  	[spmem:s2] =	stream.indirect.scatter.add.f32 [tilespmem:s20], [sflag:$0x3], $0x10, s19, s24, $0xb8;
	[tilespmem:$0x58C0] =	vst v63  }
0x31: {  	_ =	swait.ge [sflag:s18], $0x500  }
0x32: {  	[sflag:s18] =	ssyncset.done $0x0  }
0x33: {  	[sflag:s18] =	ssyncadd.s32 $0xFFFFFB00  }
0x34: {  	_ =	swait.ge [sflag:s25], $0x50  }
0x35: {  	[sflag:s25] =	ssyncset.done $0x0  }
0x36: {  	[sflag:s25] =	ssyncadd.s32 $0xFFFFFFB0  }
0x37: {  	_ =	swait.ge [sflag:s25], $0x500  }
0x38: {  	[sflag:s25] =	ssyncset.done $0x0  }
0x39: {  	[sflag:s25] =	ssyncadd.s32 $0xFFFFFB00  }
0x3a: {  	[tilespmem:s21], [sflag:$0x2] =	stream.linear.gather [hbm4b:s16+s3], $0x50, $0x38;
	[tilespmem:$0x58C0] =	vst v63  }
0x3b: {  	s28 =	sadd.s32 $0x0, s15  }
0x3c: {  	[tilespmem:s22], [sflag:$0x2] =	stream.linear.gather [hbm4b:s28+s3], $0x500, $0x38;
	[tilespmem:$0x58C0] =	vst v63  }
0x3d: {  	_ = 	snop  }
0x3e: {  	[spmem:s2] =	stream.indirect.scatter.add.f32 [tilespmem:s22], [sflag:$0x3], $0x10, s21, s24, $0xb8;
	[tilespmem:$0x58C0] =	vst v63  }
0x3f: {  	s29 =	smov.u32 s16;
	_ =	swait.ge [sflag:s18], $0x500  }
0x40: {  	s30 =	smov.u32 s14;
	s28 =	simm.s32 $0x140;
	[sflag:s18] =	ssyncset.done $0x0  }
.LBB2_4:
0x41: {  	[sflag:s18] =	ssyncadd.s32 $0xFFFFFB00;
	s29 =	sadd.s32 $0x14, s29;
	s30 =	sadd.s32 $0xA0, s30  }
0x42: {  	p0 =	sne.s32 s28, $0x4B00;
	s31 =	smov.u32 s28;
	s28 =	sadd.s32 $0x140, s28  }
0x43: {  	_ =	swait.ge [sflag:s23], $0x50  }
0x44: {  	[sflag:s23] =	ssyncset.done $0x0  }
0x45: {  	[sflag:s23] =	ssyncadd.s32 $0xFFFFFFB0  }
0x46: {  	_ =	swait.ge [sflag:s23], $0x500  }
0x47: {  	s0 =	sshrl.u32 s30, $0x3;
	[sflag:s23] =	ssyncset.done $0x0  }
0x48: {  	s0 =	sadd.s32 s4, s0;
	[sflag:s23] =	ssyncadd.s32 $0xFFFFFB00  }
0x49: {  	[tilespmem:s19], [sflag:$0x1] =	stream.linear.gather [hbm4b:s0+s3], $0x50, $0x38;
	[tilespmem:$0x58C0] =	vst v63  }
0x4a: {  	s0 =	sadd.s32 s31, s17  }
0x4b: {  	[tilespmem:s20], [sflag:$0x1] =	stream.linear.gather [hbm4b:s0+s3], $0x500, $0x38;
	[tilespmem:$0x58C0] =	vst v63  }
0x4c: {  	_ = 	snop  }
0x4d: {  	[spmem:s2] =	stream.indirect.scatter.add.f32 [tilespmem:s20], [sflag:$0x3], $0x10, s19, s24, $0xb8;
	[tilespmem:$0x58C0] =	vst v63  }
0x4e: {  	_ =	swait.ge [sflag:s18], $0x500  }
0x4f: {  	[sflag:s18] =	ssyncset.done $0x0  }
0x50: {  	[sflag:s18] =	ssyncadd.s32 $0xFFFFFB00  }
0x51: {  	_ =	swait.ge [sflag:s25], $0x50  }
0x52: {  	[sflag:s25] =	ssyncset.done $0x0  }
0x53: {  	[sflag:s25] =	ssyncadd.s32 $0xFFFFFFB0  }
0x54: {  	_ =	swait.ge [sflag:s25], $0x500  }
0x55: {  	[sflag:s25] =	ssyncset.done $0x0  }
0x56: {  	[sflag:s25] =	ssyncadd.s32 $0xFFFFFB00  }
0x57: {  	[tilespmem:s21], [sflag:$0x2] =	stream.linear.gather [hbm4b:s29+s3], $0x50, $0x38;
	[tilespmem:$0x58C0] =	vst v63  }
0x58: {  	s0 =	sadd.s32 s31, s15  }
0x59: {  	[tilespmem:s22], [sflag:$0x2] =	stream.linear.gather [hbm4b:s0+s3], $0x500, $0x38;
	[tilespmem:$0x58C0] =	vst v63  }
.Ltmp1:
0x5a: {  	_ = 	snop;
	(pc) =	sbr.rel @p0 .LBB2_4-.Ltmp1, $4  }
0x5b: {  	_ = 	snop  }
0x5c: {  	[spmem:s2] =	stream.indirect.scatter.add.f32 [tilespmem:s22], [sflag:$0x3], $0x10, s21, s24, $0xb8;
	[tilespmem:$0x58C0] =	vst v63  }
0x5d: {  	_ =	swait.ge [sflag:s18], $0x500  }
0x5e: {  	[sflag:s18] =	ssyncset.done $0x0  }
0x5f: {  	[sflag:s18] =	ssyncadd.s32 $0xFFFFFB00  }
0x60: {  	_ =	swait.ge [sflag:s23], $0x50  }
0x61: {  	[sflag:s23] =	ssyncset.done $0x0  }
0x62: {  	[sflag:s23] =	ssyncadd.s32 $0xFFFFFFB0  }
0x63: {  	_ =	swait.ge [sflag:s23], $0x500  }
0x64: {  	[sflag:s23] =	ssyncset.done $0x0  }
0x65: {  	[sflag:s23] =	ssyncadd.s32 $0xFFFFFB00  }
0x66: {  	[tilespmem:s19], [sflag:$0x1] =	stream.linear.gather [hbm4b:s12+s3], $0x50, $0x38;
	[tilespmem:$0x58C0] =	vst v63  }
0x67: {  	_ = 	snop  }
0x68: {  	[tilespmem:s20], [sflag:$0x1] =	stream.linear.gather [hbm4b:s13+s3], $0x500, $0x38;
	[tilespmem:$0x58C0] =	vst v63  }
0x69: {  	_ = 	snop  }
0x6a: {  	[spmem:s2] =	stream.indirect.scatter.add.f32 [tilespmem:s20], [sflag:$0x3], $0x10, s19, s24, $0xb8;
	[tilespmem:$0x58C0] =	vst v63  }
0x6b: {  	_ =	swait.ge [sflag:s18], $0x500  }
0x6c: {  	[sflag:s18] =	ssyncset.done $0x0  }
0x6d: {  	[sflag:s18] =	ssyncadd.s32 $0xFFFFFB00  }
0x6e: {  	_ =	swait.ge [sflag:s25], $0x50  }
0x6f: {  	[sflag:s25] =	ssyncset.done $0x0  }
0x70: {  	[sflag:s25] =	ssyncadd.s32 $0xFFFFFFB0  }
0x71: {  	_ =	swait.ge [sflag:s25], $0x500  }
0x72: {  	[sflag:s25] =	ssyncset.done $0x0  }
0x73: {  	[sflag:s25] =	ssyncadd.s32 $0xFFFFFB00  }
0x74: {  	[spmem:s2] =	stream.indirect.scatter.add.f32 [tilespmem:s22], [sflag:$0x3], $0x10, s21, s24, $0xb8;
	[tilespmem:$0x58C0] =	vst v63  }
0x75: {  	_ =	swait.ge [sflag:s18], $0x500  }
0x76: {  	[sflag:s18] =	ssyncset.done $0x0  }
0x77: {  	[sflag:s18] =	ssyncadd.s32 $0xFFFFFB00  }
0x78: {  	_ =	swait.ge [sflag:s23], $0x50  }
0x79: {  	[sflag:s23] =	ssyncset.done $0x0  }
0x7a: {  	[sflag:s23] =	ssyncadd.s32 $0xFFFFFFB0  }
0x7b: {  	_ =	swait.ge [sflag:s23], $0x500  }
0x7c: {  	[sflag:s23] =	ssyncset.done $0x0  }
0x7d: {  	[sflag:s23] =	ssyncadd.s32 $0xFFFFFB00  }
0x7e: {  	[spmem:s2] =	stream.indirect.scatter.add.f32 [tilespmem:s20], [sflag:$0x3], $0x10, s19, s24, $0xb8;
	[tilespmem:$0x58C0] =	vst v63  }
0x7f: {  	_ =	swait.ge [sflag:s18], $0x500  }
0x80: {  	s0 =	sshll.u32 s1, $0x6;
	s26 =	sadd.s32 $0x1, s26;
	[sflag:s18] =	ssyncset.done $0x0  }
0x81: {  	s28 =	sshrl.u32 s5, $0x3;
	p0 =	sne.s32 s26, s11;
	[sflag:s18] =	ssyncadd.s32 $0xFFFFFB00  }
.Ltmp2:
0x82: {  	s0 =	sor.u32 $0x1C03, s0;
	[bflag:$0x0] =	sbarrier.arrive $0xFFFF;
	(pc) =	sbr.rel @p0 .LBB2_1-.Ltmp2, $4  }
0x83: {  	[hbm:s10], [sflag:s0] =	dma.local [spmem:s28], $0x4E2  }
0x84: {  	_ =	swait.ge [sflag:s18], $0x4E2  }
0x85: {  	[sflag:s18] =	ssyncset.done $0x0  }
0x86: {  	[sflag:s18] =	ssyncadd.s32 $0xFFFFFB1E  }
0x87: {  	_ =	sfence.sel $0x180000  }
0x88: {  	[bflag:$0x0] =	sbarrier.arrive $0xFFFF  }
0x89: {  	_ =	strace $0x9000004A  }
0x8a: {  	[bflag:$0x2] =	sbarrier.arrive $0xFFFF  }
0x8b: {  	p0 =	sne.s32 s1, $0x0;
	s0 =	rddreg [dreg:$0x2]  }
0x8c: {  	s0 =	sadd.s32 @!p0 $0x100000, s0  }
0x8d: {  	[sflag:s0] =	ssyncadd.tile.s32 @!p0 $0x1;
	_ =	shalt  }
.Lfunc_end2:
_tile_overlayer_lowered:
.L_overlay_start_2:
0x8e: {  	(tag) =	ssettag $0x2  }
0x8f: {  	s0 =	rddreg [dreg:$0x0];
	s2 =	stileid.u32  }
0x90: {  	s1 =	rddreg [dreg:$0x1];
	p0 =	sne.s32 s2, $0x0  }
0x91: {  	s3 =	rddreg [dreg:$0x2];
	[bflag:$0x3] =	sbarrier.arrive $0xFFFF;
	s2 =	simm.s32 @!p0 $0x1C03  }
0x92: {  	[timem:s3], [sflag:s2] =	dma.local @!p0 [hbm:s0], s1  }
0x93: {  	s0 =	simm.s32 @!p0 $0x3  }
0x94: {  	_ =	swait.ge @!p0 [sflag:s0], s1  }
0x95: {  	s1 =	ssub.s32 @!p0 $0x0, s1;
	[sflag:s0] =	ssyncset.done @!p0 $0x0  }
0x96: {  	[sflag:s0] =	ssyncadd.s32 @!p0 s1  }
0x97: {  	[bflag:$0x3] =	sbarrier.arrive $0xFFFF  }
0x98: {  	_ =	shalt  }

// kernel: kernel.7.cloned.1.call-start
scs
__scs_entry_jumppad:
0x0: {  	(pc) =	sbr.rel $0x88, $3  }
0x1: {  	(tag) =	ssettag $0x0;
	lr =	simm.s32 $0x1  }
0x2: {  	[smem:$0x3F96] =	sst lr;
	_ =	strace $0xD0000000  }
0x3: {  	_ = 	snop  }
0x4: {  	_ = 	snop  }
0x5: {  	_ = 	snop  }
0x6: {  	_ = 	snop  }
0x7: {  	_ = 	snop  }
__scs_overlays_trampoline_lowered:
0x8: {  	[smem:$0x3FA5] =	sst s0  }
0x9: {  	[smem:$0x3FA6] =	sst s1  }
0xa: {  	[smem:$0x3FA7] =	sst s2  }
0xb: {  	[smem:$0x3FA8] =	sst s3  }
0xc: {  	[smem:$0x3FA9] =	sst s4  }
0xd: {  	[smem:$0x3FAA] =	sst s5  }
0xe: {  	[smem:$0x3FAB] =	sst s6  }
0xf: {  	[smem:$0x3FAC] =	sst s7  }
0x10: {  	[smem:$0x3FAD] =	sst s8  }
0x11: {  	[smem:$0x3FAE] =	sst s9;
	s0 =	simm.s32 @!p0 $0x0  }
0x12: {  	s1 =	sld [smem:$0x3F94];
	s0 =	simm.s32 @p0 $0x1  }
0x13: {  	[smem:$0x3FAF] =	sst s0;
	s0 =	simm.s32 @!p1 $0x0  }
0x14: {  	s2 =	sld [smem:$0x3F93];
	s0 =	simm.s32 @p1 $0x1  }
0x15: {  	[smem:$0x3FB0] =	sst s0;
	s0 =	simm.s32 @!p2 $0x0  }
0x16: {  	s3 =	sld [smem:$0x3FDB];
	s0 =	simm.s32 @p2 $0x1  }
0x17: {  	s4 =	simm.s32 $0x1BF5;
	[smem:$0x3FB2] =	sst s0  }
0x18: {  	s0 =	sld [smem:$0x3F95];
	_ =	swait.ge [sflag:s4], $0x0  }
0x19: {  	s7 =	sld [smem:$0x3F96]  }
0x1a: {  	s8 =	sadd.s32 $0xFFFFE003, lr  }
0x1b: {  	s9 =	sadd.s32 $0xFFFFFEF7, lr;
	s5 =	simm.s32 $0xFFFFFFFF;
	p2 =	slt.u32 s8, $0xFFFFF086  }
0x1c: {  	p1 =	slt.u32 s9, $0xF7A;
	s5 =	simm.s32 @!p2 $0x0  }
0x1d: {  	s5 =	simm.s32 @p1 $0x1;
	p0 =	seq.s32 s7, s2  }
0x1e: {  	s7 =	smul.u32 @!p0 $0xF7A, s2;
	p2 =	seq.s32 @!p0 s5, $0x0  }
0x1f: {  	s9 =	smul.u32 $0xF7A, s1;
	s8 =	simm.s32 @!p0 $0x1BF5;
	p2 =	por !p2, p0  }
0x20: {  	[sflag:s8] =	ssyncset.s32 @!p0 $0xFFFFF086;
	s6 =	sadd.s32 @!p0 s3, s7;
	s7 =	simm.s32 @!p0 $0x108  }
0x21: {  	s3 =	sadd.s32 s3, s9;
	s6 =	sadd.s32 @!p0 $0x88, s6;
	s7 =	simm.s32 @p2 $0x1082  }
0x22: {  	[simem:s7], [sflag:s8] =	dma.local @!p0 [hbm:s6], $0xF7A  }
0x23: {  	s9 =	sor.u32 $0xD0000000, s2;
	s6 =	simm.s32 $0x108;
	_ =	swait.ge @!p0 [sflag:s8], $0x0  }
0x24: {  	s3 =	sadd.s32 $0x88, s3;
	s6 =	simm.s32 @!p1 $0x1082;
	[sflag:s4] =	ssyncset.s32 $0xFFFFF086  }
0x25: {  	[simem:s6], [sflag:s4] =	dma.local [hbm:s3], $0xF7A  }
0x26: {  	[smem:$0x3F96] =	sst s1;
	(tag) =	ssettag s2;
	_ =	strace s9  }
0x27: {  	s1 =	sld [smem:$0x3FA6]  }
0x28: {  	s2 =	sld [smem:$0x3FA7]  }
0x29: {  	s4 =	sld [smem:$0x3FA9]  }
0x2a: {  	p0 =	seq.s32 s5, $0x0;
	s5 =	sld [smem:$0x3FAA]  }
0x2b: {  	s6 =	sld [smem:$0x3FAB]  }
0x2c: {  	s7 =	sld [smem:$0x3FAC]  }
0x2d: {  	s3 =	simm.s32 $0x108;
	s8 =	sld [smem:$0x3FAD]  }
0x2e: {  	s3 =	simm.s32 @!p0 $0x1082;
	s9 =	sld [smem:$0x3FAE]  }
0x2f: {  	lr =	sadd.s32 s0, s3;
	s0 =	sld [smem:$0x3FA5]  }
0x30: {  	s3 =	sld [smem:$0x3FA8]  }
0x31: {  	[smem:$0x3FB1] =	sst s10  }
0x32: {  	s10 =	sld [smem:$0x3FAF];
	_ =	sdelay $0x3  }
0x33: {  	p0 =	seq.s32 s10, $0x1;
	s10 =	sld [smem:$0x3FB1];
	_ =	sdelay $0x3  }
0x34: {  	[smem:$0x3FB1] =	sst s10  }
0x35: {  	s10 =	sld [smem:$0x3FB0];
	_ =	sdelay $0x3  }
0x36: {  	p1 =	seq.s32 s10, $0x1;
	s10 =	sld [smem:$0x3FB1];
	_ =	sdelay $0x3  }
0x37: {  	[smem:$0x3FB1] =	sst s10  }
0x38: {  	s10 =	sld [smem:$0x3FB2]  }
0x39: {  	_ = 	snop;
	(pc) =	sbr.ind lr, $3  }
0x3a: {  	_ = 	snop  }
0x3b: {  	_ = 	snop  }
0x3c: {  	p2 =	seq.s32 s10, $0x1;
	s10 =	sld [smem:$0x3FB1]  }
0x3d: {  	_ =	shalt  }
0x3e: {  	_ =	shalt  }
0x3f: {  	_ =	shalt  }
0x40: {  	_ =	shalt  }
0x41: {  	_ =	shalt  }
0x42: {  	_ =	shalt  }
0x43: {  	_ =	shalt  }
0x44: {  	_ =	shalt  }
0x45: {  	_ =	shalt  }
0x46: {  	_ =	shalt  }
0x47: {  	_ =	shalt  }
0x48: {  	_ =	shalt  }
0x49: {  	_ =	shalt  }
0x4a: {  	_ =	shalt  }
0x4b: {  	_ =	shalt  }
0x4c: {  	_ =	shalt  }
0x4d: {  	_ =	shalt  }
0x4e: {  	_ =	shalt  }
0x4f: {  	_ =	shalt  }
0x50: {  	_ =	shalt  }
0x51: {  	_ =	shalt  }
0x52: {  	_ =	shalt  }
0x53: {  	_ =	shalt  }
0x54: {  	_ =	shalt  }
0x55: {  	_ =	shalt  }
0x56: {  	_ =	shalt  }
0x57: {  	_ =	shalt  }
0x58: {  	_ =	shalt  }
0x59: {  	_ =	shalt  }
0x5a: {  	_ =	shalt  }
0x5b: {  	_ =	shalt  }
0x5c: {  	_ =	shalt  }
0x5d: {  	_ =	shalt  }
0x5e: {  	_ =	shalt  }
0x5f: {  	_ =	shalt  }
0x60: {  	_ =	shalt  }
0x61: {  	_ =	shalt  }
0x62: {  	_ =	shalt  }
0x63: {  	_ =	shalt  }
0x64: {  	_ =	shalt  }
0x65: {  	_ =	shalt  }
0x66: {  	_ =	shalt  }
0x67: {  	_ =	shalt  }
0x68: {  	_ =	shalt  }
0x69: {  	_ =	shalt  }
0x6a: {  	_ =	shalt  }
0x6b: {  	_ =	shalt  }
0x6c: {  	_ =	shalt  }
0x6d: {  	_ =	shalt  }
0x6e: {  	_ =	shalt  }
0x6f: {  	_ =	shalt  }
0x70: {  	_ =	shalt  }
0x71: {  	_ =	shalt  }
0x72: {  	_ =	shalt  }
0x73: {  	_ =	shalt  }
0x74: {  	_ =	shalt  }
0x75: {  	_ =	shalt  }
0x76: {  	_ =	shalt  }
0x77: {  	_ =	shalt  }
0x78: {  	_ =	shalt  }
0x79: {  	_ =	shalt  }
0x7a: {  	_ =	shalt  }
0x7b: {  	_ =	shalt  }
0x7c: {  	_ =	shalt  }
0x7d: {  	_ =	shalt  }
0x7e: {  	_ =	shalt  }
0x7f: {  	_ =	shalt  }
0x80: {  	_ =	shalt  }
0x81: {  	_ =	shalt  }
0x82: {  	_ =	shalt  }
0x83: {  	_ =	shalt  }
0x84: {  	_ =	shalt  }
0x85: {  	_ =	shalt  }
0x86: {  	_ =	shalt  }
0x87: {  	_ =	shalt  }
.Lfunc_end0:
.L_simem_size_0:
called_computation_lowered:
.L_overlay_start_0:
0x88: {  	s2 =	sld [smem:$0x3FD9]  }
0x89: {  	s3 =	sld [smem:$0x3FFE];
	_ =	sdelay $0x1  }
0x8a: {  	s1 =	srdreg.scid  }
0x8b: {  	s0 =	sand.u32 $0x1, s1  }
0x8c: {  	s16 =	sshll.u32 s0, $0xA;
	s2 =	sadd.s32 s3, s2  }
0x8d: {  	s2 =	sadd.s32 s2, s16  }
0x8e: {  	[smem:$0x3FBD] =	sst s2  }
0x8f: {  	_ = 	snop  }
0x90: {  	(tm) =	ssettm $0x1  }
0x91: {  	s17 =	sld [smem:$0x3FFB];
	_ =	sdelay $0x3  }
0x92: {  	_ =	strace s17  }
0x93: {  	s2 =	sld [smem:$0x3FFC];
	_ =	sdelay $0x3  }
0x94: {  	_ =	strace s2  }
0x95: {  	s2 =	sld [smem:$0x3FFD];
	_ =	sdelay $0x3  }
0x96: {  	_ =	strace s2  }
0x97: {  	_ =	strace $0x8FFFFFFF  }
0x98: {  	s18 =	sld [smem:$0x3FDB];
	_ =	sdelay $0x1  }
0x99: {  	s19 =	simm.s32 $_scs_section_size  }
0x9a: {  	s4 =	simm.s32 $_size__tile_overlayer_lowered;
	s5 =	simm.s32 $_tile_overlayer_lowered  }
0x9b: {  	s22 =	simm.s32 $0x1BFF;
	s21 =	sshll.u32 s5, $0x1;
	s2 =	sadd.s32 s19, s18  }
0x9c: {  	s6 =	simm.s32 $0x0;
	s20 =	sshll.u32 s4, $0x1;
	s4 =	sadd.s32 s21, s2  }
0x9d: {  	[timem:s6], [sflag:s22] =	dma.local [hbm:s4], s20  }
0x9e: {  	_ =	swait.ge [sflag:s22], s20  }
0x9f: {  	s3 =	ssub.s32 $0x0, s20;
	[sflag:s22] =	ssyncset.done $0x0  }
0xa0: {  	[sflag:s22] =	ssyncadd.s32 s3;
	_ =	sdelay $0x1  }
0xa1: {  	s23 =	simm.s32 $0x1B8B  }
0xa2: {  	_ =	swait.ge [sflag:s23], $0x1  }
0xa3: {  	[sflag:s23] =	ssyncset.done $0x0  }
0xa4: {  	s25 =	simm.s32 $0x1B8E;
	s24 =	sld [smem:$0x3FFE];
	[sflag:s23] =	ssyncadd.s32 $0xFFFFFFFF  }
0xa5: {  	s26 =	simm.s32 $execute0_lowered;
	[smem:$0x3FD2] =	sst s25  }
0xa6: {  	s4 =	sshll.u32 s26, $0x1;
	_ =	strace $0x80000046;
	[dreg:$0x1] =	wrdreg $0xFFFFFFFF  }
0xa7: {  	s28 =	simm.s32 $_size_execute0_lowered;
	s2 =	sadd.s32 s2, s4;
	[dreg:$0x0] =	wrdreg $0x0  }
0xa8: {  	s4 =	sshll.u32 s28, $0x1;
	[dreg:$0x2] =	wrdreg s2  }
0xa9: {  	[dreg:$0x3] =	wrdreg s4  }
0xaa: {  	[dreg:$0x4] =	wrdreg $0xC0  }
0xab: {  	_ =	task [dreg:s6], $0x5FFFF  }
0xac: {  	[dreg:$0x1] =	wrdreg $0xFFFFFFFF  }
0xad: {  	[dreg:$0x0] =	wrdreg $0x60  }
0xae: {  	[dreg:$0x2] =	wrdreg s24  }
0xaf: {  	[dreg:$0x3] =	wrdreg $0x9  }
0xb0: {  	_ =	task.clear_ibuf [dreg:s6], $0x4FFFF;
	_ =	strace $0x90000046  }
0xb1: {  	s29 =	simm.s32 $0x9;
	_ =	strace $0x80000048  }
0xb2: {  	_ =	swait.ge [sflag:s29], $0x1  }
0xb3: {  	[sflag:s29] =	ssyncadd.s32 $0xFFFFFFFF  }
0xb4: {  	_ =	strace $0x90000048  }
0xb5: {  	_ =	sfence  }
0xb6: {  	s30 =	sld [smem:$0x0];
	_ =	sdelay $0x2  }
0xb7: {  	s31 =	sshll.u32 s1, $0xD;
	s1 =	sshrl.u32 s1, $0x2  }
0xb8: {  	s3 =	sand.u32 $0x4000, s31;
	s1 =	sadd.s32 s1, s30  }
0xb9: {  	s0 =	sor.u32 s3, s0;
	s1 =	sshll.u32 s1, $0x11  }
0xba: {  	s0 =	sor.u32 s1, s0  }
0xbb: {  	s0 =	sadd.s32 $0x8F2B, s0  }
0xbc: {  	[sflag:s0] =	ssyncadd.remote.s32 $0x1  }
0xbd: {  	_ =	sfence.sel $0xFFFF  }
0xbe: {  	[dreg:$0x0] =	wrdreg $0xFFFFFFFF;
	(pc) =	sbr.abs _section_cstart, $3  }
0xbf: {  	[dreg:$0x1] =	wrdreg $0xFFFFFFFF  }
0xc0: {  	_ =	task.clear_ibuf [dreg:s6], $0x2FFFF;
	_ =	strace $0x9FFFFFFF  }
0xc1: {  	(tm) =	ssettm $0x7FFFFFFF  }
tec
execute0_lowered:
.L_overlay_start_1:
0x0: {  	(tag) =	ssettag $0x1  }
0x1: {  	s0 =	rddreg [dreg:$0x0]  }
0x2: {  	s1 =	srdreg.scid;
	s2 =	simm.s32 $0x0;
	s4 =	stileid.u32  }
0x3: {  	s12 =	simm.s32 $0x5;
	s14 =	simm.s32 $0x50;
	s15 =	simm.s32 $0x4E20  }
0x4: {  	s16 =	simm.s32 $0xB220;
	s17 =	simm.s32 $0x5820;
	s19 =	simm.s32 $0xBC20  }
0x5: {  	s21 =	simm.s32 $0x6220;
	s28 =	simm.s32 $0xD020;
	s30 =	simm.s32 $0x7620  }
0x6: {  	s29 =	simm.s32 $0x2;
	s31 =	simm.s32 $0x14820;
	s1 =	sand.u32 $0x1, s1  }
0x7: {  	s18 =	simm.s32 $0x4;
	[smem:$0x7FF] =	sst s2;
	s3 =	sshll.u32 s1, $0x4  }
0x8: {  	s20 =	simm.s32 $0x0;
	_ =	strace $0x80000047;
	s6 =	sor.u32 s4, s3  }
0x9: {  	s23 =	ssub.s32 $0x2, s1;
	s3 =	sadd.s32 $0x3E00, s0;
	s5 =	smul.u32 $0x4E2, s6  }
0xa: {  	s4 =	sadd.s32 $0xDC00, s0;
	s1 =	sshrl.u32 s23, $0x1;
	s7 =	smul.u32 $0x4E200, s6  }
0xb: {  	s6 =	smul.u32 $0x9C4, s6;
	s8 =	sadd.s32 s5, s0;
	s5 =	sadd.s32 $0x2B600, s0  }
0xc: {  	s7 =	sshrl.u32 s7, $0x3;
	s0 =	ssub.s32 s23, s1;
	s24 =	sadd.s32 $0x21800, s8  }
0xd: {  	s9 =	sadd.s32 $0x64, s6;
	s26 =	sadd.s32 $0x17A00, s8;
	[dreg:$0x2] =	wrdreg s24  }
0xe: {  	s25 =	sadd.s32 s5, s7;
	s0 =	smax.u32 s0, $0x1;
	[dreg:$0x3] =	wrdreg s26  }
0xf: {  	s23 =	simm.s32 $0xC620;
	s1 =	sadd.s32 $0x9600, s25;
	[dreg:$0x5] =	wrdreg s0  }
0x10: {  	s25 =	simm.s32 $0x6C20;
	s0 =	simm.s32 $0xDA20;
	s24 =	simm.s32 $0x1  }
0x11: {  	s26 =	simm.s32 $0x11620;
	[dreg:$0x4] =	wrdreg s1;
	s1 =	simm.s32 $0x3  }
.LBB2_1:
0x12: {  	s7 =	rddreg [dreg:$0x2]  }
0x13: {  	[tilespmem:s2], [sflag:$0x5] =	stream.linear.gather [hbm4b:s7+s2], $0x2710, $0x38;
	[tilespmem:$0x17A20] =	vst v63  }
0x14: {  	_ =	swait.ge [sflag:s12], $0x2710  }
0x15: {  	[sflag:s12] =	ssyncset.done $0x0  }
0x16: {  	s8 =	simm.s32 $0x2710;
	s13 =	rddreg [dreg:$0x3];
	[sflag:s12] =	ssyncadd.s32 $0xFFFFD8F0  }
0x17: {  	[tilespmem:s8], [sflag:$0x5] =	stream.linear.gather [hbm4b:s13+s2], $0x2710, $0x38;
	[tilespmem:$0x17A20] =	vst v63  }
0x18: {  	_ =	swait.ge [sflag:s12], $0x2710  }
0x19: {  	[sflag:s12] =	ssyncset.done $0x0  }
0x1a: {  	[sflag:s12] =	ssyncadd.s32 $0xFFFFD8F0  }
0x1b: {  	[tilespmem:s15], [sflag:$0x1] =	stream.indirect.gather [hbm4b:s3+s14], $0x20, s2, s14, $0xb8;
	[tilespmem:$0x17A20] =	vst v63  }
0x1c: {  	_ = 	snop  }
0x1d: {  	[tilespmem:s16], [sflag:$0x1] =	stream.indirect.gather [hbm4b:s4+s14], $0x20, s8, s14, $0xb8;
	[tilespmem:$0x17A20] =	vst v63  }
0x1e: {  	_ = 	snop  }
0x1f: {  	[tilespmem:s17], [sflag:$0x1] =	stream.indirect.gather [hbm4b:s3+s14], $0x20, s14, s14, $0xb8;
	[tilespmem:$0x17A20] =	vst v63  }
0x20: {  	s22 =	simm.s32 $0x2760  }
0x21: {  	[tilespmem:s19], [sflag:$0x1] =	stream.indirect.gather [hbm4b:s4+s14], $0x20, s22, s14, $0xb8;
	[tilespmem:$0x17A20] =	vst v63  }
0x22: {  	s8 =	simm.s32 $0xA0  }
0x23: {  	[tilespmem:s21], [sflag:$0x1] =	stream.indirect.gather [hbm4b:s3+s14], $0x20, s8, s14, $0xb8;
	[tilespmem:$0x17A20] =	vst v63  }
0x24: {  	s10 =	simm.s32 $0x27B0  }
0x25: {  	[tilespmem:s23], [sflag:$0x1] =	stream.indirect.gather [hbm4b:s4+s14], $0x20, s10, s14, $0xb8;
	[tilespmem:$0x17A20] =	vst v63  }
0x26: {  	s11 =	simm.s32 $0xF0  }
0x27: {  	[tilespmem:s25], [sflag:$0x1] =	stream.indirect.gather [hbm4b:s3+s14], $0x20, s11, s14, $0xb8;
	[tilespmem:$0x17A20] =	vst v63  }
0x28: {  	s13 =	simm.s32 $0x2800  }
0x29: {  	[tilespmem:s28], [sflag:$0x1] =	stream.indirect.gather [hbm4b:s4+s14], $0x20, s13, s14, $0xb8;
	[tilespmem:$0x17A20] =	vst v63  }
0x2a: {  	s22 =	simm.s32 $0x140  }
0x2b: {  	[tilespmem:s30], [sflag:$0x1] =	stream.indirect.gather [hbm4b:s3+s14], $0x20, s22, s14, $0xb8;
	[tilespmem:$0x17A20] =	vst v63  }
0x2c: {  	s8 =	simm.s32 $0x2850  }
0x2d: {  	[tilespmem:s0], [sflag:$0x1] =	stream.indirect.gather [hbm4b:s4+s14], $0x20, s8, s14, $0xb8;
	[tilespmem:$0x17A20] =	vst v63  }
0x2e: {  	s10 =	simm.s32 $0x190;
	s11 =	simm.s32 $0x8020  }
0x2f: {  	[tilespmem:s11], [sflag:$0x2] =	stream.indirect.gather [hbm4b:s3+s14], $0x20, s10, s14, $0xb8;
	[tilespmem:$0x17A20] =	vst v63  }
0x30: {  	s13 =	simm.s32 $0x28A0;
	s22 =	simm.s32 $0xE420  }
0x31: {  	[tilespmem:s22], [sflag:$0x2] =	stream.indirect.gather [hbm4b:s4+s14], $0x20, s13, s14, $0xb8;
	[tilespmem:$0x17A20] =	vst v63  }
0x32: {  	s10 =	simm.s32 $0x1E0;
	s11 =	simm.s32 $0x8A20  }
0x33: {  	[tilespmem:s11], [sflag:$0x2] =	stream.indirect.gather [hbm4b:s3+s14], $0x20, s10, s14, $0xb8;
	[tilespmem:$0x17A20] =	vst v63  }
0x34: {  	s13 =	simm.s32 $0x28F0;
	s22 =	simm.s32 $0xEE20  }
0x35: {  	[tilespmem:s22], [sflag:$0x2] =	stream.indirect.gather [hbm4b:s4+s14], $0x20, s13, s14, $0xb8;
	[tilespmem:$0x17A20] =	vst v63  }
0x36: {  	s10 =	simm.s32 $0x230;
	s11 =	simm.s32 $0x9420  }
0x37: {  	[tilespmem:s11], [sflag:$0x2] =	stream.indirect.gather [hbm4b:s3+s14], $0x20, s10, s14, $0xb8;
	[tilespmem:$0x17A20] =	vst v63  }
0x38: {  	s13 =	simm.s32 $0x2940;
	s22 =	simm.s32 $0xF820  }
0x39: {  	[tilespmem:s22], [sflag:$0x2] =	stream.indirect.gather [hbm4b:s4+s14], $0x20, s13, s14, $0xb8;
	[tilespmem:$0x17A20] =	vst v63  }
0x3a: {  	s10 =	simm.s32 $0x280;
	s11 =	simm.s32 $0x9E20  }
0x3b: {  	[tilespmem:s11], [sflag:$0x2] =	stream.indirect.gather [hbm4b:s3+s14], $0x20, s10, s14, $0xb8;
	[tilespmem:$0x17A20] =	vst v63  }
0x3c: {  	s13 =	simm.s32 $0x2990;
	s22 =	simm.s32 $0x10220  }
0x3d: {  	[tilespmem:s22], [sflag:$0x2] =	stream.indirect.gather [hbm4b:s4+s14], $0x20, s13, s14, $0xb8;
	[tilespmem:$0x17A20] =	vst v63  }
0x3e: {  	s10 =	simm.s32 $0x2D0;
	s11 =	simm.s32 $0xA820  }
0x3f: {  	[tilespmem:s11], [sflag:$0x2] =	stream.indirect.gather [hbm4b:s3+s14], $0x20, s10, s14, $0xb8;
	[tilespmem:$0x17A20] =	vst v63  }
0x40: {  	s13 =	simm.s32 $0x29E0;
	s22 =	simm.s32 $0x10C20  }
0x41: {  	[tilespmem:s22], [sflag:$0x2] =	stream.indirect.gather [hbm4b:s4+s14], $0x20, s13, s14, $0xb8;
	[tilespmem:$0x17A20] =	vst v63  }
0x42: {  	s22 =	simm.s32 $0x0  }
.LBB2_2:
0x43: {  	p0 =	seq.s32 s22, $0x0  }
0x44: {  	s7 =	simm.s32 @!p0 $0x3  }
0x45: {  	_ =	swait.ge @!p0 [sflag:s7], $0x3200  }
0x46: {  	[sflag:s7] =	ssyncset.done @!p0 $0x0  }
0x47: {  	[sflag:s7] =	ssyncadd.s32 @!p0 $0xFFFFCE00  }
0x48: {  	_ =	swait.ge [sflag:s24], $0x3200  }
0x49: {  	[sflag:s24] =	ssyncset.done $0x0  }
0x4a: {  	[sflag:s24] =	ssyncadd.s32 $0xFFFFCE00  }
0x4b: {  	_ =	swait.ge [sflag:s24], $0x3200  }
0x4c: {  	[sflag:s24] =	ssyncset.done $0x0  }
0x4d: {  	s7 =	simm.s32 $0x0;
	[sflag:s24] =	ssyncadd.s32 $0xFFFFCE00  }
0x4e: {  	v0 =	vld [tilespmem:s7+$0x4E90]  }
0x4f: {  	v1 =	vld [tilespmem:s7+$0xB290]  }
0x50: {  	v2 =	vld [tilespmem:s7+$0x4E20]  }
0x51: {  	v3 =	vld [tilespmem:s7+$0xB220]  }
0x52: {  	v4 =	vld [tilespmem:s7+$0x4E30]  }
0x53: {  	v5 =	vld [tilespmem:s7+$0xB230]  }
0x54: {  	v6 =	vld [tilespmem:s7+$0x4E40]  }
0x55: {  	v7 =	vld [tilespmem:s7+$0x4E50]  }
0x56: {  	v0 =	vadd.f32 v1, v0;
	v1 =	vld [tilespmem:s7+$0xB240]  }
0x57: {  	v8 =	vld [tilespmem:s7+$0xB250]  }
0x58: {  	v9 =	vld [tilespmem:s7+$0xB260];
	v2 =	vadd.f32 v3, v2  }
0x59: {  	[tilespmem:s7+$0x11690] =	vst v0;
	v0 =	vadd.f32 v5, v4;
	v5 =	vld [tilespmem:s7+$0x4E60]  }
0x5a: {  	v3 =	vld [tilespmem:s7+$0xB270];
	[tilespmem:s7+$0x11620] =	vst v2  }
0x5b: {  	v2 =	vld [tilespmem:s7+$0x4E70];
	[tilespmem:s7+$0x11630] =	vst v0;
	v0 =	vadd.f32 v1, v6  }
0x5c: {  	v4 =	vld [tilespmem:s7+$0xB280];
	v6 =	vadd.f32 v8, v7  }
0x5d: {  	s8 =	simm.s32 $0x80;
	[tilespmem:s7+$0x11640] =	vst v0;
	v0 =	vld [tilespmem:s7+$0x4E80]  }
0x5e: {  	s10 =	simm.s32 $0x400;
	v5 =	vadd.f32 v9, v5;
	v1 =	vld [tilespmem:s8+$0x4E90];
	[tilespmem:s7+$0x11650] =	vst v6  }
.LBB2_3:
0x5f: {  	p1 =	sne.s32 s10, $0xC600;
	v6 =	vld [tilespmem:s8+$0xB290]  }
0x60: {  	v7 =	vld [tilespmem:s8+$0x4E20];
	[tilespmem:s7+$0x11660] =	vst v5;
	v2 =	vadd.f32 v3, v2  }
0x61: {  	v3 =	vld [tilespmem:s8+$0xB220]  }
0x62: {  	v5 =	vld [tilespmem:s8+$0x4E30];
	[tilespmem:s7+$0x11670] =	vst v2;
	v0 =	vadd.f32 v4, v0  }
0x63: {  	v2 =	vld [tilespmem:s8+$0xB230]  }
0x64: {  	v4 =	vld [tilespmem:s8+$0x4E40];
	v1 =	vadd.f32 v6, v1;
	[tilespmem:s7+$0x11680] =	vst v0;
	s7 =	smov.u32 s8  }
0x65: {  	v0 =	vld [tilespmem:s7+$0xB240]  }
0x66: {  	v3 =	vadd.f32 v3, v7;
	v6 =	vld [tilespmem:s7+$0x4E50];
	[tilespmem:s7+$0x11690] =	vst v1  }
0x67: {  	v1 =	vld [tilespmem:s7+$0xB250]  }
0x68: {  	[tilespmem:s7+$0x11620] =	vst v3;
	v2 =	vadd.f32 v2, v5;
	v5 =	vld [tilespmem:s7+$0x4E60]  }
0x69: {  	v7 =	vld [tilespmem:s7+$0xB260]  }
.Ltmp0:
0x6a: {  	[tilespmem:s7+$0x11630] =	vst v2;
	v0 =	vadd.f32 v0, v4;
	v2 =	vld [tilespmem:s7+$0x4E70];
	(pc) =	sbr.rel @p1 .LBB2_3-.Ltmp0, $4  }
0x6b: {  	v3 =	vld [tilespmem:s7+$0xB270]  }
0x6c: {  	[tilespmem:s7+$0x11640] =	vst v0;
	v6 =	vadd.f32 v1, v6;
	v0 =	vld [tilespmem:s7+$0x4E80]  }
0x6d: {  	s8 =	sshra.s32 s10, $0x2;
	v4 =	vld [tilespmem:s7+$0xB280]  }
0x6e: {  	s10 =	sadd.s32 $0x200, s10;
	v1 =	vld [tilespmem:s8+$0x4E90];
	[tilespmem:s7+$0x11650] =	vst v6;
	v5 =	vadd.f32 v7, v5  }
0x6f: {  	v6 =	vld [tilespmem:s8+$0xB290]  }
0x70: {  	v7 =	vld [tilespmem:s8+$0x4E20];
	[tilespmem:s7+$0x11660] =	vst v5;
	v2 =	vadd.f32 v3, v2  }
0x71: {  	v3 =	vld [tilespmem:s8+$0xB220]  }
0x72: {  	v5 =	vld [tilespmem:s8+$0x4E30];
	[tilespmem:s7+$0x11670] =	vst v2;
	v0 =	vadd.f32 v4, v0  }
0x73: {  	v2 =	vld [tilespmem:s8+$0xB230]  }
0x74: {  	v4 =	vld [tilespmem:s8+$0x4E40];
	[tilespmem:s7+$0x11680] =	vst v0  }
0x75: {  	v0 =	vadd.f32 v6, v1;
	v1 =	vld [tilespmem:s8+$0xB240]  }
0x76: {  	v6 =	vld [tilespmem:s8+$0x4E50]  }
0x77: {  	v3 =	vadd.f32 v3, v7;
	[tilespmem:s8+$0x11690] =	vst v0;
	v0 =	vld [tilespmem:s8+$0xB250]  }
0x78: {  	v7 =	vld [tilespmem:s8+$0xB280]  }
0x79: {  	[tilespmem:s8+$0x11620] =	vst v3;
	v2 =	vadd.f32 v2, v5;
	v3 =	vld [tilespmem:s8+$0x4E60]  }
0x7a: {  	v5 =	vld [tilespmem:s8+$0xB260]  }
0x7b: {  	[tilespmem:s8+$0x11630] =	vst v2;
	v1 =	vadd.f32 v1, v4;
	v2 =	vld [tilespmem:s8+$0x4E70]  }
0x7c: {  	v4 =	vld [tilespmem:s8+$0xB270]  }
0x7d: {  	[tilespmem:s8+$0x11640] =	vst v1;
	v1 =	vld [tilespmem:s8+$0x4E80];
	_ =	sdelay $0x1  }
0x7e: {  	v0 =	vadd.f32 v0, v6  }
0x7f: {  	v3 =	vadd.f32 v5, v3  }
0x80: {  	[tilespmem:s8+$0x11650] =	vst v0;
	v0 =	vadd.f32 v4, v2  }
0x81: {  	s13 =	smul.u32 $0x320, s22;
	[tilespmem:s8+$0x11660] =	vst v3;
	v1 =	vadd.f32 v7, v1  }
0x82: {  	[tilespmem:s8+$0x11670] =	vst v0  }
0x83: {  	s10 =	sadd.s32 $0x320, s13;
	[tilespmem:s8+$0x11680] =	vst v1  }
0x84: {  	[tilespmem:s15], [sflag:$0x1] =	stream.indirect.gather [hbm4b:s3+s14], $0x20, s10, s14, $0xb8;
	[tilespmem:$0x17A20] =	vst v63  }
0x85: {  	s11 =	sadd.s32 $0x2A30, s13  }
0x86: {  	[tilespmem:s16], [sflag:$0x1] =	stream.indirect.gather [hbm4b:s4+s14], $0x20, s11, s14, $0xb8;
	[tilespmem:$0x17A20] =	vst v63  }
0x87: {  	s8 =	sadd.s32 $0x370, s13  }
0x88: {  	[tilespmem:s17], [sflag:$0x1] =	stream.indirect.gather [hbm4b:s3+s14], $0x20, s8, s14, $0xb8;
	[tilespmem:$0x17A20] =	vst v63  }
0x89: {  	s10 =	sadd.s32 $0x2A80, s13  }
0x8a: {  	[tilespmem:s19], [sflag:$0x1] =	stream.indirect.gather [hbm4b:s4+s14], $0x20, s10, s14, $0xb8;
	[tilespmem:$0x17A20] =	vst v63  }
0x8b: {  	s11 =	sadd.s32 $0x3C0, s13  }
0x8c: {  	[tilespmem:s21], [sflag:$0x1] =	stream.indirect.gather [hbm4b:s3+s14], $0x20, s11, s14, $0xb8;
	[tilespmem:$0x17A20] =	vst v63  }
0x8d: {  	s8 =	sadd.s32 $0x2AD0, s13  }
0x8e: {  	[tilespmem:s23], [sflag:$0x1] =	stream.indirect.gather [hbm4b:s4+s14], $0x20, s8, s14, $0xb8;
	[tilespmem:$0x17A20] =	vst v63  }
0x8f: {  	s10 =	sadd.s32 $0x410, s13  }
0x90: {  	[tilespmem:s25], [sflag:$0x1] =	stream.indirect.gather [hbm4b:s3+s14], $0x20, s10, s14, $0xb8;
	[tilespmem:$0x17A20] =	vst v63  }
0x91: {  	s7 =	smul.u32 $0xC8, s22;
	s11 =	sadd.s32 $0x2B20, s13  }
0x92: {  	[tilespmem:s28], [sflag:$0x1] =	stream.indirect.gather [hbm4b:s4+s14], $0x20, s11, s14, $0xb8;
	[tilespmem:$0x17A20] =	vst v63  }
0x93: {  	s8 =	sadd.s32 $0x460, s13;
	s11 =	sadd.s32 s6, s7  }
0x94: {  	[tilespmem:s30], [sflag:$0x1] =	stream.indirect.gather [hbm4b:s3+s14], $0x20, s8, s14, $0xb8;
	[tilespmem:$0x17A20] =	vst v63  }
0x95: {  	s10 =	sadd.s32 $0x2B70, s13;
	s8 =	sshll.u32 s11, $0x4  }
0x96: {  	[tilespmem:s0], [sflag:$0x1] =	stream.indirect.gather [hbm4b:s4+s14], $0x20, s10, s14, $0xb8;
	[tilespmem:$0x17A20] =	vst v63  }
0x97: {  	s8 =	sadd.s32 s5, s8  }
0x98: {  	[hbm4b:s8+s2] =	stream.linear.scatter [tilespmem:s26], [sflag:$0x3], $0x3200, $0x38;
	[tilespmem:$0x17A20] =	vst v63  }
0x99: {  	s8 =	simm.s32 @!p0 $0x4  }
0x9a: {  	_ =	swait.ge @!p0 [sflag:s8], $0x3200  }
0x9b: {  	[sflag:s8] =	ssyncset.done @!p0 $0x0  }
0x9c: {  	[sflag:s8] =	ssyncadd.s32 @!p0 $0xFFFFCE00  }
0x9d: {  	_ =	swait.ge [sflag:s29], $0x3200  }
0x9e: {  	[sflag:s29] =	ssyncset.done $0x0  }
0x9f: {  	[sflag:s29] =	ssyncadd.s32 $0xFFFFCE00  }
0xa0: {  	_ =	swait.ge [sflag:s29], $0x3200  }
0xa1: {  	[sflag:s29] =	ssyncset.done $0x0  }
0xa2: {  	s8 =	simm.s32 $0x0;
	[sflag:s29] =	ssyncadd.s32 $0xFFFFCE00  }
0xa3: {  	v0 =	vld [tilespmem:s8+$0x8090]  }
0xa4: {  	v1 =	vld [tilespmem:s8+$0xE490]  }
0xa5: {  	v2 =	vld [tilespmem:s8+$0x8020]  }
0xa6: {  	v3 =	vld [tilespmem:s8+$0xE420]  }
0xa7: {  	v4 =	vld [tilespmem:s8+$0x8030]  }
0xa8: {  	v5 =	vld [tilespmem:s8+$0xE430]  }
0xa9: {  	v6 =	vld [tilespmem:s8+$0x8040]  }
0xaa: {  	v7 =	vld [tilespmem:s8+$0x8050]  }
0xab: {  	v0 =	vadd.f32 v1, v0;
	v1 =	vld [tilespmem:s8+$0xE440]  }
0xac: {  	v8 =	vld [tilespmem:s8+$0xE450]  }
0xad: {  	v9 =	vld [tilespmem:s8+$0xE460];
	v2 =	vadd.f32 v3, v2  }
0xae: {  	[tilespmem:s8+$0x14890] =	vst v0;
	v0 =	vadd.f32 v5, v4;
	v5 =	vld [tilespmem:s8+$0x8060]  }
0xaf: {  	v3 =	vld [tilespmem:s8+$0xE470];
	[tilespmem:s8+$0x14820] =	vst v2  }
0xb0: {  	v2 =	vld [tilespmem:s8+$0x8070];
	[tilespmem:s8+$0x14830] =	vst v0;
	v0 =	vadd.f32 v1, v6  }
0xb1: {  	v4 =	vld [tilespmem:s8+$0xE480];
	v6 =	vadd.f32 v8, v7  }
0xb2: {  	s10 =	simm.s32 $0x80;
	[tilespmem:s8+$0x14840] =	vst v0;
	v0 =	vld [tilespmem:s8+$0x8080]  }
0xb3: {  	s11 =	simm.s32 $0x400;
	v5 =	vadd.f32 v9, v5;
	v1 =	vld [tilespmem:s10+$0x8090];
	[tilespmem:s8+$0x14850] =	vst v6  }
.LBB2_5:
0xb4: {  	p0 =	sne.s32 s11, $0xC600;
	v6 =	vld [tilespmem:s10+$0xE490]  }
0xb5: {  	v7 =	vld [tilespmem:s10+$0x8020];
	[tilespmem:s8+$0x14860] =	vst v5;
	v2 =	vadd.f32 v3, v2  }
0xb6: {  	v3 =	vld [tilespmem:s10+$0xE420]  }
0xb7: {  	v5 =	vld [tilespmem:s10+$0x8030];
	[tilespmem:s8+$0x14870] =	vst v2;
	v0 =	vadd.f32 v4, v0  }
0xb8: {  	v2 =	vld [tilespmem:s10+$0xE430]  }
0xb9: {  	v4 =	vld [tilespmem:s10+$0x8040];
	v1 =	vadd.f32 v6, v1;
	[tilespmem:s8+$0x14880] =	vst v0;
	s8 =	smov.u32 s10  }
0xba: {  	v0 =	vld [tilespmem:s8+$0xE440]  }
0xbb: {  	v3 =	vadd.f32 v3, v7;
	v6 =	vld [tilespmem:s8+$0x8050];
	[tilespmem:s8+$0x14890] =	vst v1  }
0xbc: {  	v1 =	vld [tilespmem:s8+$0xE450]  }
0xbd: {  	[tilespmem:s8+$0x14820] =	vst v3;
	v2 =	vadd.f32 v2, v5;
	v5 =	vld [tilespmem:s8+$0x8060]  }
0xbe: {  	v7 =	vld [tilespmem:s8+$0xE460]  }
.Ltmp1:
0xbf: {  	[tilespmem:s8+$0x14830] =	vst v2;
	v0 =	vadd.f32 v0, v4;
	v2 =	vld [tilespmem:s8+$0x8070];
	(pc) =	sbr.rel @p0 .LBB2_5-.Ltmp1, $4  }
0xc0: {  	v3 =	vld [tilespmem:s8+$0xE470]  }
0xc1: {  	[tilespmem:s8+$0x14840] =	vst v0;
	v6 =	vadd.f32 v1, v6;
	v0 =	vld [tilespmem:s8+$0x8080]  }
0xc2: {  	s10 =	sshra.s32 s11, $0x2;
	v4 =	vld [tilespmem:s8+$0xE480]  }
0xc3: {  	s11 =	sadd.s32 $0x200, s11;
	v1 =	vld [tilespmem:s10+$0x8090];
	[tilespmem:s8+$0x14850] =	vst v6;
	v5 =	vadd.f32 v7, v5  }
0xc4: {  	v6 =	vld [tilespmem:s10+$0xE490]  }
0xc5: {  	v7 =	vld [tilespmem:s10+$0x8020];
	[tilespmem:s8+$0x14860] =	vst v5;
	v2 =	vadd.f32 v3, v2  }
0xc6: {  	v51 =	vld [tilespmem:s10+$0xE420]  }
0xc7: {  	v5 =	vld [tilespmem:s10+$0x8030];
	[tilespmem:s8+$0x14870] =	vst v2;
	v0 =	vadd.f32 v4, v0  }
0xc8: {  	v2 =	vld [tilespmem:s10+$0xE430]  }
0xc9: {  	v52 =	vld [tilespmem:s10+$0x8040];
	[tilespmem:s8+$0x14880] =	vst v0  }
0xca: {  	v54 =	vld [tilespmem:s10+$0xE440]  }
0xcb: {  	v55 =	vld [tilespmem:s10+$0x8050]  }
0xcc: {  	v56 =	vld [tilespmem:s10+$0xE450]  }
0xcd: {  	v57 =	vld [tilespmem:s10+$0x8060]  }
0xce: {  	v58 =	vld [tilespmem:s10+$0xE460]  }
0xcf: {  	v59 =	vld [tilespmem:s10+$0x8070]  }
0xd0: {  	v53 =	vadd.f32 v6, v1;
	v60 =	vld [tilespmem:s10+$0xE470]  }
0xd1: {  	v61 =	vld [tilespmem:s10+$0x8080];
	v3 =	vadd.f32 v51, v7  }
0xd2: {  	v62 =	vld [tilespmem:s10+$0xE480];
	[tilespmem:s10+$0x14890] =	vst v53;
	v2 =	vadd.f32 v2, v5  }
0xd3: {  	[tilespmem:s10+$0x14820] =	vst v3;
	v1 =	vadd.f32 v54, v52  }
0xd4: {  	[tilespmem:s10+$0x14830] =	vst v2;
	v0 =	vadd.f32 v56, v55  }
0xd5: {  	v3 =	vadd.f32 v58, v57;
	[tilespmem:s10+$0x14840] =	vst v1  }
0xd6: {  	v63 =	vadd.f32 v60, v59;
	[tilespmem:s10+$0x14850] =	vst v0  }
0xd7: {  	[tilespmem:s10+$0x14860] =	vst v3;
	v1 =	vadd.f32 v62, v61  }
0xd8: {  	p0 =	seq.s32 s22, $0xB;
	[tilespmem:s10+$0x14870] =	vst v63  }
0xd9: {  	s11 =	simm.s32 @!p0 $0x8020;
	s8 =	sadd.s32 @!p0 $0x4B0, s13;
	[tilespmem:s10+$0x14880] =	vst v1;
	s10 =	simm.s32 @!p0 $0x50  }
0xda: {  	[tilespmem:s11], [sflag:$0x2] =	stream.indirect.gather @!p0 [hbm4b:s3+s10], $0x20, s8, s10, $0xb8;
	[tilespmem:$0x17A20] =	vst v63  }
0xdb: {  	s8 =	sadd.s32 @!p0 $0x2BC0, s13;
	s11 =	simm.s32 @!p0 $0xE420  }
0xdc: {  	[tilespmem:s11], [sflag:$0x2] =	stream.indirect.gather @!p0 [hbm4b:s4+s10], $0x20, s8, s10, $0xb8;
	[tilespmem:$0x17A20] =	vst v63  }
0xdd: {  	s8 =	sadd.s32 @!p0 $0x500, s13;
	s11 =	simm.s32 @!p0 $0x8A20  }
0xde: {  	[tilespmem:s11], [sflag:$0x2] =	stream.indirect.gather @!p0 [hbm4b:s3+s10], $0x20, s8, s10, $0xb8;
	[tilespmem:$0x17A20] =	vst v63  }
0xdf: {  	s8 =	sadd.s32 @!p0 $0x2C10, s13;
	s11 =	simm.s32 @!p0 $0xEE20  }
0xe0: {  	[tilespmem:s11], [sflag:$0x2] =	stream.indirect.gather @!p0 [hbm4b:s4+s10], $0x20, s8, s10, $0xb8;
	[tilespmem:$0x17A20] =	vst v63  }
0xe1: {  	s8 =	sadd.s32 @!p0 $0x550, s13;
	s11 =	simm.s32 @!p0 $0x9420  }
0xe2: {  	[tilespmem:s11], [sflag:$0x2] =	stream.indirect.gather @!p0 [hbm4b:s3+s10], $0x20, s8, s10, $0xb8;
	[tilespmem:$0x17A20] =	vst v63  }
0xe3: {  	s8 =	sadd.s32 @!p0 $0x2C60, s13;
	s11 =	simm.s32 @!p0 $0xF820  }
0xe4: {  	[tilespmem:s11], [sflag:$0x2] =	stream.indirect.gather @!p0 [hbm4b:s4+s10], $0x20, s8, s10, $0xb8;
	[tilespmem:$0x17A20] =	vst v63  }
0xe5: {  	s8 =	sadd.s32 @!p0 $0x5A0, s13;
	s11 =	simm.s32 @!p0 $0x9E20  }
0xe6: {  	[tilespmem:s11], [sflag:$0x2] =	stream.indirect.gather @!p0 [hbm4b:s3+s10], $0x20, s8, s10, $0xb8;
	[tilespmem:$0x17A20] =	vst v63  }
0xe7: {  	s8 =	sadd.s32 @!p0 $0x2CB0, s13;
	s11 =	simm.s32 @!p0 $0x10220  }
0xe8: {  	[tilespmem:s11], [sflag:$0x2] =	stream.indirect.gather @!p0 [hbm4b:s4+s10], $0x20, s8, s10, $0xb8;
	[tilespmem:$0x17A20] =	vst v63  }
0xe9: {  	s8 =	sadd.s32 @!p0 $0x5F0, s13;
	s11 =	simm.s32 @!p0 $0xA820  }
0xea: {  	[tilespmem:s11], [sflag:$0x2] =	stream.indirect.gather @!p0 [hbm4b:s3+s10], $0x20, s8, s10, $0xb8;
	[tilespmem:$0x17A20] =	vst v63  }
0xeb: {  	s22 =	sadd.s32 $0x1, s22;
	s8 =	sadd.s32 @!p0 $0x2D00, s13;
	s11 =	simm.s32 @!p0 $0x10C20  }
0xec: {  	[tilespmem:s11], [sflag:$0x2] =	stream.indirect.gather @!p0 [hbm4b:s4+s10], $0x20, s8, s10, $0xb8;
	[tilespmem:$0x17A20] =	vst v63  }
0xed: {  	p0 =	sne.s32 s22, $0xC  }
.Ltmp2:
0xee: {  	s7 =	sadd.s32 s7, s9;
	(pc) =	sbr.rel @p0 .LBB2_2-.Ltmp2, $4  }
0xef: {  	s7 =	sshll.u32 s7, $0x4  }
0xf0: {  	s7 =	sand.u32 $0x1FFFFFC0, s7  }
0xf1: {  	s7 =	sadd.s32 s5, s7  }
0xf2: {  	[hbm4b:s7+s2] =	stream.linear.scatter [tilespmem:s31], [sflag:$0x4], $0x3200, $0x38;
	[tilespmem:$0x17A20] =	vst v63  }
0xf3: {  	_ =	swait.ge [sflag:s1], $0x3200  }
0xf4: {  	[sflag:s1] =	ssyncset.done $0x0  }
0xf5: {  	[sflag:s1] =	ssyncadd.s32 $0xFFFFCE00  }
0xf6: {  	_ =	swait.ge [sflag:s24], $0x3200  }
0xf7: {  	[sflag:s24] =	ssyncset.done $0x0  }
0xf8: {  	[sflag:s24] =	ssyncadd.s32 $0xFFFFCE00  }
0xf9: {  	_ =	swait.ge [sflag:s24], $0x3200  }
0xfa: {  	[sflag:s24] =	ssyncset.done $0x0  }
0xfb: {  	s7 =	simm.s32 $0x0;
	[sflag:s24] =	ssyncadd.s32 $0xFFFFCE00  }
0xfc: {  	v0 =	vld [tilespmem:s7+$0x4E90]  }
0xfd: {  	v1 =	vld [tilespmem:s7+$0xB290]  }
0xfe: {  	v2 =	vld [tilespmem:s7+$0x4E20]  }
0xff: {  	v3 =	vld [tilespmem:s7+$0xB220]  }
0x100: {  	v4 =	vld [tilespmem:s7+$0x4E30]  }
0x101: {  	v5 =	vld [tilespmem:s7+$0xB230]  }
0x102: {  	v6 =	vld [tilespmem:s7+$0x4E40]  }
0x103: {  	v7 =	vld [tilespmem:s7+$0x4E50]  }
0x104: {  	v0 =	vadd.f32 v1, v0;
	v1 =	vld [tilespmem:s7+$0xB240]  }
0x105: {  	v8 =	vld [tilespmem:s7+$0xB250]  }
0x106: {  	v9 =	vld [tilespmem:s7+$0xB260];
	v2 =	vadd.f32 v3, v2  }
0x107: {  	[tilespmem:s7+$0x11690] =	vst v0;
	v0 =	vadd.f32 v5, v4;
	v5 =	vld [tilespmem:s7+$0x4E60]  }
0x108: {  	v3 =	vld [tilespmem:s7+$0xB270];
	[tilespmem:s7+$0x11620] =	vst v2  }
0x109: {  	v2 =	vld [tilespmem:s7+$0x4E70];
	[tilespmem:s7+$0x11630] =	vst v0;
	v0 =	vadd.f32 v1, v6  }
0x10a: {  	v4 =	vld [tilespmem:s7+$0xB280];
	v6 =	vadd.f32 v8, v7  }
0x10b: {  	s8 =	simm.s32 $0x80;
	[tilespmem:s7+$0x11640] =	vst v0;
	v0 =	vld [tilespmem:s7+$0x4E80]  }
0x10c: {  	s10 =	simm.s32 $0x400;
	v5 =	vadd.f32 v9, v5;
	v1 =	vld [tilespmem:s8+$0x4E90];
	[tilespmem:s7+$0x11650] =	vst v6  }
.LBB2_8:
0x10d: {  	p0 =	sne.s32 s10, $0xC600;
	v6 =	vld [tilespmem:s8+$0xB290]  }
0x10e: {  	v7 =	vld [tilespmem:s8+$0x4E20];
	[tilespmem:s7+$0x11660] =	vst v5;
	v2 =	vadd.f32 v3, v2  }
0x10f: {  	v3 =	vld [tilespmem:s8+$0xB220]  }
0x110: {  	v5 =	vld [tilespmem:s8+$0x4E30];
	[tilespmem:s7+$0x11670] =	vst v2;
	v0 =	vadd.f32 v4, v0  }
0x111: {  	v2 =	vld [tilespmem:s8+$0xB230]  }
0x112: {  	v4 =	vld [tilespmem:s8+$0x4E40];
	v1 =	vadd.f32 v6, v1;
	[tilespmem:s7+$0x11680] =	vst v0;
	s7 =	smov.u32 s8  }
0x113: {  	v0 =	vld [tilespmem:s7+$0xB240]  }
0x114: {  	v3 =	vadd.f32 v3, v7;
	v6 =	vld [tilespmem:s7+$0x4E50];
	[tilespmem:s7+$0x11690] =	vst v1  }
0x115: {  	v1 =	vld [tilespmem:s7+$0xB250]  }
0x116: {  	[tilespmem:s7+$0x11620] =	vst v3;
	v2 =	vadd.f32 v2, v5;
	v5 =	vld [tilespmem:s7+$0x4E60]  }
0x117: {  	v7 =	vld [tilespmem:s7+$0xB260]  }
.Ltmp3:
0x118: {  	[tilespmem:s7+$0x11630] =	vst v2;
	v0 =	vadd.f32 v0, v4;
	v2 =	vld [tilespmem:s7+$0x4E70];
	(pc) =	sbr.rel @p0 .LBB2_8-.Ltmp3, $4  }
0x119: {  	v3 =	vld [tilespmem:s7+$0xB270]  }
0x11a: {  	[tilespmem:s7+$0x11640] =	vst v0;
	v6 =	vadd.f32 v1, v6;
	v0 =	vld [tilespmem:s7+$0x4E80]  }
0x11b: {  	s8 =	sshra.s32 s10, $0x2;
	v4 =	vld [tilespmem:s7+$0xB280]  }
0x11c: {  	s10 =	sadd.s32 $0x200, s10;
	v1 =	vld [tilespmem:s8+$0x4E90];
	[tilespmem:s7+$0x11650] =	vst v6;
	v5 =	vadd.f32 v7, v5  }
0x11d: {  	v6 =	vld [tilespmem:s8+$0xB290]  }
0x11e: {  	v7 =	vld [tilespmem:s8+$0x4E20];
	[tilespmem:s7+$0x11660] =	vst v5;
	v2 =	vadd.f32 v3, v2  }
0x11f: {  	v51 =	vld [tilespmem:s8+$0xB220]  }
0x120: {  	v5 =	vld [tilespmem:s8+$0x4E30];
	[tilespmem:s7+$0x11670] =	vst v2;
	v0 =	vadd.f32 v4, v0  }
0x121: {  	v2 =	vld [tilespmem:s8+$0xB230]  }
0x122: {  	v52 =	vld [tilespmem:s8+$0x4E40];
	[tilespmem:s7+$0x11680] =	vst v0  }
0x123: {  	v54 =	vld [tilespmem:s8+$0xB240]  }
0x124: {  	v55 =	vld [tilespmem:s8+$0x4E50]  }
0x125: {  	v56 =	vld [tilespmem:s8+$0xB250]  }
0x126: {  	v57 =	vld [tilespmem:s8+$0x4E60]  }
0x127: {  	v58 =	vld [tilespmem:s8+$0xB260]  }
0x128: {  	v59 =	vld [tilespmem:s8+$0x4E70]  }
0x129: {  	v53 =	vadd.f32 v6, v1;
	v60 =	vld [tilespmem:s8+$0xB270]  }
0x12a: {  	v61 =	vld [tilespmem:s8+$0x4E80];
	v3 =	vadd.f32 v51, v7  }
0x12b: {  	v62 =	vld [tilespmem:s8+$0xB280];
	[tilespmem:s8+$0x11690] =	vst v53;
	v2 =	vadd.f32 v2, v5  }
0x12c: {  	[tilespmem:s8+$0x11620] =	vst v3;
	v1 =	vadd.f32 v54, v52  }
0x12d: {  	[tilespmem:s8+$0x11630] =	vst v2;
	v0 =	vadd.f32 v56, v55  }
0x12e: {  	v3 =	vadd.f32 v58, v57;
	[tilespmem:s8+$0x11640] =	vst v1  }
0x12f: {  	v63 =	vadd.f32 v60, v59;
	[tilespmem:s8+$0x11650] =	vst v0  }
0x130: {  	[tilespmem:s8+$0x11660] =	vst v3;
	v1 =	vadd.f32 v62, v61  }
0x131: {  	[tilespmem:s8+$0x11670] =	vst v63  }
0x132: {  	s13 =	rddreg [dreg:$0x4];
	[tilespmem:s8+$0x11680] =	vst v1  }
0x133: {  	[hbm4b:s13+s2] =	stream.linear.scatter [tilespmem:s26], [sflag:$0x3], $0x3200, $0x38;
	[tilespmem:$0x17A20] =	vst v63  }
0x134: {  	_ =	swait.ge [sflag:s18], $0x3200  }
0x135: {  	[sflag:s18] =	ssyncset.done $0x0  }
0x136: {  	[sflag:s18] =	ssyncadd.s32 $0xFFFFCE00  }
0x137: {  	_ =	swait.ge [sflag:s1], $0x3200  }
0x138: {  	s20 =	sadd.s32 $0x1, s20;
	s22 =	rddreg [dreg:$0x5]  }
0x139: {  	p0 =	sne.s32 s20, s22  }
.Ltmp4:
0x13a: {  	_ = 	snop;
	(pc) =	sbr.rel @p0 .LBB2_1-.Ltmp4, $3  }
0x13b: {  	_ =	sdelay $0x1  }
0x13c: {  	[sflag:s1] =	ssyncset.done $0x0  }
0x13d: {  	[sflag:s1] =	ssyncadd.s32 $0xFFFFCE00  }
0x13e: {  	_ =	sfence.sel $0x180000  }
0x13f: {  	[bflag:$0x0] =	sbarrier.arrive $0xFFFF  }
0x140: {  	_ =	strace $0x90000047  }
0x141: {  	s0 =	stileid.u32;
	[bflag:$0x2] =	sbarrier.arrive $0xFFFF  }
0x142: {  	p0 =	sne.s32 s0, $0x0;
	s0 =	rddreg [dreg:$0x1]  }
0x143: {  	s0 =	sadd.s32 @!p0 $0x100000, s0  }
0x144: {  	[sflag:s0] =	ssyncadd.tile.s32 @!p0 $0x1;
	_ =	shalt  }
.Lfunc_end2:
_tile_overlayer_lowered:
.L_overlay_start_2:
0x145: {  	(tag) =	ssettag $0x2  }
0x146: {  	s0 =	rddreg [dreg:$0x0];
	s2 =	stileid.u32  }
0x147: {  	s1 =	rddreg [dreg:$0x1];
	p0 =	sne.s32 s2, $0x0  }
0x148: {  	s3 =	rddreg [dreg:$0x2];
	[bflag:$0x3] =	sbarrier.arrive $0xFFFF;
	s2 =	simm.s32 @!p0 $0x1C05  }
0x149: {  	[timem:s3], [sflag:s2] =	dma.local @!p0 [hbm:s0], s1  }
0x14a: {  	s0 =	simm.s32 @!p0 $0x5  }
0x14b: {  	_ =	swait.ge @!p0 [sflag:s0], s1  }
0x14c: {  	s1 =	ssub.s32 @!p0 $0x0, s1;
	[sflag:s0] =	ssyncset.done @!p0 $0x0  }
0x14d: {  	[sflag:s0] =	ssyncadd.s32 @!p0 s1  }
0x14e: {  	[bflag:$0x3] =	sbarrier.arrive $0xFFFF  }
0x14f: {  	_ =	shalt  }

</sc_bundles>
